<compile_context>
chip_gen: v7x
topology: tpu7x:2x2x1
jax: 0.10.2.dev20260603
libtpu: 0.0.44.dev20260713+nightly
codegen_flags: <defaults>
</compile_context>

<pallas_src>
import functools

import jax
import jax.numpy as jnp
from jax import lax
from jax.experimental import pallas as pl
from jax.experimental.pallas import tpu as pltpu
from jax.experimental.pallas import tpu_sc as plsc

N_NODES = 10000
IN_FEATS = 256
NUM_HEADS = 4
OUT_FEATS = 128
N_EDGES = 160000
NEG_SLOPE = 0.2
HD = NUM_HEADS * OUT_FEATS

NP = 10240
EP = 160256
CH = EP // 8
CE = 5008
NC = 2
NS = 16
NW = NC * NS
L = 16

def _mesh():
    return plsc.VectorSubcoreMesh(core_axis_name="c", subcore_axis_name="s",
                                  num_cores=NC, num_subcores=NS)


def _proj_body(featT_ref, wT_ref, A_ref, fspk_ref, eT_ref):
    fsT = jnp.dot(wT_ref[...], featT_ref[...],
                  preferred_element_type=jnp.float32)
    eT_ref[...] = lax.dot_general(
        A_ref[...], fsT, (((0,), (0,)), ((), ())),
        preferred_element_type=jnp.float32)
    u = lax.bitcast_convert_type(fsT, jnp.uint32)
    r = (u + 0x7FFF + ((u >> 16) & 1)) >> 16
    lo = lax.slice(r, (0, 0), (HD // 2, r.shape[1]), (1, 1))
    hi = lax.slice(r, (HD // 2, 0), r.shape, (1, 1))
    fspk_ref[...] = lax.bitcast_convert_type(lo | (hi << 16), jnp.int32)


def _project(featT_p, W_fcT, A):
    BN = 1024
    return pl.pallas_call(
        _proj_body,
        grid=(NP // BN,),
        in_specs=[
            pl.BlockSpec((IN_FEATS, BN), lambda i: (0, i)),
            pl.BlockSpec((HD, IN_FEATS), lambda i: (0, 0)),
            pl.BlockSpec((HD, 8), lambda i: (0, 0)),
        ],
        out_specs=[
            pl.BlockSpec((HD // 2, BN), lambda i: (0, i)),
            pl.BlockSpec((8, BN), lambda i: (0, i)),
        ],
        out_shape=[
            jax.ShapeDtypeStruct((HD // 2, NP), jnp.int32),
            jax.ShapeDtypeStruct((8, NP), jnp.float32),
        ],
    )(featT_p, W_fcT, A)


@functools.cache
def _edge_exp_kernel():
    return pl.kernel(
        _edge_exp_body,
        out_type=[
            jax.ShapeDtypeStruct((NUM_HEADS * EP,), jnp.float32),
            jax.ShapeDtypeStruct((8 * NUM_HEADS * NP,), jnp.float32),
        ],
        mesh=_mesh(),
        compiler_params=pltpu.CompilerParams(use_tc_tiling_on_sc=False, needs_layout_passes=False),
        scratch_types=[
            pltpu.VMEM((NP,), jnp.float32),
            pltpu.VMEM((NP,), jnp.float32),
            pltpu.VMEM((NP,), jnp.float32),
            pltpu.VMEM((CH,), jnp.int32),
            pltpu.VMEM((CH,), jnp.float32),
        ],
    )


def _edge_exp_body(eT, edgepk, exT, esum_parts,
              el_row, er_row, esum_row, pkb, exb):
    w = lax.axis_index("s") * NC + lax.axis_index("c")
    h = w // 8
    j = w % 8
    pltpu.sync_copy(eT.at[pl.ds(h * NP, NP)], el_row)
    pltpu.sync_copy(eT.at[pl.ds((h + 4) * NP, NP)], er_row)
    pltpu.sync_copy(edgepk.at[pl.ds(j * CH, CH)], pkb)

    zeros = jnp.zeros((L,), jnp.float32)

    @plsc.parallel_loop(0, NP, L, unroll=8)
    def _zero(off):
        esum_row[pl.ds(off, L)] = zeros

    @plsc.parallel_loop(0, CH, L, unroll=8)
    def _edges(off):
        pk = pkb[pl.ds(off, L)]
        sv = pk & 0x3FFF
        dv = lax.shift_right_logical(pk, 14)
        ev = plsc.load_gather(el_row, [sv]) + plsc.load_gather(er_row, [dv])
        ev = jnp.maximum(ev, NEG_SLOPE * ev)
        xv = jnp.exp(ev)
        exb[pl.ds(off, L)] = xv
        plsc.addupdate_scatter(esum_row, [dv], xv)

    pltpu.sync_copy(exb, exT.at[pl.ds(h * EP + j * CH, CH)])
    pltpu.sync_copy(esum_row, esum_parts.at[pl.ds((j * NUM_HEADS + h) * NP, NP)])


def _recip_body(parts_ref, out_ref):
    s = jnp.sum(parts_ref[...], axis=0)
    out_ref[0, :] = 1.0 / (s + 1e-9)


def _esum_recip(parts2d):
    BN = 2048
    return pl.pallas_call(
        _recip_body,
        grid=((NUM_HEADS * NP) // BN,),
        in_specs=[pl.BlockSpec((8, BN), lambda i: (0, i))],
        out_specs=pl.BlockSpec((1, BN), lambda i: (0, i)),
        out_shape=jax.ShapeDtypeStruct((1, NUM_HEADS * NP), jnp.float32),
    )(parts2d)


@functools.cache
def _alpha_kernel():
    return pl.kernel(
        _alpha_body,
        out_type=jax.ShapeDtypeStruct((NUM_HEADS * EP,), jnp.float32),
        mesh=_mesh(),
        compiler_params=pltpu.CompilerParams(use_tc_tiling_on_sc=False, needs_layout_passes=False),
        scratch_types=[
            pltpu.VMEM((NP,), jnp.float32),
            pltpu.VMEM((CH,), jnp.int32),
            pltpu.VMEM((CH,), jnp.float32),
            pltpu.VMEM((CH,), jnp.float32),
        ],
    )


def _alpha_body(recipT, edgepk, exT, alphaT, recip_row, pkb, exb, alphab):
    w = lax.axis_index("s") * NC + lax.axis_index("c")
    h = w // 8
    j = w % 8
    pltpu.sync_copy(recipT.at[pl.ds(h * NP, NP)], recip_row)
    pltpu.sync_copy(edgepk.at[pl.ds(j * CH, CH)], pkb)
    pltpu.sync_copy(exT.at[pl.ds(h * EP + j * CH, CH)], exb)

    lanes = lax.iota(jnp.int32, L)
    gbase = j * CH

    @plsc.parallel_loop(0, CH, L, unroll=8)
    def _alpha_loop(off):
        dv = lax.shift_right_logical(pkb[pl.ds(off, L)], 14)
        av = exb[pl.ds(off, L)] * plsc.load_gather(recip_row, [dv])
        valid = (gbase + off + lanes) < N_EDGES
        alphab[pl.ds(off, L)] = jnp.where(valid, av, 0.0)
    pltpu.sync_copy(alphab, alphaT.at[pl.ds(h * EP + j * CH, CH)])


NR = N_NODES


@functools.cache
def _messages_kernel():
    scratch = (
        [pltpu.VMEM((NR,), jnp.int32) for _ in range(4)]
        + [pltpu.VMEM((NR,), jnp.float32) for _ in range(8)]
        + [
            pltpu.VMEM((CE,), jnp.int32),
            pltpu.VMEM((CE,), jnp.float32),
        ]
        + [pltpu.SemaphoreType.DMA for _ in range(2)]
    )
    return pl.kernel(
        _messages_body,
        out_type=jax.ShapeDtypeStruct((HD * NR,), jnp.float32),
        mesh=_mesh(),
        compiler_params=pltpu.CompilerParams(use_tc_tiling_on_sc=False, needs_layout_passes=False),
        scratch_types=scratch,
    )


def _messages_body(fspk, edgepk, alphaT, rstT,
              f0, f1, f2, f3, o0, o1, o2, o3, o4, o5, o6, o7, pkb, alphab,
              sem0, sem1):
    w = lax.axis_index("s") * NC + lax.axis_index("c")
    frows = (f0, f1, f2, f3)
    orows = (o0, o1, o2, o3, o4, o5, o6, o7)
    zeros = jnp.zeros((L,), jnp.float32)
    mhi = jnp.full((L,), -65536, jnp.int32)

    for t in range(2):
        base_pr = t * 128 + 4 * w
        hh = 2 * t + w // 16
        for q in range(4):
            pltpu.sync_copy(fspk.at[pl.ds((base_pr + q) * NP, NR)], frows[q])

        @plsc.parallel_loop(0, NR - NR % (8 * L), L, unroll=8)
        def _zero(off):
            for q in range(8):
                orows[q][pl.ds(off, L)] = zeros

        for q in range(8):
            orows[q][pl.ds(NR - NR % (8 * L), L)] = zeros

        def chunk_body(ci, _):
            c0 = pltpu.async_copy(edgepk.at[pl.ds(ci * CE, CE)], pkb, sem0)
            c1 = pltpu.async_copy(
                alphaT.at[pl.ds(hh * EP + ci * CE, CE)], alphab, sem1)
            c0.wait()
            c1.wait()

            @plsc.parallel_loop(0, CE, L, unroll=8)
            def _msg(off):
                pk = pkb[pl.ds(off, L)]
                sv = pk & 0x3FFF
                dv = lax.shift_right_logical(pk, 14)
                av = alphab[pl.ds(off, L)]
                for q in range(4):
                    g = plsc.load_gather(frows[q], [sv])
                    flo = plsc.bitcast(lax.shift_left(g, 16), jnp.float32)
                    fhi = plsc.bitcast(g & mhi, jnp.float32)
                    plsc.addupdate_scatter(orows[2 * q], [dv], flo * av)
                    plsc.addupdate_scatter(orows[2 * q + 1], [dv], fhi * av)

            return 0

        lax.fori_loop(0, EP // CE, chunk_body, 0)

        for q in range(8):
            row = 2 * (base_pr + q // 2) + q % 2
            pltpu.sync_copy(orows[q], rstT.at[pl.ds(row * NR, NR)])


def kernel(feat, edge_index, label, W_fc, attn_l, attn_r):
    f32 = jnp.float32
    featT_p = jnp.pad(feat.T.astype(f32), ((0, 0), (0, NP - N_NODES)))
    W_fcT = W_fc.T.astype(f32)

    didx = jnp.arange(HD)[:, None] // OUT_FEATS
    cols = jnp.arange(8)[None, :]
    al_flat = attn_l.reshape(HD, 1)
    ar_flat = attn_r.reshape(HD, 1)
    A = jnp.where(didx == cols % NUM_HEADS,
                  jnp.where(cols >= NUM_HEADS, ar_flat, al_flat), 0.0)

    def _even_odd(m):
        return m.reshape(HD // 2, 2, m.shape[1]).transpose(1, 0, 2).reshape(
            HD, m.shape[1])

    fspk, eT = _project(featT_p, _even_odd(W_fcT), _even_odd(A))

    pad_idx = jnp.full((EP - N_EDGES,), NP - 1, jnp.int32)
    srcp = jnp.concatenate([edge_index[0].astype(jnp.int32), pad_idx])
    dstp = jnp.concatenate([edge_index[1].astype(jnp.int32), pad_idx])
    edgepk = srcp | (dstp << 14)
    pk_real = (edge_index[0].astype(jnp.int32)
               | (edge_index[1].astype(jnp.int32) << 14))
    edgepk4 = jnp.concatenate(
        [pk_real, jnp.zeros((EP - N_EDGES,), jnp.int32)])

    exT, esum_parts = _edge_exp_kernel()(eT.reshape(8 * NP), edgepk)
    recipT = _esum_recip(esum_parts.reshape(8, NUM_HEADS * NP))
    alphaT = _alpha_kernel()(recipT.reshape(NUM_HEADS * NP), edgepk, exT)
    rstT = _messages_kernel()(fspk.reshape((HD // 2) * NP), edgepk4, alphaT)

    rst = rstT.reshape(NUM_HEADS, OUT_FEATS, N_NODES)
    rst = rst.transpose(2, 0, 1)
    Lg = jnp.array(0, dtype=jnp.int32)
    return rst, Lg

# --- scband reference (transcript-rebuilt; emitter-appended) ---
"""Pipeline reference for scband-gatconv-72378788872284 (READ-ONLY COPY).

The authoritative reference and input builder live on the scoring server;
editing this copy changes nothing except your own understanding.
"""

import jax, jax.numpy as jnp
import numpy as np

N_NODES = 10000
IN_FEATS = 256
NUM_HEADS = 4
OUT_FEATS = 128
N_EDGES = 160000
NEG_SLOPE = 0.2


def setup_inputs(seed: int = 0) -> dict:
    key = jax.random.key(seed)
    k1, k2, k3, k4, k5, k6 = jax.random.split(key, 6)
    feat = jax.random.normal(k1, (N_NODES, IN_FEATS), dtype=jnp.float32)
    edge_index = jax.random.randint(k2, (2, N_EDGES), 0, N_NODES, dtype=jnp.int64)
    label = jax.random.randint(k3, (N_NODES,), 0, 40, dtype=jnp.int64)
    # parameters (xavier-normal-ish scaling)
    gain = float(np.sqrt(2.0))
    std_fc = gain * float(np.sqrt(2.0 / (IN_FEATS + NUM_HEADS * OUT_FEATS)))
    W_fc = jax.random.normal(k4, (IN_FEATS, NUM_HEADS * OUT_FEATS), dtype=jnp.float32) * std_fc
    std_a = gain * float(np.sqrt(2.0 / (1 + OUT_FEATS)))
    attn_l = jax.random.normal(k5, (1, NUM_HEADS, OUT_FEATS), dtype=jnp.float32) * std_a
    attn_r = jax.random.normal(k6, (1, NUM_HEADS, OUT_FEATS), dtype=jnp.float32) * std_a
    return {"feat": feat, "edge_index": edge_index, "label": label,
            "W_fc": W_fc, "attn_l": attn_l, "attn_r": attn_r}


def reference(feat, edge_index, label, W_fc, attn_l, attn_r):
    # GATConv forward with graph_margin=None, class_margin=None (loss branches disabled),
    # edge_drop=0, dropout=0 (eval), no residual, no symmetric norm, no activation.
    N = feat.shape[0]
    # feat_src = fc(h_src).view(-1, H, D)
    feat_src = (feat @ W_fc).reshape(N, NUM_HEADS, OUT_FEATS)
    feat_dst = feat_src
    # el/er attention logits
    el = jnp.sum(feat_src * attn_l, axis=-1)  # [N, H]
    er = jnp.sum(feat_dst * attn_r, axis=-1)  # [N, H]
    src = edge_index[0]
    dst = edge_index[1]
    # e = leaky_relu(el[u] + er[v]) per edge
    e = el[src] + er[dst]  # [E, H]
    e = jnp.where(e >= 0, e, NEG_SLOPE * e)
    # edge softmax over incoming edges of each dst node
    emax = jax.ops.segment_max(e, dst, num_segments=N)  # [N, H]
    emax = jnp.where(jnp.isfinite(emax), emax, 0.0)
    ex = jnp.exp(e - emax[dst])
    esum = jax.ops.segment_sum(ex, dst, num_segments=N)  # [N, H]
    alpha = ex / (esum[dst] + 1e-9)  # [E, H]
    # message passing: sum_v alpha_uv * feat_src[u]
    msg = feat_src[src] * alpha[:, :, None]  # [E, H, D]
    rst = jax.ops.segment_sum(msg, dst, num_segments=N)  # [N, H, D]
    Lg = jnp.array(0, dtype=jnp.int32)
    return rst, Lg

if __name__ == "__main__":
    import jax
    _d = setup_inputs()
    print(jax.jit(kernel)(*tuple(_d.values())))

</pallas_src>

<mosaic_0001>
#map = affine_map<(d0, d1) -> (0)>
module attributes {stable_mosaic.version = 14 : i64} {
  func.func @_messages_body(%arg0: i32, %arg1: i32, %arg2: memref<2621440xi32, #tpu.memory_space<hbm>>, %arg3: memref<160256xi32, #tpu.memory_space<hbm>>, %arg4: memref<641024xf32, #tpu.memory_space<hbm>>, %arg5: memref<5120000xf32, #tpu.memory_space<hbm>>, %arg6: memref<10000xi32, #tpu.memory_space<vmem>>, %arg7: memref<10000xi32, #tpu.memory_space<vmem>>, %arg8: memref<10000xi32, #tpu.memory_space<vmem>>, %arg9: memref<10000xi32, #tpu.memory_space<vmem>>, %arg10: memref<10000xf32, #tpu.memory_space<vmem>>, %arg11: memref<10000xf32, #tpu.memory_space<vmem>>, %arg12: memref<10000xf32, #tpu.memory_space<vmem>>, %arg13: memref<10000xf32, #tpu.memory_space<vmem>>, %arg14: memref<10000xf32, #tpu.memory_space<vmem>>, %arg15: memref<10000xf32, #tpu.memory_space<vmem>>, %arg16: memref<10000xf32, #tpu.memory_space<vmem>>, %arg17: memref<10000xf32, #tpu.memory_space<vmem>>, %arg18: memref<5008xi32, #tpu.memory_space<vmem>>, %arg19: memref<5008xf32, #tpu.memory_space<vmem>>, %arg20: memref<!tpu.dma_semaphore, #tpu.memory_space<semaphore_mem>>, %arg21: memref<!tpu.dma_semaphore, #tpu.memory_space<semaphore_mem>>) attributes {dimension_semantics = [#tpu.dimension_semantics<core_parallel>, #tpu.dimension_semantics<subcore_parallel>], iteration_bounds = array<i64: 2, 16>, scalar_prefetch = 0 : i64, scratch_operands = 16 : i64, tpu.core_type = #tpu.core_type<sc_vector_subcore>, window_params = [{transform_indices = #map}, {transform_indices = #map}, {transform_indices = #map}, {transform_indices = #map}]} {
    %mul3A = arith.constant 2 : i32
    %mul3A_0 = arith.muli %arg1, %mul3A : i32
    %add3A = arith.addi %mul3A_0, %arg0 : i32
    %broadcast_in_dim3A = arith.constant 0.000000e+00 : f32
    %broadcast_in_dim3A_1 = vector.broadcast %broadcast_in_dim3A : f32 to vector<16xf32>
    %broadcast_in_dim3A_2 = arith.constant -65536 : i32
    %broadcast_in_dim3A_3 = vector.broadcast %broadcast_in_dim3A_2 : i32 to vector<16xi32>
    %mul3A_4 = arith.constant 4 : i32
    %mul3A_5 = arith.muli %mul3A_4, %add3A : i32
    %add3A_6 = arith.constant 0 : i32
    %add3A_7 = arith.addi %add3A_6, %mul3A_5 : i32
    %jit3A = arith.constant 16 : i32
    %div3A = arith.divsi %add3A, %jit3A : i32
    %sign3A = arith.constant 0 : i32
    %sign3A_8 = arith.cmpi sgt, %add3A, %sign3A : i32
    %sign3A_9 = arith.extui %sign3A_8 : i1 to i32
    %sign3A_10 = arith.constant 0 : i32
    %sign3A_11 = arith.cmpi slt, %add3A, %sign3A_10 : i32
    %sign3A_12 = arith.extui %sign3A_11 : i1 to i32
    %sign3A_13 = arith.subi %sign3A_9, %sign3A_12 : i32
    %sign3A_14 = arith.constant 0 : i32
    %sign3A_15 = arith.cmpi sgt, %jit3A, %sign3A_14 : i32
    %sign3A_16 = arith.extui %sign3A_15 : i1 to i32
    %sign3A_17 = arith.constant 0 : i32
    %sign3A_18 = arith.cmpi slt, %jit3A, %sign3A_17 : i32
    %sign3A_19 = arith.extui %sign3A_18 : i1 to i32
    %sign3A_20 = arith.subi %sign3A_16, %sign3A_19 : i32
    %ne3A = arith.cmpi ne, %sign3A_13, %sign3A_20 : i32
    %rem3A = arith.remsi %add3A, %jit3A : i32
    %ne3A_21 = arith.constant 0 : i32
    %ne3A_22 = arith.cmpi ne, %rem3A, %ne3A_21 : i32
    %and3A = arith.andi %ne3A, %ne3A_22 : i1
    %sub3A = arith.constant 1 : i32
    %sub3A_23 = arith.subi %div3A, %sub3A : i32
    %select_n3A = arith.select %and3A, %sub3A_23, %div3A : i32
    %add3A_24 = arith.constant 0 : i32
    %add3A_25 = arith.addi %add3A_24, %select_n3A : i32
    %add3A_26 = arith.constant 0 : i32
    %add3A_27 = arith.addi %add3A_7, %add3A_26 : i32
    %mul3A_28 = arith.constant 10240 : i32
    %mul3A_29 = arith.muli %add3A_27, %mul3A_28 : i32
    "tpu.region"() ({
      %run_scoped3A = tpu.sem_alloc : memref<!tpu.dma_semaphore, #tpu.memory_space<semaphore_mem>>
      %dma_start3A = tpu.memref_slice %arg2[%mul3A_29] : memref<2621440xi32, #tpu.memory_space<hbm>> -> memref<10000xi32, #tpu.memory_space<hbm>>
      %dma_start3A_265 = tpu.memref_slice %arg2[%mul3A_29] : memref<2621440xi32, #tpu.memory_space<hbm>> -> memref<10000xi32, #tpu.memory_space<hbm>>
      tpu.enqueue_dma source(%dma_start3A_265 : memref<10000xi32, #tpu.memory_space<hbm>>) target(%arg6 : memref<10000xi32, #tpu.memory_space<vmem>>) target_semaphore(%run_scoped3A : memref<!tpu.dma_semaphore, #tpu.memory_space<semaphore_mem>>)
      %dma_wait3A = tpu.memref_slice %arg2[%mul3A_29] : memref<2621440xi32, #tpu.memory_space<hbm>> -> memref<10000xi32, #tpu.memory_space<hbm>>
      %dma_wait3A_266 = tpu.memref_slice %arg2[%mul3A_29] : memref<2621440xi32, #tpu.memory_space<hbm>> -> memref<10000xi32, #tpu.memory_space<hbm>>
      tpu.wait_dma2 semaphore(%run_scoped3A : memref<!tpu.dma_semaphore, #tpu.memory_space<semaphore_mem>>) src(%dma_wait3A_266 : memref<10000xi32, #tpu.memory_space<hbm>>) dst(%arg6 : memref<10000xi32, #tpu.memory_space<vmem>>)
      tpu.yield
    }) : () -> ()
    %add3A_30 = arith.constant 1 : i32
    %add3A_31 = arith.addi %add3A_7, %add3A_30 : i32
    %mul3A_32 = arith.constant 10240 : i32
    %mul3A_33 = arith.muli %add3A_31, %mul3A_32 : i32
    "tpu.region"() ({
      %run_scoped3A = tpu.sem_alloc : memref<!tpu.dma_semaphore, #tpu.memory_space<semaphore_mem>>
      %dma_start3A = tpu.memref_slice %arg2[%mul3A_33] : memref<2621440xi32, #tpu.memory_space<hbm>> -> memref<10000xi32, #tpu.memory_space<hbm>>
      %dma_start3A_265 = tpu.memref_slice %arg2[%mul3A_33] : memref<2621440xi32, #tpu.memory_space<hbm>> -> memref<10000xi32, #tpu.memory_space<hbm>>
      tpu.enqueue_dma source(%dma_start3A_265 : memref<10000xi32, #tpu.memory_space<hbm>>) target(%arg7 : memref<10000xi32, #tpu.memory_space<vmem>>) target_semaphore(%run_scoped3A : memref<!tpu.dma_semaphore, #tpu.memory_space<semaphore_mem>>)
      %dma_wait3A = tpu.memref_slice %arg2[%mul3A_33] : memref<2621440xi32, #tpu.memory_space<hbm>> -> memref<10000xi32, #tpu.memory_space<hbm>>
      %dma_wait3A_266 = tpu.memref_slice %arg2[%mul3A_33] : memref<2621440xi32, #tpu.memory_space<hbm>> -> memref<10000xi32, #tpu.memory_space<hbm>>
      tpu.wait_dma2 semaphore(%run_scoped3A : memref<!tpu.dma_semaphore, #tpu.memory_space<semaphore_mem>>) src(%dma_wait3A_266 : memref<10000xi32, #tpu.memory_space<hbm>>) dst(%arg7 : memref<10000xi32, #tpu.memory_space<vmem>>)
      tpu.yield
    }) : () -> ()
    %add3A_34 = arith.constant 2 : i32
    %add3A_35 = arith.addi %add3A_7, %add3A_34 : i32
    %mul3A_36 = arith.constant 10240 : i32
    %mul3A_37 = arith.muli %add3A_35, %mul3A_36 : i32
    "tpu.region"() ({
      %run_scoped3A = tpu.sem_alloc : memref<!tpu.dma_semaphore, #tpu.memory_space<semaphore_mem>>
      %dma_start3A = tpu.memref_slice %arg2[%mul3A_37] : memref<2621440xi32, #tpu.memory_space<hbm>> -> memref<10000xi32, #tpu.memory_space<hbm>>
      %dma_start3A_265 = tpu.memref_slice %arg2[%mul3A_37] : memref<2621440xi32, #tpu.memory_space<hbm>> -> memref<10000xi32, #tpu.memory_space<hbm>>
      tpu.enqueue_dma source(%dma_start3A_265 : memref<10000xi32, #tpu.memory_space<hbm>>) target(%arg8 : memref<10000xi32, #tpu.memory_space<vmem>>) target_semaphore(%run_scoped3A : memref<!tpu.dma_semaphore, #tpu.memory_space<semaphore_mem>>)
      %dma_wait3A = tpu.memref_slice %arg2[%mul3A_37] : memref<2621440xi32, #tpu.memory_space<hbm>> -> memref<10000xi32, #tpu.memory_space<hbm>>
      %dma_wait3A_266 = tpu.memref_slice %arg2[%mul3A_37] : memref<2621440xi32, #tpu.memory_space<hbm>> -> memref<10000xi32, #tpu.memory_space<hbm>>
      tpu.wait_dma2 semaphore(%run_scoped3A : memref<!tpu.dma_semaphore, #tpu.memory_space<semaphore_mem>>) src(%dma_wait3A_266 : memref<10000xi32, #tpu.memory_space<hbm>>) dst(%arg8 : memref<10000xi32, #tpu.memory_space<vmem>>)
      tpu.yield
    }) : () -> ()
    %add3A_38 = arith.constant 3 : i32
    %add3A_39 = arith.addi %add3A_7, %add3A_38 : i32
    %mul3A_40 = arith.constant 10240 : i32
    %mul3A_41 = arith.muli %add3A_39, %mul3A_40 : i32
    "tpu.region"() ({
      %run_scoped3A = tpu.sem_alloc : memref<!tpu.dma_semaphore, #tpu.memory_space<semaphore_mem>>
      %dma_start3A = tpu.memref_slice %arg2[%mul3A_41] : memref<2621440xi32, #tpu.memory_space<hbm>> -> memref<10000xi32, #tpu.memory_space<hbm>>
      %dma_start3A_265 = tpu.memref_slice %arg2[%mul3A_41] : memref<2621440xi32, #tpu.memory_space<hbm>> -> memref<10000xi32, #tpu.memory_space<hbm>>
      tpu.enqueue_dma source(%dma_start3A_265 : memref<10000xi32, #tpu.memory_space<hbm>>) target(%arg9 : memref<10000xi32, #tpu.memory_space<vmem>>) target_semaphore(%run_scoped3A : memref<!tpu.dma_semaphore, #tpu.memory_space<semaphore_mem>>)
      %dma_wait3A = tpu.memref_slice %arg2[%mul3A_41] : memref<2621440xi32, #tpu.memory_space<hbm>> -> memref<10000xi32, #tpu.memory_space<hbm>>
      %dma_wait3A_266 = tpu.memref_slice %arg2[%mul3A_41] : memref<2621440xi32, #tpu.memory_space<hbm>> -> memref<10000xi32, #tpu.memory_space<hbm>>
      tpu.wait_dma2 semaphore(%run_scoped3A : memref<!tpu.dma_semaphore, #tpu.memory_space<semaphore_mem>>) src(%dma_wait3A_266 : memref<10000xi32, #tpu.memory_space<hbm>>) dst(%arg9 : memref<10000xi32, #tpu.memory_space<vmem>>)
      tpu.yield
    }) : () -> ()
    %parallel_loop3A = arith.constant 0 : i32
    %parallel_loop3A_42 = arith.constant 9984 : i32
    %parallel_loop3A_43 = arith.constant 16 : i32
    scf.for %parallel_loop3A_265 = %parallel_loop3A to %parallel_loop3A_42 step %parallel_loop3A_43  : i32 {
      %parallel_loop3A_266 = arith.index_cast %parallel_loop3A_265 : i32 to index
      %parallel_loop3A_267 = tpu.vector_load %arg10[%parallel_loop3A_266] {strides = array<i32>} : memref<10000xf32, #tpu.memory_space<vmem>>, vector<16xf32>,
      tpu.vector_store %arg10[%parallel_loop3A_266], %broadcast_in_dim3A_1 {strides = array<i32>} : memref<10000xf32, #tpu.memory_space<vmem>>, vector<16xf32>,
      %parallel_loop3A_268 = arith.index_cast %parallel_loop3A_265 : i32 to index
      %parallel_loop3A_269 = tpu.vector_load %arg11[%parallel_loop3A_268] {strides = array<i32>} : memref<10000xf32, #tpu.memory_space<vmem>>, vector<16xf32>,
      tpu.vector_store %arg11[%parallel_loop3A_268], %broadcast_in_dim3A_1 {strides = array<i32>} : memref<10000xf32, #tpu.memory_space<vmem>>, vector<16xf32>,
      %parallel_loop3A_270 = arith.index_cast %parallel_loop3A_265 : i32 to index
      %parallel_loop3A_271 = tpu.vector_load %arg12[%parallel_loop3A_270] {strides = array<i32>} : memref<10000xf32, #tpu.memory_space<vmem>>, vector<16xf32>,
      tpu.vector_store %arg12[%parallel_loop3A_270], %broadcast_in_dim3A_1 {strides = array<i32>} : memref<10000xf32, #tpu.memory_space<vmem>>, vector<16xf32>,
      %parallel_loop3A_272 = arith.index_cast %parallel_loop3A_265 : i32 to index
      %parallel_loop3A_273 = tpu.vector_load %arg13[%parallel_loop3A_272] {strides = array<i32>} : memref<10000xf32, #tpu.memory_space<vmem>>, vector<16xf32>,
      tpu.vector_store %arg13[%parallel_loop3A_272], %broadcast_in_dim3A_1 {strides = array<i32>} : memref<10000xf32, #tpu.memory_space<vmem>>, vector<16xf32>,
      %parallel_loop3A_274 = arith.index_cast %parallel_loop3A_265 : i32 to index
      %parallel_loop3A_275 = tpu.vector_load %arg14[%parallel_loop3A_274] {strides = array<i32>} : memref<10000xf32, #tpu.memory_space<vmem>>, vector<16xf32>,
      tpu.vector_store %arg14[%parallel_loop3A_274], %broadcast_in_dim3A_1 {strides = array<i32>} : memref<10000xf32, #tpu.memory_space<vmem>>, vector<16xf32>,
      %parallel_loop3A_276 = arith.index_cast %parallel_loop3A_265 : i32 to index
      %parallel_loop3A_277 = tpu.vector_load %arg15[%parallel_loop3A_276] {strides = array<i32>} : memref<10000xf32, #tpu.memory_space<vmem>>, vector<16xf32>,
      tpu.vector_store %arg15[%parallel_loop3A_276], %broadcast_in_dim3A_1 {strides = array<i32>} : memref<10000xf32, #tpu.memory_space<vmem>>, vector<16xf32>,
      %parallel_loop3A_278 = arith.index_cast %parallel_loop3A_265 : i32 to index
      %parallel_loop3A_279 = tpu.vector_load %arg16[%parallel_loop3A_278] {strides = array<i32>} : memref<10000xf32, #tpu.memory_space<vmem>>, vector<16xf32>,
      tpu.vector_store %arg16[%parallel_loop3A_278], %broadcast_in_dim3A_1 {strides = array<i32>} : memref<10000xf32, #tpu.memory_space<vmem>>, vector<16xf32>,
      %parallel_loop3A_280 = arith.index_cast %parallel_loop3A_265 : i32 to index
      %parallel_loop3A_281 = tpu.vector_load %arg17[%parallel_loop3A_280] {strides = array<i32>} : memref<10000xf32, #tpu.memory_space<vmem>>, vector<16xf32>,
      tpu.vector_store %arg17[%parallel_loop3A_280], %broadcast_in_dim3A_1 {strides = array<i32>} : memref<10000xf32, #tpu.memory_space<vmem>>, vector<16xf32>,
    } {sc.loop_unroll_factor = 8 : i64, sc.parallel_access}
    %swap3A = arith.constant 9984 : index
    %swap3A_44 = tpu.vector_load %arg10[%swap3A] {strides = array<i32>} : memref<10000xf32, #tpu.memory_space<vmem>>, vector<16xf32>,
    tpu.vector_store %arg10[%swap3A], %broadcast_in_dim3A_1 {strides = array<i32>} : memref<10000xf32, #tpu.memory_space<vmem>>, vector<16xf32>,
    %swap3A_45 = arith.constant 9984 : index
    %swap3A_46 = tpu.vector_load %arg11[%swap3A_45] {strides = array<i32>} : memref<10000xf32, #tpu.memory_space<vmem>>, vector<16xf32>,
    tpu.vector_store %arg11[%swap3A_45], %broadcast_in_dim3A_1 {strides = array<i32>} : memref<10000xf32, #tpu.memory_space<vmem>>, vector<16xf32>,
    %swap3A_47 = arith.constant 9984 : index
    %swap3A_48 = tpu.vector_load %arg12[%swap3A_47] {strides = array<i32>} : memref<10000xf32, #tpu.memory_space<vmem>>, vector<16xf32>,
    tpu.vector_store %arg12[%swap3A_47], %broadcast_in_dim3A_1 {strides = array<i32>} : memref<10000xf32, #tpu.memory_space<vmem>>, vector<16xf32>,
    %swap3A_49 = arith.constant 9984 : index
    %swap3A_50 = tpu.vector_load %arg13[%swap3A_49] {strides = array<i32>} : memref<10000xf32, #tpu.memory_space<vmem>>, vector<16xf32>,
    tpu.vector_store %arg13[%swap3A_49], %broadcast_in_dim3A_1 {strides = array<i32>} : memref<10000xf32, #tpu.memory_space<vmem>>, vector<16xf32>,
    %swap3A_51 = arith.constant 9984 : index
    %swap3A_52 = tpu.vector_load %arg14[%swap3A_51] {strides = array<i32>} : memref<10000xf32, #tpu.memory_space<vmem>>, vector<16xf32>,
    tpu.vector_store %arg14[%swap3A_51], %broadcast_in_dim3A_1 {strides = array<i32>} : memref<10000xf32, #tpu.memory_space<vmem>>, vector<16xf32>,
    %swap3A_53 = arith.constant 9984 : index
    %swap3A_54 = tpu.vector_load %arg15[%swap3A_53] {strides = array<i32>} : memref<10000xf32, #tpu.memory_space<vmem>>, vector<16xf32>,
    tpu.vector_store %arg15[%swap3A_53], %broadcast_in_dim3A_1 {strides = array<i32>} : memref<10000xf32, #tpu.memory_space<vmem>>, vector<16xf32>,
    %swap3A_55 = arith.constant 9984 : index
    %swap3A_56 = tpu.vector_load %arg16[%swap3A_55] {strides = array<i32>} : memref<10000xf32, #tpu.memory_space<vmem>>, vector<16xf32>,
    tpu.vector_store %arg16[%swap3A_55], %broadcast_in_dim3A_1 {strides = array<i32>} : memref<10000xf32, #tpu.memory_space<vmem>>, vector<16xf32>,
    %swap3A_57 = arith.constant 9984 : index
    %swap3A_58 = tpu.vector_load %arg17[%swap3A_57] {strides = array<i32>} : memref<10000xf32, #tpu.memory_space<vmem>>, vector<16xf32>,
    tpu.vector_store %arg17[%swap3A_57], %broadcast_in_dim3A_1 {strides = array<i32>} : memref<10000xf32, #tpu.memory_space<vmem>>, vector<16xf32>,
    %scan3A = arith.constant 0 : i32
    %scan3A_59 = arith.constant 0 : i32
    %scan3A_60 = arith.constant 32 : i32
    %scan3A_61 = arith.addi %scan3A_59, %scan3A_60 : i32
    %scan3A_62 = arith.constant 1 : i32
    %scan3A_63 = scf.for %scan3A_265 = %scan3A_59 to %scan3A_61 step %scan3A_62 iter_args(%scan3A_266 = %scan3A) -> (i32)  : i32 {
      %mul3A_267 = arith.constant 5008 : i32
      %mul3A_268 = arith.muli %scan3A_265, %mul3A_267 : i32
      %dma_start3A = tpu.memref_slice %arg3[%mul3A_268] : memref<160256xi32, #tpu.memory_space<hbm>> -> memref<5008xi32, #tpu.memory_space<hbm>>
      %dma_start3A_269 = tpu.memref_slice %arg3[%mul3A_268] : memref<160256xi32, #tpu.memory_space<hbm>> -> memref<5008xi32, #tpu.memory_space<hbm>>
      tpu.enqueue_dma source(%dma_start3A_269 : memref<5008xi32, #tpu.memory_space<hbm>>) target(%arg18 : memref<5008xi32, #tpu.memory_space<vmem>>) target_semaphore(%arg20 : memref<!tpu.dma_semaphore, #tpu.memory_space<semaphore_mem>>)
      %mul3A_270 = arith.constant 160256 : i32
      %mul3A_271 = arith.muli %add3A_25, %mul3A_270 : i32
      %mul3A_272 = arith.constant 5008 : i32
      %mul3A_273 = arith.muli %scan3A_265, %mul3A_272 : i32
      %add3A_274 = arith.addi %mul3A_271, %mul3A_273 : i32
      %dma_start3A_275 = tpu.memref_slice %arg4[%add3A_274] : memref<641024xf32, #tpu.memory_space<hbm>> -> memref<5008xf32, #tpu.memory_space<hbm>>
      %dma_start3A_276 = tpu.memref_slice %arg4[%add3A_274] : memref<641024xf32, #tpu.memory_space<hbm>> -> memref<5008xf32, #tpu.memory_space<hbm>>
      tpu.enqueue_dma source(%dma_start3A_276 : memref<5008xf32, #tpu.memory_space<hbm>>) target(%arg19 : memref<5008xf32, #tpu.memory_space<vmem>>) target_semaphore(%arg21 : memref<!tpu.dma_semaphore, #tpu.memory_space<semaphore_mem>>)
      %dma_wait3A = tpu.memref_slice %arg3[%mul3A_268] : memref<160256xi32, #tpu.memory_space<hbm>> -> memref<5008xi32, #tpu.memory_space<hbm>>
      %dma_wait3A_277 = tpu.memref_slice %arg3[%mul3A_268] : memref<160256xi32, #tpu.memory_space<hbm>> -> memref<5008xi32, #tpu.memory_space<hbm>>
      tpu.wait_dma2 semaphore(%arg20 : memref<!tpu.dma_semaphore, #tpu.memory_space<semaphore_mem>>) src(%dma_wait3A_277 : memref<5008xi32, #tpu.memory_space<hbm>>) dst(%arg18 : memref<5008xi32, #tpu.memory_space<vmem>>)
      %dma_wait3A_278 = tpu.memref_slice %arg4[%add3A_274] : memref<641024xf32, #tpu.memory_space<hbm>> -> memref<5008xf32, #tpu.memory_space<hbm>>
      %dma_wait3A_279 = tpu.memref_slice %arg4[%add3A_274] : memref<641024xf32, #tpu.memory_space<hbm>> -> memref<5008xf32, #tpu.memory_space<hbm>>
      tpu.wait_dma2 semaphore(%arg21 : memref<!tpu.dma_semaphore, #tpu.memory_space<semaphore_mem>>) src(%dma_wait3A_279 : memref<5008xf32, #tpu.memory_space<hbm>>) dst(%arg19 : memref<5008xf32, #tpu.memory_space<vmem>>)
      %parallel_loop3A_280 = arith.constant 0 : i32
      %parallel_loop3A_281 = arith.constant 5008 : i32
      %parallel_loop3A_282 = arith.constant 16 : i32
      scf.for %parallel_loop3A_284 = %parallel_loop3A_280 to %parallel_loop3A_281 step %parallel_loop3A_282  : i32 {
        %parallel_loop3A_285 = arith.index_cast %parallel_loop3A_284 : i32 to index
        %parallel_loop3A_286 = tpu.vector_load %arg18[%parallel_loop3A_285] {strides = array<i32>} : memref<5008xi32, #tpu.memory_space<vmem>>, vector<16xi32>,
        %parallel_loop3A_287 = arith.constant 16383 : i32
        %parallel_loop3A_288 = vector.broadcast %parallel_loop3A_287 : i32 to vector<16xi32>
        %parallel_loop3A_289 = arith.andi %parallel_loop3A_286, %parallel_loop3A_288 : vector<16xi32>
        %parallel_loop3A_290 = arith.constant 14 : i32
        %parallel_loop3A_291 = vector.broadcast %parallel_loop3A_290 : i32 to vector<16xi32>
        %parallel_loop3A_292 = arith.shrui %parallel_loop3A_286, %parallel_loop3A_291 : vector<16xi32>
        %parallel_loop3A_293 = arith.index_cast %parallel_loop3A_284 : i32 to index
        %parallel_loop3A_294 = tpu.vector_load %arg19[%parallel_loop3A_293] {strides = array<i32>} : memref<5008xf32, #tpu.memory_space<vmem>>, vector<16xf32>,
        %parallel_loop3A_295 = tpu.vector_load_idx %arg6[%parallel_loop3A_289] : memref<10000xi32, #tpu.memory_space<vmem>>[vector<16xi32>], vector<16xi32>,
        %parallel_loop3A_296 = arith.constant 16 : i32
        %parallel_loop3A_297 = vector.broadcast %parallel_loop3A_296 : i32 to vector<16xi32>
        %parallel_loop3A_298 = arith.shli %parallel_loop3A_295, %parallel_loop3A_297 : vector<16xi32>
        %parallel_loop3A_299 = vector.bitcast %parallel_loop3A_298 : vector<16xi32> to vector<16xf32>
        %parallel_loop3A_300 = arith.andi %parallel_loop3A_295, %broadcast_in_dim3A_3 : vector<16xi32>
        %parallel_loop3A_301 = vector.bitcast %parallel_loop3A_300 : vector<16xi32> to vector<16xf32>
        %parallel_loop3A_302 = arith.mulf %parallel_loop3A_299, %parallel_loop3A_294 : vector<16xf32>
        tpu.vector_store_idx %arg10[%parallel_loop3A_292], %parallel_loop3A_302 {add = true} : memref<10000xf32, #tpu.memory_space<vmem>>[vector<16xi32>], vector<16xf32>,
        %parallel_loop3A_303 = arith.mulf %parallel_loop3A_301, %parallel_loop3A_294 : vector<16xf32>
        tpu.vector_store_idx %arg11[%parallel_loop3A_292], %parallel_loop3A_303 {add = true} : memref<10000xf32, #tpu.memory_space<vmem>>[vector<16xi32>], vector<16xf32>,
        %parallel_loop3A_304 = tpu.vector_load_idx %arg7[%parallel_loop3A_289] : memref<10000xi32, #tpu.memory_space<vmem>>[vector<16xi32>], vector<16xi32>,
        %parallel_loop3A_305 = arith.constant 16 : i32
        %parallel_loop3A_306 = vector.broadcast %parallel_loop3A_305 : i32 to vector<16xi32>
        %parallel_loop3A_307 = arith.shli %parallel_loop3A_304, %parallel_loop3A_306 : vector<16xi32>
        %parallel_loop3A_308 = vector.bitcast %parallel_loop3A_307 : vector<16xi32> to vector<16xf32>
        %parallel_loop3A_309 = arith.andi %parallel_loop3A_304, %broadcast_in_dim3A_3 : vector<16xi32>
        %parallel_loop3A_310 = vector.bitcast %parallel_loop3A_309 : vector<16xi32> to vector<16xf32>
        %parallel_loop3A_311 = arith.mulf %parallel_loop3A_308, %parallel_loop3A_294 : vector<16xf32>
        tpu.vector_store_idx %arg12[%parallel_loop3A_292], %parallel_loop3A_311 {add = true} : memref<10000xf32, #tpu.memory_space<vmem>>[vector<16xi32>], vector<16xf32>,
        %parallel_loop3A_312 = arith.mulf %parallel_loop3A_310, %parallel_loop3A_294 : vector<16xf32>
        tpu.vector_store_idx %arg13[%parallel_loop3A_292], %parallel_loop3A_312 {add = true} : memref<10000xf32, #tpu.memory_space<vmem>>[vector<16xi32>], vector<16xf32>,
        %parallel_loop3A_313 = tpu.vector_load_idx %arg8[%parallel_loop3A_289] : memref<10000xi32, #tpu.memory_space<vmem>>[vector<16xi32>], vector<16xi32>,
        %parallel_loop3A_314 = arith.constant 16 : i32
        %parallel_loop3A_315 = vector.broadcast %parallel_loop3A_314 : i32 to vector<16xi32>
        %parallel_loop3A_316 = arith.shli %parallel_loop3A_313, %parallel_loop3A_315 : vector<16xi32>
        %parallel_loop3A_317 = vector.bitcast %parallel_loop3A_316 : vector<16xi32> to vector<16xf32>
        %parallel_loop3A_318 = arith.andi %parallel_loop3A_313, %broadcast_in_dim3A_3 : vector<16xi32>
        %parallel_loop3A_319 = vector.bitcast %parallel_loop3A_318 : vector<16xi32> to vector<16xf32>
        %parallel_loop3A_320 = arith.mulf %parallel_loop3A_317, %parallel_loop3A_294 : vector<16xf32>
        tpu.vector_store_idx %arg14[%parallel_loop3A_292], %parallel_loop3A_320 {add = true} : memref<10000xf32, #tpu.memory_space<vmem>>[vector<16xi32>], vector<16xf32>,
        %parallel_loop3A_321 = arith.mulf %parallel_loop3A_319, %parallel_loop3A_294 : vector<16xf32>
        tpu.vector_store_idx %arg15[%parallel_loop3A_292], %parallel_loop3A_321 {add = true} : memref<10000xf32, #tpu.memory_space<vmem>>[vector<16xi32>], vector<16xf32>,
        %parallel_loop3A_322 = tpu.vector_load_idx %arg9[%parallel_loop3A_289] : memref<10000xi32, #tpu.memory_space<vmem>>[vector<16xi32>], vector<16xi32>,
        %parallel_loop3A_323 = arith.constant 16 : i32
        %parallel_loop3A_324 = vector.broadcast %parallel_loop3A_323 : i32 to vector<16xi32>
        %parallel_loop3A_325 = arith.shli %parallel_loop3A_322, %parallel_loop3A_324 : vector<16xi32>
        %parallel_loop3A_326 = vector.bitcast %parallel_loop3A_325 : vector<16xi32> to vector<16xf32>
        %parallel_loop3A_327 = arith.andi %parallel_loop3A_322, %broadcast_in_dim3A_3 : vector<16xi32>
        %parallel_loop3A_328 = vector.bitcast %parallel_loop3A_327 : vector<16xi32> to vector<16xf32>
        %parallel_loop3A_329 = arith.mulf %parallel_loop3A_326, %parallel_loop3A_294 : vector<16xf32>
        tpu.vector_store_idx %arg16[%parallel_loop3A_292], %parallel_loop3A_329 {add = true} : memref<10000xf32, #tpu.memory_space<vmem>>[vector<16xi32>], vector<16xf32>,
        %parallel_loop3A_330 = arith.mulf %parallel_loop3A_328, %parallel_loop3A_294 : vector<16xf32>
        tpu.vector_store_idx %arg17[%parallel_loop3A_292], %parallel_loop3A_330 {add = true} : memref<10000xf32, #tpu.memory_space<vmem>>[vector<16xi32>], vector<16xf32>,
      } {sc.loop_unroll_factor = 8 : i64, sc.parallel_access}
      %scan3A_283 = arith.constant 0 : i32
      scf.yield %scan3A_283 : i32
    }
    %scan3A_64 = arith.constant 32 : i32
    %add3A_65 = arith.constant 0 : i32
    %add3A_66 = arith.addi %add3A_7, %add3A_65 : i32
    %mul3A_67 = arith.constant 2 : i32
    %mul3A_68 = arith.muli %mul3A_67, %add3A_66 : i32
    %add3A_69 = arith.constant 0 : i32
    %add3A_70 = arith.addi %mul3A_68, %add3A_69 : i32
    %mul3A_71 = arith.constant 10000 : i32
    %mul3A_72 = arith.muli %add3A_70, %mul3A_71 : i32
    "tpu.region"() ({
      %run_scoped3A = tpu.sem_alloc : memref<!tpu.dma_semaphore, #tpu.memory_space<semaphore_mem>>
      %dma_start3A = tpu.memref_slice %arg5[%mul3A_72] : memref<5120000xf32, #tpu.memory_space<hbm>> -> memref<10000xf32, #tpu.memory_space<hbm>>
      %dma_start3A_265 = tpu.memref_slice %arg5[%mul3A_72] : memref<5120000xf32, #tpu.memory_space<hbm>> -> memref<10000xf32, #tpu.memory_space<hbm>>
      tpu.enqueue_dma source(%arg10 : memref<10000xf32, #tpu.memory_space<vmem>>) target(%dma_start3A_265 : memref<10000xf32, #tpu.memory_space<hbm>>) target_semaphore(%run_scoped3A : memref<!tpu.dma_semaphore, #tpu.memory_space<semaphore_mem>>)
      %dma_wait3A = tpu.memref_slice %arg5[%mul3A_72] : memref<5120000xf32, #tpu.memory_space<hbm>> -> memref<10000xf32, #tpu.memory_space<hbm>>
      %dma_wait3A_266 = tpu.memref_slice %arg5[%mul3A_72] : memref<5120000xf32, #tpu.memory_space<hbm>> -> memref<10000xf32, #tpu.memory_space<hbm>>
      tpu.wait_dma2 semaphore(%run_scoped3A : memref<!tpu.dma_semaphore, #tpu.memory_space<semaphore_mem>>) src(%arg10 : memref<10000xf32, #tpu.memory_space<vmem>>) dst(%dma_wait3A_266 : memref<10000xf32, #tpu.memory_space<hbm>>)
      tpu.yield
    }) : () -> ()
    %add3A_73 = arith.constant 0 : i32
    %add3A_74 = arith.addi %add3A_7, %add3A_73 : i32
    %mul3A_75 = arith.constant 2 : i32
    %mul3A_76 = arith.muli %mul3A_75, %add3A_74 : i32
    %add3A_77 = arith.constant 1 : i32
    %add3A_78 = arith.addi %mul3A_76, %add3A_77 : i32
    %mul3A_79 = arith.constant 10000 : i32
    %mul3A_80 = arith.muli %add3A_78, %mul3A_79 : i32
    "tpu.region"() ({
      %run_scoped3A = tpu.sem_alloc : memref<!tpu.dma_semaphore, #tpu.memory_space<semaphore_mem>>
      %dma_start3A = tpu.memref_slice %arg5[%mul3A_80] : memref<5120000xf32, #tpu.memory_space<hbm>> -> memref<10000xf32, #tpu.memory_space<hbm>>
      %dma_start3A_265 = tpu.memref_slice %arg5[%mul3A_80] : memref<5120000xf32, #tpu.memory_space<hbm>> -> memref<10000xf32, #tpu.memory_space<hbm>>
      tpu.enqueue_dma source(%arg11 : memref<10000xf32, #tpu.memory_space<vmem>>) target(%dma_start3A_265 : memref<10000xf32, #tpu.memory_space<hbm>>) target_semaphore(%run_scoped3A : memref<!tpu.dma_semaphore, #tpu.memory_space<semaphore_mem>>)
      %dma_wait3A = tpu.memref_slice %arg5[%mul3A_80] : memref<5120000xf32, #tpu.memory_space<hbm>> -> memref<10000xf32, #tpu.memory_space<hbm>>
      %dma_wait3A_266 = tpu.memref_slice %arg5[%mul3A_80] : memref<5120000xf32, #tpu.memory_space<hbm>> -> memref<10000xf32, #tpu.memory_space<hbm>>
      tpu.wait_dma2 semaphore(%run_scoped3A : memref<!tpu.dma_semaphore, #tpu.memory_space<semaphore_mem>>) src(%arg11 : memref<10000xf32, #tpu.memory_space<vmem>>) dst(%dma_wait3A_266 : memref<10000xf32, #tpu.memory_space<hbm>>)
      tpu.yield
    }) : () -> ()
    %add3A_81 = arith.constant 1 : i32
    %add3A_82 = arith.addi %add3A_7, %add3A_81 : i32
    %mul3A_83 = arith.constant 2 : i32
    %mul3A_84 = arith.muli %mul3A_83, %add3A_82 : i32
    %add3A_85 = arith.constant 0 : i32
    %add3A_86 = arith.addi %mul3A_84, %add3A_85 : i32
    %mul3A_87 = arith.constant 10000 : i32
    %mul3A_88 = arith.muli %add3A_86, %mul3A_87 : i32
    "tpu.region"() ({
      %run_scoped3A = tpu.sem_alloc : memref<!tpu.dma_semaphore, #tpu.memory_space<semaphore_mem>>
      %dma_start3A = tpu.memref_slice %arg5[%mul3A_88] : memref<5120000xf32, #tpu.memory_space<hbm>> -> memref<10000xf32, #tpu.memory_space<hbm>>
      %dma_start3A_265 = tpu.memref_slice %arg5[%mul3A_88] : memref<5120000xf32, #tpu.memory_space<hbm>> -> memref<10000xf32, #tpu.memory_space<hbm>>
      tpu.enqueue_dma source(%arg12 : memref<10000xf32, #tpu.memory_space<vmem>>) target(%dma_start3A_265 : memref<10000xf32, #tpu.memory_space<hbm>>) target_semaphore(%run_scoped3A : memref<!tpu.dma_semaphore, #tpu.memory_space<semaphore_mem>>)
      %dma_wait3A = tpu.memref_slice %arg5[%mul3A_88] : memref<5120000xf32, #tpu.memory_space<hbm>> -> memref<10000xf32, #tpu.memory_space<hbm>>
      %dma_wait3A_266 = tpu.memref_slice %arg5[%mul3A_88] : memref<5120000xf32, #tpu.memory_space<hbm>> -> memref<10000xf32, #tpu.memory_space<hbm>>
      tpu.wait_dma2 semaphore(%run_scoped3A : memref<!tpu.dma_semaphore, #tpu.memory_space<semaphore_mem>>) src(%arg12 : memref<10000xf32, #tpu.memory_space<vmem>>) dst(%dma_wait3A_266 : memref<10000xf32, #tpu.memory_space<hbm>>)
      tpu.yield
    }) : () -> ()
    %add3A_89 = arith.constant 1 : i32
    %add3A_90 = arith.addi %add3A_7, %add3A_89 : i32
    %mul3A_91 = arith.constant 2 : i32
    %mul3A_92 = arith.muli %mul3A_91, %add3A_90 : i32
    %add3A_93 = arith.constant 1 : i32
    %add3A_94 = arith.addi %mul3A_92, %add3A_93 : i32
    %mul3A_95 = arith.constant 10000 : i32
    %mul3A_96 = arith.muli %add3A_94, %mul3A_95 : i32
    "tpu.region"() ({
      %run_scoped3A = tpu.sem_alloc : memref<!tpu.dma_semaphore, #tpu.memory_space<semaphore_mem>>
      %dma_start3A = tpu.memref_slice %arg5[%mul3A_96] : memref<5120000xf32, #tpu.memory_space<hbm>> -> memref<10000xf32, #tpu.memory_space<hbm>>
      %dma_start3A_265 = tpu.memref_slice %arg5[%mul3A_96] : memref<5120000xf32, #tpu.memory_space<hbm>> -> memref<10000xf32, #tpu.memory_space<hbm>>
      tpu.enqueue_dma source(%arg13 : memref<10000xf32, #tpu.memory_space<vmem>>) target(%dma_start3A_265 : memref<10000xf32, #tpu.memory_space<hbm>>) target_semaphore(%run_scoped3A : memref<!tpu.dma_semaphore, #tpu.memory_space<semaphore_mem>>)
      %dma_wait3A = tpu.memref_slice %arg5[%mul3A_96] : memref<5120000xf32, #tpu.memory_space<hbm>> -> memref<10000xf32, #tpu.memory_space<hbm>>
      %dma_wait3A_266 = tpu.memref_slice %arg5[%mul3A_96] : memref<5120000xf32, #tpu.memory_space<hbm>> -> memref<10000xf32, #tpu.memory_space<hbm>>
      tpu.wait_dma2 semaphore(%run_scoped3A : memref<!tpu.dma_semaphore, #tpu.memory_space<semaphore_mem>>) src(%arg13 : memref<10000xf32, #tpu.memory_space<vmem>>) dst(%dma_wait3A_266 : memref<10000xf32, #tpu.memory_space<hbm>>)
      tpu.yield
    }) : () -> ()
    %add3A_97 = arith.constant 2 : i32
    %add3A_98 = arith.addi %add3A_7, %add3A_97 : i32
    %mul3A_99 = arith.constant 2 : i32
    %mul3A_100 = arith.muli %mul3A_99, %add3A_98 : i32
    %add3A_101 = arith.constant 0 : i32
    %add3A_102 = arith.addi %mul3A_100, %add3A_101 : i32
    %mul3A_103 = arith.constant 10000 : i32
    %mul3A_104 = arith.muli %add3A_102, %mul3A_103 : i32
    "tpu.region"() ({
      %run_scoped3A = tpu.sem_alloc : memref<!tpu.dma_semaphore, #tpu.memory_space<semaphore_mem>>
      %dma_start3A = tpu.memref_slice %arg5[%mul3A_104] : memref<5120000xf32, #tpu.memory_space<hbm>> -> memref<10000xf32, #tpu.memory_space<hbm>>
      %dma_start3A_265 = tpu.memref_slice %arg5[%mul3A_104] : memref<5120000xf32, #tpu.memory_space<hbm>> -> memref<10000xf32, #tpu.memory_space<hbm>>
      tpu.enqueue_dma source(%arg14 : memref<10000xf32, #tpu.memory_space<vmem>>) target(%dma_start3A_265 : memref<10000xf32, #tpu.memory_space<hbm>>) target_semaphore(%run_scoped3A : memref<!tpu.dma_semaphore, #tpu.memory_space<semaphore_mem>>)
      %dma_wait3A = tpu.memref_slice %arg5[%mul3A_104] : memref<5120000xf32, #tpu.memory_space<hbm>> -> memref<10000xf32, #tpu.memory_space<hbm>>
      %dma_wait3A_266 = tpu.memref_slice %arg5[%mul3A_104] : memref<5120000xf32, #tpu.memory_space<hbm>> -> memref<10000xf32, #tpu.memory_space<hbm>>
      tpu.wait_dma2 semaphore(%run_scoped3A : memref<!tpu.dma_semaphore, #tpu.memory_space<semaphore_mem>>) src(%arg14 : memref<10000xf32, #tpu.memory_space<vmem>>) dst(%dma_wait3A_266 : memref<10000xf32, #tpu.memory_space<hbm>>)
      tpu.yield
    }) : () -> ()
    %add3A_105 = arith.constant 2 : i32
    %add3A_106 = arith.addi %add3A_7, %add3A_105 : i32
    %mul3A_107 = arith.constant 2 : i32
    %mul3A_108 = arith.muli %mul3A_107, %add3A_106 : i32
    %add3A_109 = arith.constant 1 : i32
    %add3A_110 = arith.addi %mul3A_108, %add3A_109 : i32
    %mul3A_111 = arith.constant 10000 : i32
    %mul3A_112 = arith.muli %add3A_110, %mul3A_111 : i32
    "tpu.region"() ({
      %run_scoped3A = tpu.sem_alloc : memref<!tpu.dma_semaphore, #tpu.memory_space<semaphore_mem>>
      %dma_start3A = tpu.memref_slice %arg5[%mul3A_112] : memref<5120000xf32, #tpu.memory_space<hbm>> -> memref<10000xf32, #tpu.memory_space<hbm>>
      %dma_start3A_265 = tpu.memref_slice %arg5[%mul3A_112] : memref<5120000xf32, #tpu.memory_space<hbm>> -> memref<10000xf32, #tpu.memory_space<hbm>>
      tpu.enqueue_dma source(%arg15 : memref<10000xf32, #tpu.memory_space<vmem>>) target(%dma_start3A_265 : memref<10000xf32, #tpu.memory_space<hbm>>) target_semaphore(%run_scoped3A : memref<!tpu.dma_semaphore, #tpu.memory_space<semaphore_mem>>)
      %dma_wait3A = tpu.memref_slice %arg5[%mul3A_112] : memref<5120000xf32, #tpu.memory_space<hbm>> -> memref<10000xf32, #tpu.memory_space<hbm>>
      %dma_wait3A_266 = tpu.memref_slice %arg5[%mul3A_112] : memref<5120000xf32, #tpu.memory_space<hbm>> -> memref<10000xf32, #tpu.memory_space<hbm>>
      tpu.wait_dma2 semaphore(%run_scoped3A : memref<!tpu.dma_semaphore, #tpu.memory_space<semaphore_mem>>) src(%arg15 : memref<10000xf32, #tpu.memory_space<vmem>>) dst(%dma_wait3A_266 : memref<10000xf32, #tpu.memory_space<hbm>>)
      tpu.yield
    }) : () -> ()
    %add3A_113 = arith.constant 3 : i32
    %add3A_114 = arith.addi %add3A_7, %add3A_113 : i32
    %mul3A_115 = arith.constant 2 : i32
    %mul3A_116 = arith.muli %mul3A_115, %add3A_114 : i32
    %add3A_117 = arith.constant 0 : i32
    %add3A_118 = arith.addi %mul3A_116, %add3A_117 : i32
    %mul3A_119 = arith.constant 10000 : i32
    %mul3A_120 = arith.muli %add3A_118, %mul3A_119 : i32
    "tpu.region"() ({
      %run_scoped3A = tpu.sem_alloc : memref<!tpu.dma_semaphore, #tpu.memory_space<semaphore_mem>>
      %dma_start3A = tpu.memref_slice %arg5[%mul3A_120] : memref<5120000xf32, #tpu.memory_space<hbm>> -> memref<10000xf32, #tpu.memory_space<hbm>>
      %dma_start3A_265 = tpu.memref_slice %arg5[%mul3A_120] : memref<5120000xf32, #tpu.memory_space<hbm>> -> memref<10000xf32, #tpu.memory_space<hbm>>
      tpu.enqueue_dma source(%arg16 : memref<10000xf32, #tpu.memory_space<vmem>>) target(%dma_start3A_265 : memref<10000xf32, #tpu.memory_space<hbm>>) target_semaphore(%run_scoped3A : memref<!tpu.dma_semaphore, #tpu.memory_space<semaphore_mem>>)
      %dma_wait3A = tpu.memref_slice %arg5[%mul3A_120] : memref<5120000xf32, #tpu.memory_space<hbm>> -> memref<10000xf32, #tpu.memory_space<hbm>>
      %dma_wait3A_266 = tpu.memref_slice %arg5[%mul3A_120] : memref<5120000xf32, #tpu.memory_space<hbm>> -> memref<10000xf32, #tpu.memory_space<hbm>>
      tpu.wait_dma2 semaphore(%run_scoped3A : memref<!tpu.dma_semaphore, #tpu.memory_space<semaphore_mem>>) src(%arg16 : memref<10000xf32, #tpu.memory_space<vmem>>) dst(%dma_wait3A_266 : memref<10000xf32, #tpu.memory_space<hbm>>)
      tpu.yield
    }) : () -> ()
    %add3A_121 = arith.constant 3 : i32
    %add3A_122 = arith.addi %add3A_7, %add3A_121 : i32
    %mul3A_123 = arith.constant 2 : i32
    %mul3A_124 = arith.muli %mul3A_123, %add3A_122 : i32
    %add3A_125 = arith.constant 1 : i32
    %add3A_126 = arith.addi %mul3A_124, %add3A_125 : i32
    %mul3A_127 = arith.constant 10000 : i32
    %mul3A_128 = arith.muli %add3A_126, %mul3A_127 : i32
    "tpu.region"() ({
      %run_scoped3A = tpu.sem_alloc : memref<!tpu.dma_semaphore, #tpu.memory_space<semaphore_mem>>
      %dma_start3A = tpu.memref_slice %arg5[%mul3A_128] : memref<5120000xf32, #tpu.memory_space<hbm>> -> memref<10000xf32, #tpu.memory_space<hbm>>
      %dma_start3A_265 = tpu.memref_slice %arg5[%mul3A_128] : memref<5120000xf32, #tpu.memory_space<hbm>> -> memref<10000xf32, #tpu.memory_space<hbm>>
      tpu.enqueue_dma source(%arg17 : memref<10000xf32, #tpu.memory_space<vmem>>) target(%dma_start3A_265 : memref<10000xf32, #tpu.memory_space<hbm>>) target_semaphore(%run_scoped3A : memref<!tpu.dma_semaphore, #tpu.memory_space<semaphore_mem>>)
      %dma_wait3A = tpu.memref_slice %arg5[%mul3A_128] : memref<5120000xf32, #tpu.memory_space<hbm>> -> memref<10000xf32, #tpu.memory_space<hbm>>
      %dma_wait3A_266 = tpu.memref_slice %arg5[%mul3A_128] : memref<5120000xf32, #tpu.memory_space<hbm>> -> memref<10000xf32, #tpu.memory_space<hbm>>
      tpu.wait_dma2 semaphore(%run_scoped3A : memref<!tpu.dma_semaphore, #tpu.memory_space<semaphore_mem>>) src(%arg17 : memref<10000xf32, #tpu.memory_space<vmem>>) dst(%dma_wait3A_266 : memref<10000xf32, #tpu.memory_space<hbm>>)
      tpu.yield
    }) : () -> ()
    %mul3A_129 = arith.constant 4 : i32
    %mul3A_130 = arith.muli %mul3A_129, %add3A : i32
    %add3A_131 = arith.constant 128 : i32
    %add3A_132 = arith.addi %add3A_131, %mul3A_130 : i32
    %jit3A_133 = arith.constant 16 : i32
    %div3A_134 = arith.divsi %add3A, %jit3A_133 : i32
    %sign3A_135 = arith.constant 0 : i32
    %sign3A_136 = arith.cmpi sgt, %add3A, %sign3A_135 : i32
    %sign3A_137 = arith.extui %sign3A_136 : i1 to i32
    %sign3A_138 = arith.constant 0 : i32
    %sign3A_139 = arith.cmpi slt, %add3A, %sign3A_138 : i32
    %sign3A_140 = arith.extui %sign3A_139 : i1 to i32
    %sign3A_141 = arith.subi %sign3A_137, %sign3A_140 : i32
    %sign3A_142 = arith.constant 0 : i32
    %sign3A_143 = arith.cmpi sgt, %jit3A_133, %sign3A_142 : i32
    %sign3A_144 = arith.extui %sign3A_143 : i1 to i32
    %sign3A_145 = arith.constant 0 : i32
    %sign3A_146 = arith.cmpi slt, %jit3A_133, %sign3A_145 : i32
    %sign3A_147 = arith.extui %sign3A_146 : i1 to i32
    %sign3A_148 = arith.subi %sign3A_144, %sign3A_147 : i32
    %ne3A_149 = arith.cmpi ne, %sign3A_141, %sign3A_148 : i32
    %rem3A_150 = arith.remsi %add3A, %jit3A_133 : i32
    %ne3A_151 = arith.constant 0 : i32
    %ne3A_152 = arith.cmpi ne, %rem3A_150, %ne3A_151 : i32
    %and3A_153 = arith.andi %ne3A_149, %ne3A_152 : i1
    %sub3A_154 = arith.constant 1 : i32
    %sub3A_155 = arith.subi %div3A_134, %sub3A_154 : i32
    %select_n3A_156 = arith.select %and3A_153, %sub3A_155, %div3A_134 : i32
    %add3A_157 = arith.constant 2 : i32
    %add3A_158 = arith.addi %add3A_157, %select_n3A_156 : i32
    %add3A_159 = arith.constant 0 : i32
    %add3A_160 = arith.addi %add3A_132, %add3A_159 : i32
    %mul3A_161 = arith.constant 10240 : i32
    %mul3A_162 = arith.muli %add3A_160, %mul3A_161 : i32
    "tpu.region"() ({
      %run_scoped3A = tpu.sem_alloc : memref<!tpu.dma_semaphore, #tpu.memory_space<semaphore_mem>>
      %dma_start3A = tpu.memref_slice %arg2[%mul3A_162] : memref<2621440xi32, #tpu.memory_space<hbm>> -> memref<10000xi32, #tpu.memory_space<hbm>>
      %dma_start3A_265 = tpu.memref_slice %arg2[%mul3A_162] : memref<2621440xi32, #tpu.memory_space<hbm>> -> memref<10000xi32, #tpu.memory_space<hbm>>
      tpu.enqueue_dma source(%dma_start3A_265 : memref<10000xi32, #tpu.memory_space<hbm>>) target(%arg6 : memref<10000xi32, #tpu.memory_space<vmem>>) target_semaphore(%run_scoped3A : memref<!tpu.dma_semaphore, #tpu.memory_space<semaphore_mem>>)
      %dma_wait3A = tpu.memref_slice %arg2[%mul3A_162] : memref<2621440xi32, #tpu.memory_space<hbm>> -> memref<10000xi32, #tpu.memory_space<hbm>>
      %dma_wait3A_266 = tpu.memref_slice %arg2[%mul3A_162] : memref<2621440xi32, #tpu.memory_space<hbm>> -> memref<10000xi32, #tpu.memory_space<hbm>>
      tpu.wait_dma2 semaphore(%run_scoped3A : memref<!tpu.dma_semaphore, #tpu.memory_space<semaphore_mem>>) src(%dma_wait3A_266 : memref<10000xi32, #tpu.memory_space<hbm>>) dst(%arg6 : memref<10000xi32, #tpu.memory_space<vmem>>)
      tpu.yield
    }) : () -> ()
    %add3A_163 = arith.constant 1 : i32
    %add3A_164 = arith.addi %add3A_132, %add3A_163 : i32
    %mul3A_165 = arith.constant 10240 : i32
    %mul3A_166 = arith.muli %add3A_164, %mul3A_165 : i32
    "tpu.region"() ({
      %run_scoped3A = tpu.sem_alloc : memref<!tpu.dma_semaphore, #tpu.memory_space<semaphore_mem>>
      %dma_start3A = tpu.memref_slice %arg2[%mul3A_166] : memref<2621440xi32, #tpu.memory_space<hbm>> -> memref<10000xi32, #tpu.memory_space<hbm>>
      %dma_start3A_265 = tpu.memref_slice %arg2[%mul3A_166] : memref<2621440xi32, #tpu.memory_space<hbm>> -> memref<10000xi32, #tpu.memory_space<hbm>>
      tpu.enqueue_dma source(%dma_start3A_265 : memref<10000xi32, #tpu.memory_space<hbm>>) target(%arg7 : memref<10000xi32, #tpu.memory_space<vmem>>) target_semaphore(%run_scoped3A : memref<!tpu.dma_semaphore, #tpu.memory_space<semaphore_mem>>)
      %dma_wait3A = tpu.memref_slice %arg2[%mul3A_166] : memref<2621440xi32, #tpu.memory_space<hbm>> -> memref<10000xi32, #tpu.memory_space<hbm>>
      %dma_wait3A_266 = tpu.memref_slice %arg2[%mul3A_166] : memref<2621440xi32, #tpu.memory_space<hbm>> -> memref<10000xi32, #tpu.memory_space<hbm>>
      tpu.wait_dma2 semaphore(%run_scoped3A : memref<!tpu.dma_semaphore, #tpu.memory_space<semaphore_mem>>) src(%dma_wait3A_266 : memref<10000xi32, #tpu.memory_space<hbm>>) dst(%arg7 : memref<10000xi32, #tpu.memory_space<vmem>>)
      tpu.yield
    }) : () -> ()
    %add3A_167 = arith.constant 2 : i32
    %add3A_168 = arith.addi %add3A_132, %add3A_167 : i32
    %mul3A_169 = arith.constant 10240 : i32
    %mul3A_170 = arith.muli %add3A_168, %mul3A_169 : i32
    "tpu.region"() ({
      %run_scoped3A = tpu.sem_alloc : memref<!tpu.dma_semaphore, #tpu.memory_space<semaphore_mem>>
      %dma_start3A = tpu.memref_slice %arg2[%mul3A_170] : memref<2621440xi32, #tpu.memory_space<hbm>> -> memref<10000xi32, #tpu.memory_space<hbm>>
      %dma_start3A_265 = tpu.memref_slice %arg2[%mul3A_170] : memref<2621440xi32, #tpu.memory_space<hbm>> -> memref<10000xi32, #tpu.memory_space<hbm>>
      tpu.enqueue_dma source(%dma_start3A_265 : memref<10000xi32, #tpu.memory_space<hbm>>) target(%arg8 : memref<10000xi32, #tpu.memory_space<vmem>>) target_semaphore(%run_scoped3A : memref<!tpu.dma_semaphore, #tpu.memory_space<semaphore_mem>>)
      %dma_wait3A = tpu.memref_slice %arg2[%mul3A_170] : memref<2621440xi32, #tpu.memory_space<hbm>> -> memref<10000xi32, #tpu.memory_space<hbm>>
      %dma_wait3A_266 = tpu.memref_slice %arg2[%mul3A_170] : memref<2621440xi32, #tpu.memory_space<hbm>> -> memref<10000xi32, #tpu.memory_space<hbm>>
      tpu.wait_dma2 semaphore(%run_scoped3A : memref<!tpu.dma_semaphore, #tpu.memory_space<semaphore_mem>>) src(%dma_wait3A_266 : memref<10000xi32, #tpu.memory_space<hbm>>) dst(%arg8 : memref<10000xi32, #tpu.memory_space<vmem>>)
      tpu.yield
    }) : () -> ()
    %add3A_171 = arith.constant 3 : i32
    %add3A_172 = arith.addi %add3A_132, %add3A_171 : i32
    %mul3A_173 = arith.constant 10240 : i32
    %mul3A_174 = arith.muli %add3A_172, %mul3A_173 : i32
    "tpu.region"() ({
      %run_scoped3A = tpu.sem_alloc : memref<!tpu.dma_semaphore, #tpu.memory_space<semaphore_mem>>
      %dma_start3A = tpu.memref_slice %arg2[%mul3A_174] : memref<2621440xi32, #tpu.memory_space<hbm>> -> memref<10000xi32, #tpu.memory_space<hbm>>
      %dma_start3A_265 = tpu.memref_slice %arg2[%mul3A_174] : memref<2621440xi32, #tpu.memory_space<hbm>> -> memref<10000xi32, #tpu.memory_space<hbm>>
      tpu.enqueue_dma source(%dma_start3A_265 : memref<10000xi32, #tpu.memory_space<hbm>>) target(%arg9 : memref<10000xi32, #tpu.memory_space<vmem>>) target_semaphore(%run_scoped3A : memref<!tpu.dma_semaphore, #tpu.memory_space<semaphore_mem>>)
      %dma_wait3A = tpu.memref_slice %arg2[%mul3A_174] : memref<2621440xi32, #tpu.memory_space<hbm>> -> memref<10000xi32, #tpu.memory_space<hbm>>
      %dma_wait3A_266 = tpu.memref_slice %arg2[%mul3A_174] : memref<2621440xi32, #tpu.memory_space<hbm>> -> memref<10000xi32, #tpu.memory_space<hbm>>
      tpu.wait_dma2 semaphore(%run_scoped3A : memref<!tpu.dma_semaphore, #tpu.memory_space<semaphore_mem>>) src(%dma_wait3A_266 : memref<10000xi32, #tpu.memory_space<hbm>>) dst(%arg9 : memref<10000xi32, #tpu.memory_space<vmem>>)
      tpu.yield
    }) : () -> ()
    %parallel_loop3A_175 = arith.constant 0 : i32
    %parallel_loop3A_176 = arith.constant 9984 : i32
    %parallel_loop3A_177 = arith.constant 16 : i32
    scf.for %parallel_loop3A_265 = %parallel_loop3A_175 to %parallel_loop3A_176 step %parallel_loop3A_177  : i32 {
      %parallel_loop3A_266 = arith.index_cast %parallel_loop3A_265 : i32 to index
      %parallel_loop3A_267 = tpu.vector_load %arg10[%parallel_loop3A_266] {strides = array<i32>} : memref<10000xf32, #tpu.memory_space<vmem>>, vector<16xf32>,
      tpu.vector_store %arg10[%parallel_loop3A_266], %broadcast_in_dim3A_1 {strides = array<i32>} : memref<10000xf32, #tpu.memory_space<vmem>>, vector<16xf32>,
      %parallel_loop3A_268 = arith.index_cast %parallel_loop3A_265 : i32 to index
      %parallel_loop3A_269 = tpu.vector_load %arg11[%parallel_loop3A_268] {strides = array<i32>} : memref<10000xf32, #tpu.memory_space<vmem>>, vector<16xf32>,
      tpu.vector_store %arg11[%parallel_loop3A_268], %broadcast_in_dim3A_1 {strides = array<i32>} : memref<10000xf32, #tpu.memory_space<vmem>>, vector<16xf32>,
      %parallel_loop3A_270 = arith.index_cast %parallel_loop3A_265 : i32 to index
      %parallel_loop3A_271 = tpu.vector_load %arg12[%parallel_loop3A_270] {strides = array<i32>} : memref<10000xf32, #tpu.memory_space<vmem>>, vector<16xf32>,
      tpu.vector_store %arg12[%parallel_loop3A_270], %broadcast_in_dim3A_1 {strides = array<i32>} : memref<10000xf32, #tpu.memory_space<vmem>>, vector<16xf32>,
      %parallel_loop3A_272 = arith.index_cast %parallel_loop3A_265 : i32 to index
      %parallel_loop3A_273 = tpu.vector_load %arg13[%parallel_loop3A_272] {strides = array<i32>} : memref<10000xf32, #tpu.memory_space<vmem>>, vector<16xf32>,
      tpu.vector_store %arg13[%parallel_loop3A_272], %broadcast_in_dim3A_1 {strides = array<i32>} : memref<10000xf32, #tpu.memory_space<vmem>>, vector<16xf32>,
      %parallel_loop3A_274 = arith.index_cast %parallel_loop3A_265 : i32 to index
      %parallel_loop3A_275 = tpu.vector_load %arg14[%parallel_loop3A_274] {strides = array<i32>} : memref<10000xf32, #tpu.memory_space<vmem>>, vector<16xf32>,
      tpu.vector_store %arg14[%parallel_loop3A_274], %broadcast_in_dim3A_1 {strides = array<i32>} : memref<10000xf32, #tpu.memory_space<vmem>>, vector<16xf32>,
      %parallel_loop3A_276 = arith.index_cast %parallel_loop3A_265 : i32 to index
      %parallel_loop3A_277 = tpu.vector_load %arg15[%parallel_loop3A_276] {strides = array<i32>} : memref<10000xf32, #tpu.memory_space<vmem>>, vector<16xf32>,
      tpu.vector_store %arg15[%parallel_loop3A_276], %broadcast_in_dim3A_1 {strides = array<i32>} : memref<10000xf32, #tpu.memory_space<vmem>>, vector<16xf32>,
      %parallel_loop3A_278 = arith.index_cast %parallel_loop3A_265 : i32 to index
      %parallel_loop3A_279 = tpu.vector_load %arg16[%parallel_loop3A_278] {strides = array<i32>} : memref<10000xf32, #tpu.memory_space<vmem>>, vector<16xf32>,
      tpu.vector_store %arg16[%parallel_loop3A_278], %broadcast_in_dim3A_1 {strides = array<i32>} : memref<10000xf32, #tpu.memory_space<vmem>>, vector<16xf32>,
      %parallel_loop3A_280 = arith.index_cast %parallel_loop3A_265 : i32 to index
      %parallel_loop3A_281 = tpu.vector_load %arg17[%parallel_loop3A_280] {strides = array<i32>} : memref<10000xf32, #tpu.memory_space<vmem>>, vector<16xf32>,
      tpu.vector_store %arg17[%parallel_loop3A_280], %broadcast_in_dim3A_1 {strides = array<i32>} : memref<10000xf32, #tpu.memory_space<vmem>>, vector<16xf32>,
    } {sc.loop_unroll_factor = 8 : i64, sc.parallel_access}
    %swap3A_178 = arith.constant 9984 : index
    %swap3A_179 = tpu.vector_load %arg10[%swap3A_178] {strides = array<i32>} : memref<10000xf32, #tpu.memory_space<vmem>>, vector<16xf32>,
    tpu.vector_store %arg10[%swap3A_178], %broadcast_in_dim3A_1 {strides = array<i32>} : memref<10000xf32, #tpu.memory_space<vmem>>, vector<16xf32>,
    %swap3A_180 = arith.constant 9984 : index
    %swap3A_181 = tpu.vector_load %arg11[%swap3A_180] {strides = array<i32>} : memref<10000xf32, #tpu.memory_space<vmem>>, vector<16xf32>,
    tpu.vector_store %arg11[%swap3A_180], %broadcast_in_dim3A_1 {strides = array<i32>} : memref<10000xf32, #tpu.memory_space<vmem>>, vector<16xf32>,
    %swap3A_182 = arith.constant 9984 : index
    %swap3A_183 = tpu.vector_load %arg12[%swap3A_182] {strides = array<i32>} : memref<10000xf32, #tpu.memory_space<vmem>>, vector<16xf32>,
    tpu.vector_store %arg12[%swap3A_182], %broadcast_in_dim3A_1 {strides = array<i32>} : memref<10000xf32, #tpu.memory_space<vmem>>, vector<16xf32>,
    %swap3A_184 = arith.constant 9984 : index
    %swap3A_185 = tpu.vector_load %arg13[%swap3A_184] {strides = array<i32>} : memref<10000xf32, #tpu.memory_space<vmem>>, vector<16xf32>,
    tpu.vector_store %arg13[%swap3A_184], %broadcast_in_dim3A_1 {strides = array<i32>} : memref<10000xf32, #tpu.memory_space<vmem>>, vector<16xf32>,
    %swap3A_186 = arith.constant 9984 : index
    %swap3A_187 = tpu.vector_load %arg14[%swap3A_186] {strides = array<i32>} : memref<10000xf32, #tpu.memory_space<vmem>>, vector<16xf32>,
    tpu.vector_store %arg14[%swap3A_186], %broadcast_in_dim3A_1 {strides = array<i32>} : memref<10000xf32, #tpu.memory_space<vmem>>, vector<16xf32>,
    %swap3A_188 = arith.constant 9984 : index
    %swap3A_189 = tpu.vector_load %arg15[%swap3A_188] {strides = array<i32>} : memref<10000xf32, #tpu.memory_space<vmem>>, vector<16xf32>,
    tpu.vector_store %arg15[%swap3A_188], %broadcast_in_dim3A_1 {strides = array<i32>} : memref<10000xf32, #tpu.memory_space<vmem>>, vector<16xf32>,
    %swap3A_190 = arith.constant 9984 : index
    %swap3A_191 = tpu.vector_load %arg16[%swap3A_190] {strides = array<i32>} : memref<10000xf32, #tpu.memory_space<vmem>>, vector<16xf32>,
    tpu.vector_store %arg16[%swap3A_190], %broadcast_in_dim3A_1 {strides = array<i32>} : memref<10000xf32, #tpu.memory_space<vmem>>, vector<16xf32>,
    %swap3A_192 = arith.constant 9984 : index
    %swap3A_193 = tpu.vector_load %arg17[%swap3A_192] {strides = array<i32>} : memref<10000xf32, #tpu.memory_space<vmem>>, vector<16xf32>,
    tpu.vector_store %arg17[%swap3A_192], %broadcast_in_dim3A_1 {strides = array<i32>} : memref<10000xf32, #tpu.memory_space<vmem>>, vector<16xf32>,
    %scan3A_194 = arith.constant 0 : i32
    %scan3A_195 = arith.constant 0 : i32
    %scan3A_196 = arith.constant 32 : i32
    %scan3A_197 = arith.addi %scan3A_195, %scan3A_196 : i32
    %scan3A_198 = arith.constant 1 : i32
    %scan3A_199 = scf.for %scan3A_265 = %scan3A_195 to %scan3A_197 step %scan3A_198 iter_args(%scan3A_266 = %scan3A_194) -> (i32)  : i32 {
      %mul3A_267 = arith.constant 5008 : i32
      %mul3A_268 = arith.muli %scan3A_265, %mul3A_267 : i32
      %dma_start3A = tpu.memref_slice %arg3[%mul3A_268] : memref<160256xi32, #tpu.memory_space<hbm>> -> memref<5008xi32, #tpu.memory_space<hbm>>
      %dma_start3A_269 = tpu.memref_slice %arg3[%mul3A_268] : memref<160256xi32, #tpu.memory_space<hbm>> -> memref<5008xi32, #tpu.memory_space<hbm>>
      tpu.enqueue_dma source(%dma_start3A_269 : memref<5008xi32, #tpu.memory_space<hbm>>) target(%arg18 : memref<5008xi32, #tpu.memory_space<vmem>>) target_semaphore(%arg20 : memref<!tpu.dma_semaphore, #tpu.memory_space<semaphore_mem>>)
      %mul3A_270 = arith.constant 160256 : i32
      %mul3A_271 = arith.muli %add3A_158, %mul3A_270 : i32
      %mul3A_272 = arith.constant 5008 : i32
      %mul3A_273 = arith.muli %scan3A_265, %mul3A_272 : i32
      %add3A_274 = arith.addi %mul3A_271, %mul3A_273 : i32
      %dma_start3A_275 = tpu.memref_slice %arg4[%add3A_274] : memref<641024xf32, #tpu.memory_space<hbm>> -> memref<5008xf32, #tpu.memory_space<hbm>>
      %dma_start3A_276 = tpu.memref_slice %arg4[%add3A_274] : memref<641024xf32, #tpu.memory_space<hbm>> -> memref<5008xf32, #tpu.memory_space<hbm>>
      tpu.enqueue_dma source(%dma_start3A_276 : memref<5008xf32, #tpu.memory_space<hbm>>) target(%arg19 : memref<5008xf32, #tpu.memory_space<vmem>>) target_semaphore(%arg21 : memref<!tpu.dma_semaphore, #tpu.memory_space<semaphore_mem>>)
      %dma_wait3A = tpu.memref_slice %arg3[%mul3A_268] : memref<160256xi32, #tpu.memory_space<hbm>> -> memref<5008xi32, #tpu.memory_space<hbm>>
      %dma_wait3A_277 = tpu.memref_slice %arg3[%mul3A_268] : memref<160256xi32, #tpu.memory_space<hbm>> -> memref<5008xi32, #tpu.memory_space<hbm>>
      tpu.wait_dma2 semaphore(%arg20 : memref<!tpu.dma_semaphore, #tpu.memory_space<semaphore_mem>>) src(%dma_wait3A_277 : memref<5008xi32, #tpu.memory_space<hbm>>) dst(%arg18 : memref<5008xi32, #tpu.memory_space<vmem>>)
      %dma_wait3A_278 = tpu.memref_slice %arg4[%add3A_274] : memref<641024xf32, #tpu.memory_space<hbm>> -> memref<5008xf32, #tpu.memory_space<hbm>>
      %dma_wait3A_279 = tpu.memref_slice %arg4[%add3A_274] : memref<641024xf32, #tpu.memory_space<hbm>> -> memref<5008xf32, #tpu.memory_space<hbm>>
      tpu.wait_dma2 semaphore(%arg21 : memref<!tpu.dma_semaphore, #tpu.memory_space<semaphore_mem>>) src(%dma_wait3A_279 : memref<5008xf32, #tpu.memory_space<hbm>>) dst(%arg19 : memref<5008xf32, #tpu.memory_space<vmem>>)
      %parallel_loop3A_280 = arith.constant 0 : i32
      %parallel_loop3A_281 = arith.constant 5008 : i32
      %parallel_loop3A_282 = arith.constant 16 : i32
      scf.for %parallel_loop3A_284 = %parallel_loop3A_280 to %parallel_loop3A_281 step %parallel_loop3A_282  : i32 {
        %parallel_loop3A_285 = arith.index_cast %parallel_loop3A_284 : i32 to index
        %parallel_loop3A_286 = tpu.vector_load %arg18[%parallel_loop3A_285] {strides = array<i32>} : memref<5008xi32, #tpu.memory_space<vmem>>, vector<16xi32>,
        %parallel_loop3A_287 = arith.constant 16383 : i32
        %parallel_loop3A_288 = vector.broadcast %parallel_loop3A_287 : i32 to vector<16xi32>
        %parallel_loop3A_289 = arith.andi %parallel_loop3A_286, %parallel_loop3A_288 : vector<16xi32>
        %parallel_loop3A_290 = arith.constant 14 : i32
        %parallel_loop3A_291 = vector.broadcast %parallel_loop3A_290 : i32 to vector<16xi32>
        %parallel_loop3A_292 = arith.shrui %parallel_loop3A_286, %parallel_loop3A_291 : vector<16xi32>
        %parallel_loop3A_293 = arith.index_cast %parallel_loop3A_284 : i32 to index
        %parallel_loop3A_294 = tpu.vector_load %arg19[%parallel_loop3A_293] {strides = array<i32>} : memref<5008xf32, #tpu.memory_space<vmem>>, vector<16xf32>,
        %parallel_loop3A_295 = tpu.vector_load_idx %arg6[%parallel_loop3A_289] : memref<10000xi32, #tpu.memory_space<vmem>>[vector<16xi32>], vector<16xi32>,
        %parallel_loop3A_296 = arith.constant 16 : i32
        %parallel_loop3A_297 = vector.broadcast %parallel_loop3A_296 : i32 to vector<16xi32>
        %parallel_loop3A_298 = arith.shli %parallel_loop3A_295, %parallel_loop3A_297 : vector<16xi32>
        %parallel_loop3A_299 = vector.bitcast %parallel_loop3A_298 : vector<16xi32> to vector<16xf32>
        %parallel_loop3A_300 = arith.andi %parallel_loop3A_295, %broadcast_in_dim3A_3 : vector<16xi32>
        %parallel_loop3A_301 = vector.bitcast %parallel_loop3A_300 : vector<16xi32> to vector<16xf32>
        %parallel_loop3A_302 = arith.mulf %parallel_loop3A_299, %parallel_loop3A_294 : vector<16xf32>
        tpu.vector_store_idx %arg10[%parallel_loop3A_292], %parallel_loop3A_302 {add = true} : memref<10000xf32, #tpu.memory_space<vmem>>[vector<16xi32>], vector<16xf32>,
        %parallel_loop3A_303 = arith.mulf %parallel_loop3A_301, %parallel_loop3A_294 : vector<16xf32>
        tpu.vector_store_idx %arg11[%parallel_loop3A_292], %parallel_loop3A_303 {add = true} : memref<10000xf32, #tpu.memory_space<vmem>>[vector<16xi32>], vector<16xf32>,
        %parallel_loop3A_304 = tpu.vector_load_idx %arg7[%parallel_loop3A_289] : memref<10000xi32, #tpu.memory_space<vmem>>[vector<16xi32>], vector<16xi32>,
        %parallel_loop3A_305 = arith.constant 16 : i32
        %parallel_loop3A_306 = vector.broadcast %parallel_loop3A_305 : i32 to vector<16xi32>
        %parallel_loop3A_307 = arith.shli %parallel_loop3A_304, %parallel_loop3A_306 : vector<16xi32>
        %parallel_loop3A_308 = vector.bitcast %parallel_loop3A_307 : vector<16xi32> to vector<16xf32>
        %parallel_loop3A_309 = arith.andi %parallel_loop3A_304, %broadcast_in_dim3A_3 : vector<16xi32>
        %parallel_loop3A_310 = vector.bitcast %parallel_loop3A_309 : vector<16xi32> to vector<16xf32>
        %parallel_loop3A_311 = arith.mulf %parallel_loop3A_308, %parallel_loop3A_294 : vector<16xf32>
        tpu.vector_store_idx %arg12[%parallel_loop3A_292], %parallel_loop3A_311 {add = true} : memref<10000xf32, #tpu.memory_space<vmem>>[vector<16xi32>], vector<16xf32>,
        %parallel_loop3A_312 = arith.mulf %parallel_loop3A_310, %parallel_loop3A_294 : vector<16xf32>
        tpu.vector_store_idx %arg13[%parallel_loop3A_292], %parallel_loop3A_312 {add = true} : memref<10000xf32, #tpu.memory_space<vmem>>[vector<16xi32>], vector<16xf32>,
        %parallel_loop3A_313 = tpu.vector_load_idx %arg8[%parallel_loop3A_289] : memref<10000xi32, #tpu.memory_space<vmem>>[vector<16xi32>], vector<16xi32>,
        %parallel_loop3A_314 = arith.constant 16 : i32
        %parallel_loop3A_315 = vector.broadcast %parallel_loop3A_314 : i32 to vector<16xi32>
        %parallel_loop3A_316 = arith.shli %parallel_loop3A_313, %parallel_loop3A_315 : vector<16xi32>
        %parallel_loop3A_317 = vector.bitcast %parallel_loop3A_316 : vector<16xi32> to vector<16xf32>
        %parallel_loop3A_318 = arith.andi %parallel_loop3A_313, %broadcast_in_dim3A_3 : vector<16xi32>
        %parallel_loop3A_319 = vector.bitcast %parallel_loop3A_318 : vector<16xi32> to vector<16xf32>
        %parallel_loop3A_320 = arith.mulf %parallel_loop3A_317, %parallel_loop3A_294 : vector<16xf32>
        tpu.vector_store_idx %arg14[%parallel_loop3A_292], %parallel_loop3A_320 {add = true} : memref<10000xf32, #tpu.memory_space<vmem>>[vector<16xi32>], vector<16xf32>,
        %parallel_loop3A_321 = arith.mulf %parallel_loop3A_319, %parallel_loop3A_294 : vector<16xf32>
        tpu.vector_store_idx %arg15[%parallel_loop3A_292], %parallel_loop3A_321 {add = true} : memref<10000xf32, #tpu.memory_space<vmem>>[vector<16xi32>], vector<16xf32>,
        %parallel_loop3A_322 = tpu.vector_load_idx %arg9[%parallel_loop3A_289] : memref<10000xi32, #tpu.memory_space<vmem>>[vector<16xi32>], vector<16xi32>,
        %parallel_loop3A_323 = arith.constant 16 : i32
        %parallel_loop3A_324 = vector.broadcast %parallel_loop3A_323 : i32 to vector<16xi32>
        %parallel_loop3A_325 = arith.shli %parallel_loop3A_322, %parallel_loop3A_324 : vector<16xi32>
        %parallel_loop3A_326 = vector.bitcast %parallel_loop3A_325 : vector<16xi32> to vector<16xf32>
        %parallel_loop3A_327 = arith.andi %parallel_loop3A_322, %broadcast_in_dim3A_3 : vector<16xi32>
        %parallel_loop3A_328 = vector.bitcast %parallel_loop3A_327 : vector<16xi32> to vector<16xf32>
        %parallel_loop3A_329 = arith.mulf %parallel_loop3A_326, %parallel_loop3A_294 : vector<16xf32>
        tpu.vector_store_idx %arg16[%parallel_loop3A_292], %parallel_loop3A_329 {add = true} : memref<10000xf32, #tpu.memory_space<vmem>>[vector<16xi32>], vector<16xf32>,
        %parallel_loop3A_330 = arith.mulf %parallel_loop3A_328, %parallel_loop3A_294 : vector<16xf32>
        tpu.vector_store_idx %arg17[%parallel_loop3A_292], %parallel_loop3A_330 {add = true} : memref<10000xf32, #tpu.memory_space<vmem>>[vector<16xi32>], vector<16xf32>,
      } {sc.loop_unroll_factor = 8 : i64, sc.parallel_access}
      %scan3A_283 = arith.constant 0 : i32
      scf.yield %scan3A_283 : i32
    }
    %scan3A_200 = arith.constant 32 : i32
    %add3A_201 = arith.constant 0 : i32
    %add3A_202 = arith.addi %add3A_132, %add3A_201 : i32
    %mul3A_203 = arith.constant 2 : i32
    %mul3A_204 = arith.muli %mul3A_203, %add3A_202 : i32
    %add3A_205 = arith.constant 0 : i32
    %add3A_206 = arith.addi %mul3A_204, %add3A_205 : i32
    %mul3A_207 = arith.constant 10000 : i32
    %mul3A_208 = arith.muli %add3A_206, %mul3A_207 : i32
    "tpu.region"() ({
      %run_scoped3A = tpu.sem_alloc : memref<!tpu.dma_semaphore, #tpu.memory_space<semaphore_mem>>
      %dma_start3A = tpu.memref_slice %arg5[%mul3A_208] : memref<5120000xf32, #tpu.memory_space<hbm>> -> memref<10000xf32, #tpu.memory_space<hbm>>
      %dma_start3A_265 = tpu.memref_slice %arg5[%mul3A_208] : memref<5120000xf32, #tpu.memory_space<hbm>> -> memref<10000xf32, #tpu.memory_space<hbm>>
      tpu.enqueue_dma source(%arg10 : memref<10000xf32, #tpu.memory_space<vmem>>) target(%dma_start3A_265 : memref<10000xf32, #tpu.memory_space<hbm>>) target_semaphore(%run_scoped3A : memref<!tpu.dma_semaphore, #tpu.memory_space<semaphore_mem>>)
      %dma_wait3A = tpu.memref_slice %arg5[%mul3A_208] : memref<5120000xf32, #tpu.memory_space<hbm>> -> memref<10000xf32, #tpu.memory_space<hbm>>
      %dma_wait3A_266 = tpu.memref_slice %arg5[%mul3A_208] : memref<5120000xf32, #tpu.memory_space<hbm>> -> memref<10000xf32, #tpu.memory_space<hbm>>
      tpu.wait_dma2 semaphore(%run_scoped3A : memref<!tpu.dma_semaphore, #tpu.memory_space<semaphore_mem>>) src(%arg10 : memref<10000xf32, #tpu.memory_space<vmem>>) dst(%dma_wait3A_266 : memref<10000xf32, #tpu.memory_space<hbm>>)
      tpu.yield
    }) : () -> ()
    %add3A_209 = arith.constant 0 : i32
    %add3A_210 = arith.addi %add3A_132, %add3A_209 : i32
    %mul3A_211 = arith.constant 2 : i32
    %mul3A_212 = arith.muli %mul3A_211, %add3A_210 : i32
    %add3A_213 = arith.constant 1 : i32
    %add3A_214 = arith.addi %mul3A_212, %add3A_213 : i32
    %mul3A_215 = arith.constant 10000 : i32
    %mul3A_216 = arith.muli %add3A_214, %mul3A_215 : i32
    "tpu.region"() ({
      %run_scoped3A = tpu.sem_alloc : memref<!tpu.dma_semaphore, #tpu.memory_space<semaphore_mem>>
      %dma_start3A = tpu.memref_slice %arg5[%mul3A_216] : memref<5120000xf32, #tpu.memory_space<hbm>> -> memref<10000xf32, #tpu.memory_space<hbm>>
      %dma_start3A_265 = tpu.memref_slice %arg5[%mul3A_216] : memref<5120000xf32, #tpu.memory_space<hbm>> -> memref<10000xf32, #tpu.memory_space<hbm>>
      tpu.enqueue_dma source(%arg11 : memref<10000xf32, #tpu.memory_space<vmem>>) target(%dma_start3A_265 : memref<10000xf32, #tpu.memory_space<hbm>>) target_semaphore(%run_scoped3A : memref<!tpu.dma_semaphore, #tpu.memory_space<semaphore_mem>>)
      %dma_wait3A = tpu.memref_slice %arg5[%mul3A_216] : memref<5120000xf32, #tpu.memory_space<hbm>> -> memref<10000xf32, #tpu.memory_space<hbm>>
      %dma_wait3A_266 = tpu.memref_slice %arg5[%mul3A_216] : memref<5120000xf32, #tpu.memory_space<hbm>> -> memref<10000xf32, #tpu.memory_space<hbm>>
      tpu.wait_dma2 semaphore(%run_scoped3A : memref<!tpu.dma_semaphore, #tpu.memory_space<semaphore_mem>>) src(%arg11 : memref<10000xf32, #tpu.memory_space<vmem>>) dst(%dma_wait3A_266 : memref<10000xf32, #tpu.memory_space<hbm>>)
      tpu.yield
    }) : () -> ()
    %add3A_217 = arith.constant 1 : i32
    %add3A_218 = arith.addi %add3A_132, %add3A_217 : i32
    %mul3A_219 = arith.constant 2 : i32
    %mul3A_220 = arith.muli %mul3A_219, %add3A_218 : i32
    %add3A_221 = arith.constant 0 : i32
    %add3A_222 = arith.addi %mul3A_220, %add3A_221 : i32
    %mul3A_223 = arith.constant 10000 : i32
    %mul3A_224 = arith.muli %add3A_222, %mul3A_223 : i32
    "tpu.region"() ({
      %run_scoped3A = tpu.sem_alloc : memref<!tpu.dma_semaphore, #tpu.memory_space<semaphore_mem>>
      %dma_start3A = tpu.memref_slice %arg5[%mul3A_224] : memref<5120000xf32, #tpu.memory_space<hbm>> -> memref<10000xf32, #tpu.memory_space<hbm>>
      %dma_start3A_265 = tpu.memref_slice %arg5[%mul3A_224] : memref<5120000xf32, #tpu.memory_space<hbm>> -> memref<10000xf32, #tpu.memory_space<hbm>>
      tpu.enqueue_dma source(%arg12 : memref<10000xf32, #tpu.memory_space<vmem>>) target(%dma_start3A_265 : memref<10000xf32, #tpu.memory_space<hbm>>) target_semaphore(%run_scoped3A : memref<!tpu.dma_semaphore, #tpu.memory_space<semaphore_mem>>)
      %dma_wait3A = tpu.memref_slice %arg5[%mul3A_224] : memref<5120000xf32, #tpu.memory_space<hbm>> -> memref<10000xf32, #tpu.memory_space<hbm>>
      %dma_wait3A_266 = tpu.memref_slice %arg5[%mul3A_224] : memref<5120000xf32, #tpu.memory_space<hbm>> -> memref<10000xf32, #tpu.memory_space<hbm>>
      tpu.wait_dma2 semaphore(%run_scoped3A : memref<!tpu.dma_semaphore, #tpu.memory_space<semaphore_mem>>) src(%arg12 : memref<10000xf32, #tpu.memory_space<vmem>>) dst(%dma_wait3A_266 : memref<10000xf32, #tpu.memory_space<hbm>>)
      tpu.yield
    }) : () -> ()
    %add3A_225 = arith.constant 1 : i32
    %add3A_226 = arith.addi %add3A_132, %add3A_225 : i32
    %mul3A_227 = arith.constant 2 : i32
    %mul3A_228 = arith.muli %mul3A_227, %add3A_226 : i32
    %add3A_229 = arith.constant 1 : i32
    %add3A_230 = arith.addi %mul3A_228, %add3A_229 : i32
    %mul3A_231 = arith.constant 10000 : i32
    %mul3A_232 = arith.muli %add3A_230, %mul3A_231 : i32
    "tpu.region"() ({
      %run_scoped3A = tpu.sem_alloc : memref<!tpu.dma_semaphore, #tpu.memory_space<semaphore_mem>>
      %dma_start3A = tpu.memref_slice %arg5[%mul3A_232] : memref<5120000xf32, #tpu.memory_space<hbm>> -> memref<10000xf32, #tpu.memory_space<hbm>>
      %dma_start3A_265 = tpu.memref_slice %arg5[%mul3A_232] : memref<5120000xf32, #tpu.memory_space<hbm>> -> memref<10000xf32, #tpu.memory_space<hbm>>
      tpu.enqueue_dma source(%arg13 : memref<10000xf32, #tpu.memory_space<vmem>>) target(%dma_start3A_265 : memref<10000xf32, #tpu.memory_space<hbm>>) target_semaphore(%run_scoped3A : memref<!tpu.dma_semaphore, #tpu.memory_space<semaphore_mem>>)
      %dma_wait3A = tpu.memref_slice %arg5[%mul3A_232] : memref<5120000xf32, #tpu.memory_space<hbm>> -> memref<10000xf32, #tpu.memory_space<hbm>>
      %dma_wait3A_266 = tpu.memref_slice %arg5[%mul3A_232] : memref<5120000xf32, #tpu.memory_space<hbm>> -> memref<10000xf32, #tpu.memory_space<hbm>>
      tpu.wait_dma2 semaphore(%run_scoped3A : memref<!tpu.dma_semaphore, #tpu.memory_space<semaphore_mem>>) src(%arg13 : memref<10000xf32, #tpu.memory_space<vmem>>) dst(%dma_wait3A_266 : memref<10000xf32, #tpu.memory_space<hbm>>)
      tpu.yield
    }) : () -> ()
    %add3A_233 = arith.constant 2 : i32
    %add3A_234 = arith.addi %add3A_132, %add3A_233 : i32
    %mul3A_235 = arith.constant 2 : i32
    %mul3A_236 = arith.muli %mul3A_235, %add3A_234 : i32
    %add3A_237 = arith.constant 0 : i32
    %add3A_238 = arith.addi %mul3A_236, %add3A_237 : i32
    %mul3A_239 = arith.constant 10000 : i32
    %mul3A_240 = arith.muli %add3A_238, %mul3A_239 : i32
    "tpu.region"() ({
      %run_scoped3A = tpu.sem_alloc : memref<!tpu.dma_semaphore, #tpu.memory_space<semaphore_mem>>
      %dma_start3A = tpu.memref_slice %arg5[%mul3A_240] : memref<5120000xf32, #tpu.memory_space<hbm>> -> memref<10000xf32, #tpu.memory_space<hbm>>
      %dma_start3A_265 = tpu.memref_slice %arg5[%mul3A_240] : memref<5120000xf32, #tpu.memory_space<hbm>> -> memref<10000xf32, #tpu.memory_space<hbm>>
      tpu.enqueue_dma source(%arg14 : memref<10000xf32, #tpu.memory_space<vmem>>) target(%dma_start3A_265 : memref<10000xf32, #tpu.memory_space<hbm>>) target_semaphore(%run_scoped3A : memref<!tpu.dma_semaphore, #tpu.memory_space<semaphore_mem>>)
      %dma_wait3A = tpu.memref_slice %arg5[%mul3A_240] : memref<5120000xf32, #tpu.memory_space<hbm>> -> memref<10000xf32, #tpu.memory_space<hbm>>
      %dma_wait3A_266 = tpu.memref_slice %arg5[%mul3A_240] : memref<5120000xf32, #tpu.memory_space<hbm>> -> memref<10000xf32, #tpu.memory_space<hbm>>
      tpu.wait_dma2 semaphore(%run_scoped3A : memref<!tpu.dma_semaphore, #tpu.memory_space<semaphore_mem>>) src(%arg14 : memref<10000xf32, #tpu.memory_space<vmem>>) dst(%dma_wait3A_266 : memref<10000xf32, #tpu.memory_space<hbm>>)
      tpu.yield
    }) : () -> ()
    %add3A_241 = arith.constant 2 : i32
    %add3A_242 = arith.addi %add3A_132, %add3A_241 : i32
    %mul3A_243 = arith.constant 2 : i32
    %mul3A_244 = arith.muli %mul3A_243, %add3A_242 : i32
    %add3A_245 = arith.constant 1 : i32
    %add3A_246 = arith.addi %mul3A_244, %add3A_245 : i32
    %mul3A_247 = arith.constant 10000 : i32
    %mul3A_248 = arith.muli %add3A_246, %mul3A_247 : i32
    "tpu.region"() ({
      %run_scoped3A = tpu.sem_alloc : memref<!tpu.dma_semaphore, #tpu.memory_space<semaphore_mem>>
      %dma_start3A = tpu.memref_slice %arg5[%mul3A_248] : memref<5120000xf32, #tpu.memory_space<hbm>> -> memref<10000xf32, #tpu.memory_space<hbm>>
      %dma_start3A_265 = tpu.memref_slice %arg5[%mul3A_248] : memref<5120000xf32, #tpu.memory_space<hbm>> -> memref<10000xf32, #tpu.memory_space<hbm>>
      tpu.enqueue_dma source(%arg15 : memref<10000xf32, #tpu.memory_space<vmem>>) target(%dma_start3A_265 : memref<10000xf32, #tpu.memory_space<hbm>>) target_semaphore(%run_scoped3A : memref<!tpu.dma_semaphore, #tpu.memory_space<semaphore_mem>>)
      %dma_wait3A = tpu.memref_slice %arg5[%mul3A_248] : memref<5120000xf32, #tpu.memory_space<hbm>> -> memref<10000xf32, #tpu.memory_space<hbm>>
      %dma_wait3A_266 = tpu.memref_slice %arg5[%mul3A_248] : memref<5120000xf32, #tpu.memory_space<hbm>> -> memref<10000xf32, #tpu.memory_space<hbm>>
      tpu.wait_dma2 semaphore(%run_scoped3A : memref<!tpu.dma_semaphore, #tpu.memory_space<semaphore_mem>>) src(%arg15 : memref<10000xf32, #tpu.memory_space<vmem>>) dst(%dma_wait3A_266 : memref<10000xf32, #tpu.memory_space<hbm>>)
      tpu.yield
    }) : () -> ()
    %add3A_249 = arith.constant 3 : i32
    %add3A_250 = arith.addi %add3A_132, %add3A_249 : i32
    %mul3A_251 = arith.constant 2 : i32
    %mul3A_252 = arith.muli %mul3A_251, %add3A_250 : i32
    %add3A_253 = arith.constant 0 : i32
    %add3A_254 = arith.addi %mul3A_252, %add3A_253 : i32
    %mul3A_255 = arith.constant 10000 : i32
    %mul3A_256 = arith.muli %add3A_254, %mul3A_255 : i32
    "tpu.region"() ({
      %run_scoped3A = tpu.sem_alloc : memref<!tpu.dma_semaphore, #tpu.memory_space<semaphore_mem>>
      %dma_start3A = tpu.memref_slice %arg5[%mul3A_256] : memref<5120000xf32, #tpu.memory_space<hbm>> -> memref<10000xf32, #tpu.memory_space<hbm>>
      %dma_start3A_265 = tpu.memref_slice %arg5[%mul3A_256] : memref<5120000xf32, #tpu.memory_space<hbm>> -> memref<10000xf32, #tpu.memory_space<hbm>>
      tpu.enqueue_dma source(%arg16 : memref<10000xf32, #tpu.memory_space<vmem>>) target(%dma_start3A_265 : memref<10000xf32, #tpu.memory_space<hbm>>) target_semaphore(%run_scoped3A : memref<!tpu.dma_semaphore, #tpu.memory_space<semaphore_mem>>)
      %dma_wait3A = tpu.memref_slice %arg5[%mul3A_256] : memref<5120000xf32, #tpu.memory_space<hbm>> -> memref<10000xf32, #tpu.memory_space<hbm>>
      %dma_wait3A_266 = tpu.memref_slice %arg5[%mul3A_256] : memref<5120000xf32, #tpu.memory_space<hbm>> -> memref<10000xf32, #tpu.memory_space<hbm>>
      tpu.wait_dma2 semaphore(%run_scoped3A : memref<!tpu.dma_semaphore, #tpu.memory_space<semaphore_mem>>) src(%arg16 : memref<10000xf32, #tpu.memory_space<vmem>>) dst(%dma_wait3A_266 : memref<10000xf32, #tpu.memory_space<hbm>>)
      tpu.yield
    }) : () -> ()
    %add3A_257 = arith.constant 3 : i32
    %add3A_258 = arith.addi %add3A_132, %add3A_257 : i32
    %mul3A_259 = arith.constant 2 : i32
    %mul3A_260 = arith.muli %mul3A_259, %add3A_258 : i32
    %add3A_261 = arith.constant 1 : i32
    %add3A_262 = arith.addi %mul3A_260, %add3A_261 : i32
    %mul3A_263 = arith.constant 10000 : i32
    %mul3A_264 = arith.muli %add3A_262, %mul3A_263 : i32
    "tpu.region"() ({
      %run_scoped3A = tpu.sem_alloc : memref<!tpu.dma_semaphore, #tpu.memory_space<semaphore_mem>>
      %dma_start3A = tpu.memref_slice %arg5[%mul3A_264] : memref<5120000xf32, #tpu.memory_space<hbm>> -> memref<10000xf32, #tpu.memory_space<hbm>>
      %dma_start3A_265 = tpu.memref_slice %arg5[%mul3A_264] : memref<5120000xf32, #tpu.memory_space<hbm>> -> memref<10000xf32, #tpu.memory_space<hbm>>
      tpu.enqueue_dma source(%arg17 : memref<10000xf32, #tpu.memory_space<vmem>>) target(%dma_start3A_265 : memref<10000xf32, #tpu.memory_space<hbm>>) target_semaphore(%run_scoped3A : memref<!tpu.dma_semaphore, #tpu.memory_space<semaphore_mem>>)
      %dma_wait3A = tpu.memref_slice %arg5[%mul3A_264] : memref<5120000xf32, #tpu.memory_space<hbm>> -> memref<10000xf32, #tpu.memory_space<hbm>>
      %dma_wait3A_266 = tpu.memref_slice %arg5[%mul3A_264] : memref<5120000xf32, #tpu.memory_space<hbm>> -> memref<10000xf32, #tpu.memory_space<hbm>>
      tpu.wait_dma2 semaphore(%run_scoped3A : memref<!tpu.dma_semaphore, #tpu.memory_space<semaphore_mem>>) src(%arg17 : memref<10000xf32, #tpu.memory_space<vmem>>) dst(%dma_wait3A_266 : memref<10000xf32, #tpu.memory_space<hbm>>)
      tpu.yield
    }) : () -> ()
    return
  }
}

#map = affine_map<(d0, d1) -> (0)>
module attributes {stable_mosaic.version = 14 : i64} {
  func.func @_edge_exp_body(%arg0: i32, %arg1: i32, %arg2: memref<81920xf32, #tpu.memory_space<hbm>>, %arg3: memref<160256xi32, #tpu.memory_space<hbm>>, %arg4: memref<641024xf32, #tpu.memory_space<hbm>>, %arg5: memref<327680xf32, #tpu.memory_space<hbm>>, %arg6: memref<10240xf32, #tpu.memory_space<vmem>>, %arg7: memref<10240xf32, #tpu.memory_space<vmem>>, %arg8: memref<10240xf32, #tpu.memory_space<vmem>>, %arg9: memref<20032xi32, #tpu.memory_space<vmem>>, %arg10: memref<20032xf32, #tpu.memory_space<vmem>>) attributes {dimension_semantics = [#tpu.dimension_semantics<core_parallel>, #tpu.dimension_semantics<subcore_parallel>], iteration_bounds = array<i64: 2, 16>, scalar_prefetch = 0 : i64, scratch_operands = 5 : i64, tpu.core_type = #tpu.core_type<sc_vector_subcore>, window_params = [{transform_indices = #map}, {transform_indices = #map}, {transform_indices = #map}, {transform_indices = #map}]} {
    %mul3A = arith.constant 2 : i32
    %mul3A_0 = arith.muli %arg1, %mul3A : i32
    %add3A = arith.addi %mul3A_0, %arg0 : i32
    %jit3A = arith.constant 8 : i32
    %div3A = arith.divsi %add3A, %jit3A : i32
    %sign3A = arith.constant 0 : i32
    %sign3A_1 = arith.cmpi sgt, %add3A, %sign3A : i32
    %sign3A_2 = arith.extui %sign3A_1 : i1 to i32
    %sign3A_3 = arith.constant 0 : i32
    %sign3A_4 = arith.cmpi slt, %add3A, %sign3A_3 : i32
    %sign3A_5 = arith.extui %sign3A_4 : i1 to i32
    %sign3A_6 = arith.subi %sign3A_2, %sign3A_5 : i32
    %sign3A_7 = arith.constant 0 : i32
    %sign3A_8 = arith.cmpi sgt, %jit3A, %sign3A_7 : i32
    %sign3A_9 = arith.extui %sign3A_8 : i1 to i32
    %sign3A_10 = arith.constant 0 : i32
    %sign3A_11 = arith.cmpi slt, %jit3A, %sign3A_10 : i32
    %sign3A_12 = arith.extui %sign3A_11 : i1 to i32
    %sign3A_13 = arith.subi %sign3A_9, %sign3A_12 : i32
    %ne3A = arith.cmpi ne, %sign3A_6, %sign3A_13 : i32
    %rem3A = arith.remsi %add3A, %jit3A : i32
    %ne3A_14 = arith.constant 0 : i32
    %ne3A_15 = arith.cmpi ne, %rem3A, %ne3A_14 : i32
    %and3A = arith.andi %ne3A, %ne3A_15 : i1
    %sub3A = arith.constant 1 : i32
    %sub3A_16 = arith.subi %div3A, %sub3A : i32
    %select_n3A = arith.select %and3A, %sub3A_16, %div3A : i32
    %jit3A_17 = arith.constant 8 : i32
    %eq3A = arith.constant 0 : i32
    %eq3A_18 = arith.cmpi eq, %jit3A_17, %eq3A : i32
    %jit3A_19 = arith.constant 1 : i32
    %select_n3A_20 = arith.select %eq3A_18, %jit3A_19, %jit3A_17 : i32
    %rem3A_21 = arith.remsi %add3A, %select_n3A_20 : i32
    %ne3A_22 = arith.constant 0 : i32
    %ne3A_23 = arith.cmpi ne, %rem3A_21, %ne3A_22 : i32
    %lt3A = arith.constant 0 : i32
    %lt3A_24 = arith.cmpi slt, %rem3A_21, %lt3A : i32
    %lt3A_25 = arith.constant 0 : i32
    %lt3A_26 = arith.cmpi slt, %select_n3A_20, %lt3A_25 : i32
    %ne3A_27 = arith.xori %lt3A_24, %lt3A_26 : i1
    %and3A_28 = arith.andi %ne3A_27, %ne3A_23 : i1
    %add3A_29 = arith.addi %rem3A_21, %select_n3A_20 : i32
    %select_n3A_30 = arith.select %and3A_28, %add3A_29, %rem3A_21 : i32
    %mul3A_31 = arith.constant 10240 : i32
    %mul3A_32 = arith.muli %select_n3A, %mul3A_31 : i32
    "tpu.region"() ({
      %run_scoped3A = tpu.sem_alloc : memref<!tpu.dma_semaphore, #tpu.memory_space<semaphore_mem>>
      %dma_start3A = tpu.memref_slice %arg2[%mul3A_32] : memref<81920xf32, #tpu.memory_space<hbm>> -> memref<10240xf32, #tpu.memory_space<hbm>>
      %dma_start3A_55 = tpu.memref_slice %arg2[%mul3A_32] : memref<81920xf32, #tpu.memory_space<hbm>> -> memref<10240xf32, #tpu.memory_space<hbm>>
      tpu.enqueue_dma source(%dma_start3A_55 : memref<10240xf32, #tpu.memory_space<hbm>>) target(%arg6 : memref<10240xf32, #tpu.memory_space<vmem>>) target_semaphore(%run_scoped3A : memref<!tpu.dma_semaphore, #tpu.memory_space<semaphore_mem>>)
      %dma_wait3A = tpu.memref_slice %arg2[%mul3A_32] : memref<81920xf32, #tpu.memory_space<hbm>> -> memref<10240xf32, #tpu.memory_space<hbm>>
      %dma_wait3A_56 = tpu.memref_slice %arg2[%mul3A_32] : memref<81920xf32, #tpu.memory_space<hbm>> -> memref<10240xf32, #tpu.memory_space<hbm>>
      tpu.wait_dma2 semaphore(%run_scoped3A : memref<!tpu.dma_semaphore, #tpu.memory_space<semaphore_mem>>) src(%dma_wait3A_56 : memref<10240xf32, #tpu.memory_space<hbm>>) dst(%arg6 : memref<10240xf32, #tpu.memory_space<vmem>>)
      tpu.yield
    }) : () -> ()
    %add3A_33 = arith.constant 4 : i32
    %add3A_34 = arith.addi %select_n3A, %add3A_33 : i32
    %mul3A_35 = arith.constant 10240 : i32
    %mul3A_36 = arith.muli %add3A_34, %mul3A_35 : i32
    "tpu.region"() ({
      %run_scoped3A = tpu.sem_alloc : memref<!tpu.dma_semaphore, #tpu.memory_space<semaphore_mem>>
      %dma_start3A = tpu.memref_slice %arg2[%mul3A_36] : memref<81920xf32, #tpu.memory_space<hbm>> -> memref<10240xf32, #tpu.memory_space<hbm>>
      %dma_start3A_55 = tpu.memref_slice %arg2[%mul3A_36] : memref<81920xf32, #tpu.memory_space<hbm>> -> memref<10240xf32, #tpu.memory_space<hbm>>
      tpu.enqueue_dma source(%dma_start3A_55 : memref<10240xf32, #tpu.memory_space<hbm>>) target(%arg7 : memref<10240xf32, #tpu.memory_space<vmem>>) target_semaphore(%run_scoped3A : memref<!tpu.dma_semaphore, #tpu.memory_space<semaphore_mem>>)
      %dma_wait3A = tpu.memref_slice %arg2[%mul3A_36] : memref<81920xf32, #tpu.memory_space<hbm>> -> memref<10240xf32, #tpu.memory_space<hbm>>
      %dma_wait3A_56 = tpu.memref_slice %arg2[%mul3A_36] : memref<81920xf32, #tpu.memory_space<hbm>> -> memref<10240xf32, #tpu.memory_space<hbm>>
      tpu.wait_dma2 semaphore(%run_scoped3A : memref<!tpu.dma_semaphore, #tpu.memory_space<semaphore_mem>>) src(%dma_wait3A_56 : memref<10240xf32, #tpu.memory_space<hbm>>) dst(%arg7 : memref<10240xf32, #tpu.memory_space<vmem>>)
      tpu.yield
    }) : () -> ()
    %mul3A_37 = arith.constant 20032 : i32
    %mul3A_38 = arith.muli %select_n3A_30, %mul3A_37 : i32
    "tpu.region"() ({
      %run_scoped3A = tpu.sem_alloc : memref<!tpu.dma_semaphore, #tpu.memory_space<semaphore_mem>>
      %dma_start3A = tpu.memref_slice %arg3[%mul3A_38] : memref<160256xi32, #tpu.memory_space<hbm>> -> memref<20032xi32, #tpu.memory_space<hbm>>
      %dma_start3A_55 = tpu.memref_slice %arg3[%mul3A_38] : memref<160256xi32, #tpu.memory_space<hbm>> -> memref<20032xi32, #tpu.memory_space<hbm>>
      tpu.enqueue_dma source(%dma_start3A_55 : memref<20032xi32, #tpu.memory_space<hbm>>) target(%arg9 : memref<20032xi32, #tpu.memory_space<vmem>>) target_semaphore(%run_scoped3A : memref<!tpu.dma_semaphore, #tpu.memory_space<semaphore_mem>>)
      %dma_wait3A = tpu.memref_slice %arg3[%mul3A_38] : memref<160256xi32, #tpu.memory_space<hbm>> -> memref<20032xi32, #tpu.memory_space<hbm>>
      %dma_wait3A_56 = tpu.memref_slice %arg3[%mul3A_38] : memref<160256xi32, #tpu.memory_space<hbm>> -> memref<20032xi32, #tpu.memory_space<hbm>>
      tpu.wait_dma2 semaphore(%run_scoped3A : memref<!tpu.dma_semaphore, #tpu.memory_space<semaphore_mem>>) src(%dma_wait3A_56 : memref<20032xi32, #tpu.memory_space<hbm>>) dst(%arg9 : memref<20032xi32, #tpu.memory_space<vmem>>)
      tpu.yield
    }) : () -> ()
    %broadcast_in_dim3A = arith.constant 0.000000e+00 : f32
    %broadcast_in_dim3A_39 = vector.broadcast %broadcast_in_dim3A : f32 to vector<16xf32>
    %parallel_loop3A = arith.constant 0 : i32
    %parallel_loop3A_40 = arith.constant 10240 : i32
    %parallel_loop3A_41 = arith.constant 16 : i32
    scf.for %parallel_loop3A_55 = %parallel_loop3A to %parallel_loop3A_40 step %parallel_loop3A_41  : i32 {
      %parallel_loop3A_56 = arith.index_cast %parallel_loop3A_55 : i32 to index
      %parallel_loop3A_57 = tpu.vector_load %arg8[%parallel_loop3A_56] {strides = array<i32>} : memref<10240xf32, #tpu.memory_space<vmem>>, vector<16xf32>,
      tpu.vector_store %arg8[%parallel_loop3A_56], %broadcast_in_dim3A_39 {strides = array<i32>} : memref<10240xf32, #tpu.memory_space<vmem>>, vector<16xf32>,
    } {sc.loop_unroll_factor = 8 : i64, sc.parallel_access}
    %parallel_loop3A_42 = arith.constant 0 : i32
    %parallel_loop3A_43 = arith.constant 20032 : i32
    %parallel_loop3A_44 = arith.constant 16 : i32
    scf.for %parallel_loop3A_55 = %parallel_loop3A_42 to %parallel_loop3A_43 step %parallel_loop3A_44  : i32 {
      %parallel_loop3A_56 = arith.index_cast %parallel_loop3A_55 : i32 to index
      %parallel_loop3A_57 = tpu.vector_load %arg9[%parallel_loop3A_56] {strides = array<i32>} : memref<20032xi32, #tpu.memory_space<vmem>>, vector<16xi32>,
      %parallel_loop3A_58 = arith.constant 16383 : i32
      %parallel_loop3A_59 = vector.broadcast %parallel_loop3A_58 : i32 to vector<16xi32>
      %parallel_loop3A_60 = arith.andi %parallel_loop3A_57, %parallel_loop3A_59 : vector<16xi32>
      %parallel_loop3A_61 = arith.constant 14 : i32
      %parallel_loop3A_62 = vector.broadcast %parallel_loop3A_61 : i32 to vector<16xi32>
      %parallel_loop3A_63 = arith.shrui %parallel_loop3A_57, %parallel_loop3A_62 : vector<16xi32>
      %parallel_loop3A_64 = tpu.vector_load_idx %arg6[%parallel_loop3A_60] : memref<10240xf32, #tpu.memory_space<vmem>>[vector<16xi32>], vector<16xf32>,
      %parallel_loop3A_65 = tpu.vector_load_idx %arg7[%parallel_loop3A_63] : memref<10240xf32, #tpu.memory_space<vmem>>[vector<16xi32>], vector<16xf32>,
      %parallel_loop3A_66 = arith.addf %parallel_loop3A_64, %parallel_loop3A_65 : vector<16xf32>
      %parallel_loop3A_67 = arith.constant 2.000000e-01 : f32
      %parallel_loop3A_68 = vector.broadcast %parallel_loop3A_67 : f32 to vector<16xf32>
      %parallel_loop3A_69 = arith.mulf %parallel_loop3A_68, %parallel_loop3A_66 : vector<16xf32>
      %parallel_loop3A_70 = arith.maximumf %parallel_loop3A_66, %parallel_loop3A_69 : vector<16xf32>
      %parallel_loop3A_71 = math.exp %parallel_loop3A_70 : vector<16xf32>
      %parallel_loop3A_72 = arith.index_cast %parallel_loop3A_55 : i32 to index
      %parallel_loop3A_73 = tpu.vector_load %arg10[%parallel_loop3A_72] {strides = array<i32>} : memref<20032xf32, #tpu.memory_space<vmem>>, vector<16xf32>,
      tpu.vector_store %arg10[%parallel_loop3A_72], %parallel_loop3A_71 {strides = array<i32>} : memref<20032xf32, #tpu.memory_space<vmem>>, vector<16xf32>,
      tpu.vector_store_idx %arg8[%parallel_loop3A_63], %parallel_loop3A_71 {add = true} : memref<10240xf32, #tpu.memory_space<vmem>>[vector<16xi32>], vector<16xf32>,
    } {sc.loop_unroll_factor = 8 : i64, sc.parallel_access}
    %mul3A_45 = arith.constant 160256 : i32
    %mul3A_46 = arith.muli %select_n3A, %mul3A_45 : i32
    %mul3A_47 = arith.constant 20032 : i32
    %mul3A_48 = arith.muli %select_n3A_30, %mul3A_47 : i32
    %add3A_49 = arith.addi %mul3A_46, %mul3A_48 : i32
    "tpu.region"() ({
      %run_scoped3A = tpu.sem_alloc : memref<!tpu.dma_semaphore, #tpu.memory_space<semaphore_mem>>
      %dma_start3A = tpu.memref_slice %arg4[%add3A_49] : memref<641024xf32, #tpu.memory_space<hbm>> -> memref<20032xf32, #tpu.memory_space<hbm>>
      %dma_start3A_55 = tpu.memref_slice %arg4[%add3A_49] : memref<641024xf32, #tpu.memory_space<hbm>> -> memref<20032xf32, #tpu.memory_space<hbm>>
      tpu.enqueue_dma source(%arg10 : memref<20032xf32, #tpu.memory_space<vmem>>) target(%dma_start3A_55 : memref<20032xf32, #tpu.memory_space<hbm>>) target_semaphore(%run_scoped3A : memref<!tpu.dma_semaphore, #tpu.memory_space<semaphore_mem>>)
      %dma_wait3A = tpu.memref_slice %arg4[%add3A_49] : memref<641024xf32, #tpu.memory_space<hbm>> -> memref<20032xf32, #tpu.memory_space<hbm>>
      %dma_wait3A_56 = tpu.memref_slice %arg4[%add3A_49] : memref<641024xf32, #tpu.memory_space<hbm>> -> memref<20032xf32, #tpu.memory_space<hbm>>
      tpu.wait_dma2 semaphore(%run_scoped3A : memref<!tpu.dma_semaphore, #tpu.memory_space<semaphore_mem>>) src(%arg10 : memref<20032xf32, #tpu.memory_space<vmem>>) dst(%dma_wait3A_56 : memref<20032xf32, #tpu.memory_space<hbm>>)
      tpu.yield
    }) : () -> ()
    %mul3A_50 = arith.constant 4 : i32
    %mul3A_51 = arith.muli %select_n3A_30, %mul3A_50 : i32
    %add3A_52 = arith.addi %mul3A_51, %select_n3A : i32
    %mul3A_53 = arith.constant 10240 : i32
    %mul3A_54 = arith.muli %add3A_52, %mul3A_53 : i32
    "tpu.region"() ({
      %run_scoped3A = tpu.sem_alloc : memref<!tpu.dma_semaphore, #tpu.memory_space<semaphore_mem>>
      %dma_start3A = tpu.memref_slice %arg5[%mul3A_54] : memref<327680xf32, #tpu.memory_space<hbm>> -> memref<10240xf32, #tpu.memory_space<hbm>>
      %dma_start3A_55 = tpu.memref_slice %arg5[%mul3A_54] : memref<327680xf32, #tpu.memory_space<hbm>> -> memref<10240xf32, #tpu.memory_space<hbm>>
      tpu.enqueue_dma source(%arg8 : memref<10240xf32, #tpu.memory_space<vmem>>) target(%dma_start3A_55 : memref<10240xf32, #tpu.memory_space<hbm>>) target_semaphore(%run_scoped3A : memref<!tpu.dma_semaphore, #tpu.memory_space<semaphore_mem>>)
      %dma_wait3A = tpu.memref_slice %arg5[%mul3A_54] : memref<327680xf32, #tpu.memory_space<hbm>> -> memref<10240xf32, #tpu.memory_space<hbm>>
      %dma_wait3A_56 = tpu.memref_slice %arg5[%mul3A_54] : memref<327680xf32, #tpu.memory_space<hbm>> -> memref<10240xf32, #tpu.memory_space<hbm>>
      tpu.wait_dma2 semaphore(%run_scoped3A : memref<!tpu.dma_semaphore, #tpu.memory_space<semaphore_mem>>) src(%arg8 : memref<10240xf32, #tpu.memory_space<vmem>>) dst(%dma_wait3A_56 : memref<10240xf32, #tpu.memory_space<hbm>>)
      tpu.yield
    }) : () -> ()
    return
  }
}

#map = affine_map<(d0, d1) -> (0)>
module attributes {stable_mosaic.version = 14 : i64} {
  func.func @_alpha_body(%arg0: i32, %arg1: i32, %arg2: memref<40960xf32, #tpu.memory_space<hbm>>, %arg3: memref<160256xi32, #tpu.memory_space<hbm>>, %arg4: memref<641024xf32, #tpu.memory_space<hbm>>, %arg5: memref<641024xf32, #tpu.memory_space<hbm>>, %arg6: memref<10240xf32, #tpu.memory_space<vmem>>, %arg7: memref<20032xi32, #tpu.memory_space<vmem>>, %arg8: memref<20032xf32, #tpu.memory_space<vmem>>, %arg9: memref<20032xf32, #tpu.memory_space<vmem>>) attributes {dimension_semantics = [#tpu.dimension_semantics<core_parallel>, #tpu.dimension_semantics<subcore_parallel>], iteration_bounds = array<i64: 2, 16>, scalar_prefetch = 0 : i64, scratch_operands = 4 : i64, tpu.core_type = #tpu.core_type<sc_vector_subcore>, window_params = [{transform_indices = #map}, {transform_indices = #map}, {transform_indices = #map}, {transform_indices = #map}]} {
    %mul3A = arith.constant 2 : i32
    %mul3A_0 = arith.muli %arg1, %mul3A : i32
    %add3A = arith.addi %mul3A_0, %arg0 : i32
    %jit3A = arith.constant 8 : i32
    %div3A = arith.divsi %add3A, %jit3A : i32
    %sign3A = arith.constant 0 : i32
    %sign3A_1 = arith.cmpi sgt, %add3A, %sign3A : i32
    %sign3A_2 = arith.extui %sign3A_1 : i1 to i32
    %sign3A_3 = arith.constant 0 : i32
    %sign3A_4 = arith.cmpi slt, %add3A, %sign3A_3 : i32
    %sign3A_5 = arith.extui %sign3A_4 : i1 to i32
    %sign3A_6 = arith.subi %sign3A_2, %sign3A_5 : i32
    %sign3A_7 = arith.constant 0 : i32
    %sign3A_8 = arith.cmpi sgt, %jit3A, %sign3A_7 : i32
    %sign3A_9 = arith.extui %sign3A_8 : i1 to i32
    %sign3A_10 = arith.constant 0 : i32
    %sign3A_11 = arith.cmpi slt, %jit3A, %sign3A_10 : i32
    %sign3A_12 = arith.extui %sign3A_11 : i1 to i32
    %sign3A_13 = arith.subi %sign3A_9, %sign3A_12 : i32
    %ne3A = arith.cmpi ne, %sign3A_6, %sign3A_13 : i32
    %rem3A = arith.remsi %add3A, %jit3A : i32
    %ne3A_14 = arith.constant 0 : i32
    %ne3A_15 = arith.cmpi ne, %rem3A, %ne3A_14 : i32
    %and3A = arith.andi %ne3A, %ne3A_15 : i1
    %sub3A = arith.constant 1 : i32
    %sub3A_16 = arith.subi %div3A, %sub3A : i32
    %select_n3A = arith.select %and3A, %sub3A_16, %div3A : i32
    %jit3A_17 = arith.constant 8 : i32
    %eq3A = arith.constant 0 : i32
    %eq3A_18 = arith.cmpi eq, %jit3A_17, %eq3A : i32
    %jit3A_19 = arith.constant 1 : i32
    %select_n3A_20 = arith.select %eq3A_18, %jit3A_19, %jit3A_17 : i32
    %rem3A_21 = arith.remsi %add3A, %select_n3A_20 : i32
    %ne3A_22 = arith.constant 0 : i32
    %ne3A_23 = arith.cmpi ne, %rem3A_21, %ne3A_22 : i32
    %lt3A = arith.constant 0 : i32
    %lt3A_24 = arith.cmpi slt, %rem3A_21, %lt3A : i32
    %lt3A_25 = arith.constant 0 : i32
    %lt3A_26 = arith.cmpi slt, %select_n3A_20, %lt3A_25 : i32
    %ne3A_27 = arith.xori %lt3A_24, %lt3A_26 : i1
    %and3A_28 = arith.andi %ne3A_27, %ne3A_23 : i1
    %add3A_29 = arith.addi %rem3A_21, %select_n3A_20 : i32
    %select_n3A_30 = arith.select %and3A_28, %add3A_29, %rem3A_21 : i32
    %mul3A_31 = arith.constant 10240 : i32
    %mul3A_32 = arith.muli %select_n3A, %mul3A_31 : i32
    "tpu.region"() ({
      %run_scoped3A = tpu.sem_alloc : memref<!tpu.dma_semaphore, #tpu.memory_space<semaphore_mem>>
      %dma_start3A = tpu.memref_slice %arg2[%mul3A_32] : memref<40960xf32, #tpu.memory_space<hbm>> -> memref<10240xf32, #tpu.memory_space<hbm>>
      %dma_start3A_49 = tpu.memref_slice %arg2[%mul3A_32] : memref<40960xf32, #tpu.memory_space<hbm>> -> memref<10240xf32, #tpu.memory_space<hbm>>
      tpu.enqueue_dma source(%dma_start3A_49 : memref<10240xf32, #tpu.memory_space<hbm>>) target(%arg6 : memref<10240xf32, #tpu.memory_space<vmem>>) target_semaphore(%run_scoped3A : memref<!tpu.dma_semaphore, #tpu.memory_space<semaphore_mem>>)
      %dma_wait3A = tpu.memref_slice %arg2[%mul3A_32] : memref<40960xf32, #tpu.memory_space<hbm>> -> memref<10240xf32, #tpu.memory_space<hbm>>
      %dma_wait3A_50 = tpu.memref_slice %arg2[%mul3A_32] : memref<40960xf32, #tpu.memory_space<hbm>> -> memref<10240xf32, #tpu.memory_space<hbm>>
      tpu.wait_dma2 semaphore(%run_scoped3A : memref<!tpu.dma_semaphore, #tpu.memory_space<semaphore_mem>>) src(%dma_wait3A_50 : memref<10240xf32, #tpu.memory_space<hbm>>) dst(%arg6 : memref<10240xf32, #tpu.memory_space<vmem>>)
      tpu.yield
    }) : () -> ()
    %mul3A_33 = arith.constant 20032 : i32
    %mul3A_34 = arith.muli %select_n3A_30, %mul3A_33 : i32
    "tpu.region"() ({
      %run_scoped3A = tpu.sem_alloc : memref<!tpu.dma_semaphore, #tpu.memory_space<semaphore_mem>>
      %dma_start3A = tpu.memref_slice %arg3[%mul3A_34] : memref<160256xi32, #tpu.memory_space<hbm>> -> memref<20032xi32, #tpu.memory_space<hbm>>
      %dma_start3A_49 = tpu.memref_slice %arg3[%mul3A_34] : memref<160256xi32, #tpu.memory_space<hbm>> -> memref<20032xi32, #tpu.memory_space<hbm>>
      tpu.enqueue_dma source(%dma_start3A_49 : memref<20032xi32, #tpu.memory_space<hbm>>) target(%arg7 : memref<20032xi32, #tpu.memory_space<vmem>>) target_semaphore(%run_scoped3A : memref<!tpu.dma_semaphore, #tpu.memory_space<semaphore_mem>>)
      %dma_wait3A = tpu.memref_slice %arg3[%mul3A_34] : memref<160256xi32, #tpu.memory_space<hbm>> -> memref<20032xi32, #tpu.memory_space<hbm>>
      %dma_wait3A_50 = tpu.memref_slice %arg3[%mul3A_34] : memref<160256xi32, #tpu.memory_space<hbm>> -> memref<20032xi32, #tpu.memory_space<hbm>>
      tpu.wait_dma2 semaphore(%run_scoped3A : memref<!tpu.dma_semaphore, #tpu.memory_space<semaphore_mem>>) src(%dma_wait3A_50 : memref<20032xi32, #tpu.memory_space<hbm>>) dst(%arg7 : memref<20032xi32, #tpu.memory_space<vmem>>)
      tpu.yield
    }) : () -> ()
    %mul3A_35 = arith.constant 160256 : i32
    %mul3A_36 = arith.muli %select_n3A, %mul3A_35 : i32
    %mul3A_37 = arith.constant 20032 : i32
    %mul3A_38 = arith.muli %select_n3A_30, %mul3A_37 : i32
    %add3A_39 = arith.addi %mul3A_36, %mul3A_38 : i32
    "tpu.region"() ({
      %run_scoped3A = tpu.sem_alloc : memref<!tpu.dma_semaphore, #tpu.memory_space<semaphore_mem>>
      %dma_start3A = tpu.memref_slice %arg4[%add3A_39] : memref<641024xf32, #tpu.memory_space<hbm>> -> memref<20032xf32, #tpu.memory_space<hbm>>
      %dma_start3A_49 = tpu.memref_slice %arg4[%add3A_39] : memref<641024xf32, #tpu.memory_space<hbm>> -> memref<20032xf32, #tpu.memory_space<hbm>>
      tpu.enqueue_dma source(%dma_start3A_49 : memref<20032xf32, #tpu.memory_space<hbm>>) target(%arg8 : memref<20032xf32, #tpu.memory_space<vmem>>) target_semaphore(%run_scoped3A : memref<!tpu.dma_semaphore, #tpu.memory_space<semaphore_mem>>)
      %dma_wait3A = tpu.memref_slice %arg4[%add3A_39] : memref<641024xf32, #tpu.memory_space<hbm>> -> memref<20032xf32, #tpu.memory_space<hbm>>
      %dma_wait3A_50 = tpu.memref_slice %arg4[%add3A_39] : memref<641024xf32, #tpu.memory_space<hbm>> -> memref<20032xf32, #tpu.memory_space<hbm>>
      tpu.wait_dma2 semaphore(%run_scoped3A : memref<!tpu.dma_semaphore, #tpu.memory_space<semaphore_mem>>) src(%dma_wait3A_50 : memref<20032xf32, #tpu.memory_space<hbm>>) dst(%arg8 : memref<20032xf32, #tpu.memory_space<vmem>>)
      tpu.yield
    }) : () -> ()
    %iota3A = tpu.iota {dimensions = array<i32: 0>} : vector<16xi32>
    %mul3A_40 = arith.constant 20032 : i32
    %mul3A_41 = arith.muli %select_n3A_30, %mul3A_40 : i32
    %parallel_loop3A = arith.constant 0 : i32
    %parallel_loop3A_42 = arith.constant 20032 : i32
    %parallel_loop3A_43 = arith.constant 16 : i32
    scf.for %parallel_loop3A_49 = %parallel_loop3A to %parallel_loop3A_42 step %parallel_loop3A_43  : i32 {
      %parallel_loop3A_50 = arith.index_cast %parallel_loop3A_49 : i32 to index
      %parallel_loop3A_51 = tpu.vector_load %arg7[%parallel_loop3A_50] {strides = array<i32>} : memref<20032xi32, #tpu.memory_space<vmem>>, vector<16xi32>,
      %parallel_loop3A_52 = arith.constant 14 : i32
      %parallel_loop3A_53 = vector.broadcast %parallel_loop3A_52 : i32 to vector<16xi32>
      %parallel_loop3A_54 = arith.shrui %parallel_loop3A_51, %parallel_loop3A_53 : vector<16xi32>
      %parallel_loop3A_55 = arith.index_cast %parallel_loop3A_49 : i32 to index
      %parallel_loop3A_56 = tpu.vector_load %arg8[%parallel_loop3A_55] {strides = array<i32>} : memref<20032xf32, #tpu.memory_space<vmem>>, vector<16xf32>,
      %parallel_loop3A_57 = tpu.vector_load_idx %arg6[%parallel_loop3A_54] : memref<10240xf32, #tpu.memory_space<vmem>>[vector<16xi32>], vector<16xf32>,
      %parallel_loop3A_58 = arith.mulf %parallel_loop3A_56, %parallel_loop3A_57 : vector<16xf32>
      %parallel_loop3A_59 = arith.addi %mul3A_41, %parallel_loop3A_49 : i32
      %parallel_loop3A_60 = vector.broadcast %parallel_loop3A_59 : i32 to vector<16xi32>
      %parallel_loop3A_61 = arith.addi %parallel_loop3A_60, %iota3A : vector<16xi32>
      %parallel_loop3A_62 = arith.constant 160000 : i32
      %parallel_loop3A_63 = vector.broadcast %parallel_loop3A_62 : i32 to vector<16xi32>
      %parallel_loop3A_64 = arith.cmpi slt, %parallel_loop3A_61, %parallel_loop3A_63 : vector<16xi32>
      %parallel_loop3A_65 = arith.constant 0.000000e+00 : f32
      %parallel_loop3A_66 = vector.broadcast %parallel_loop3A_65 : f32 to vector<16xf32>
      %parallel_loop3A_67 = arith.select %parallel_loop3A_64, %parallel_loop3A_58, %parallel_loop3A_66 : vector<16xi1>, vector<16xf32>
      %parallel_loop3A_68 = arith.index_cast %parallel_loop3A_49 : i32 to index
      %parallel_loop3A_69 = tpu.vector_load %arg9[%parallel_loop3A_68] {strides = array<i32>} : memref<20032xf32, #tpu.memory_space<vmem>>, vector<16xf32>,
      tpu.vector_store %arg9[%parallel_loop3A_68], %parallel_loop3A_67 {strides = array<i32>} : memref<20032xf32, #tpu.memory_space<vmem>>, vector<16xf32>,
    } {sc.loop_unroll_factor = 8 : i64, sc.parallel_access}
    %mul3A_44 = arith.constant 160256 : i32
    %mul3A_45 = arith.muli %select_n3A, %mul3A_44 : i32
    %mul3A_46 = arith.constant 20032 : i32
    %mul3A_47 = arith.muli %select_n3A_30, %mul3A_46 : i32
    %add3A_48 = arith.addi %mul3A_45, %mul3A_47 : i32
    "tpu.region"() ({
      %run_scoped3A = tpu.sem_alloc : memref<!tpu.dma_semaphore, #tpu.memory_space<semaphore_mem>>
      %dma_start3A = tpu.memref_slice %arg5[%add3A_48] : memref<641024xf32, #tpu.memory_space<hbm>> -> memref<20032xf32, #tpu.memory_space<hbm>>
      %dma_start3A_49 = tpu.memref_slice %arg5[%add3A_48] : memref<641024xf32, #tpu.memory_space<hbm>> -> memref<20032xf32, #tpu.memory_space<hbm>>
      tpu.enqueue_dma source(%arg9 : memref<20032xf32, #tpu.memory_space<vmem>>) target(%dma_start3A_49 : memref<20032xf32, #tpu.memory_space<hbm>>) target_semaphore(%run_scoped3A : memref<!tpu.dma_semaphore, #tpu.memory_space<semaphore_mem>>)
      %dma_wait3A = tpu.memref_slice %arg5[%add3A_48] : memref<641024xf32, #tpu.memory_space<hbm>> -> memref<20032xf32, #tpu.memory_space<hbm>>
      %dma_wait3A_50 = tpu.memref_slice %arg5[%add3A_48] : memref<641024xf32, #tpu.memory_space<hbm>> -> memref<20032xf32, #tpu.memory_space<hbm>>
      tpu.wait_dma2 semaphore(%run_scoped3A : memref<!tpu.dma_semaphore, #tpu.memory_space<semaphore_mem>>) src(%arg9 : memref<20032xf32, #tpu.memory_space<vmem>>) dst(%dma_wait3A_50 : memref<20032xf32, #tpu.memory_space<hbm>>)
      tpu.yield
    }) : () -> ()
    return
  }
}

module attributes {stable_mosaic.version = 14 : i64} {
  func.func @_proj_body(%arg0: i32, %arg1: memref<256x1024xf32, #tpu.memory_space<vmem>>, %arg2: memref<512x256xf32, #tpu.memory_space<vmem>>, %arg3: memref<512x8xf32, #tpu.memory_space<vmem>>, %arg4: memref<256x1024xi32, #tpu.memory_space<vmem>>, %arg5: memref<8x1024xf32, #tpu.memory_space<vmem>>) attributes {dimension_semantics = [#tpu.dimension_semantics<arbitrary>], iteration_bounds = array<i64: 10>, scalar_prefetch = 0 : i64, scratch_operands = 0 : i64, tpu.core_type = #tpu.core_type<tc>, window_params = [{transform_indices = @transform_0, window_bounds = array<i64: 256, 1024>}, {pipeline_mode = #tpu.pipeline_mode<synchronous>, transform_indices = @transform_1, window_bounds = array<i64: 512, 256>}, {pipeline_mode = #tpu.pipeline_mode<synchronous>, transform_indices = @transform_2, window_bounds = array<i64: 512, 8>}, {transform_indices = @transform_3, window_bounds = array<i64: 256, 1024>}, {transform_indices = @transform_4, window_bounds = array<i64: 8, 1024>}]} {
    %get3A = arith.constant 0 : index
    %get3A_0 = arith.constant 0 : index
    %get3A_1 = vector.load %arg2[%get3A, %get3A_0] : memref<512x256xf32, #tpu.memory_space<vmem>>, vector<512x256xf32>
    %get3A_2 = arith.constant 0 : index
    %get3A_3 = arith.constant 0 : index
    %get3A_4 = vector.load %arg1[%get3A_2, %get3A_3] : memref<256x1024xf32, #tpu.memory_space<vmem>>, vector<256x1024xf32>
    %dot_general3A = arith.constant dense<0.000000e+00> : vector<512x1024xf32>
    %dot_general3A_5 = tpu.matmul %get3A_1, %get3A_4, %dot_general3A {dimension_numbers = #tpu.dot_dimension_numbers<[1], [0], [0], [1], [0, 0, 1, 1], [], []>, transpose_lhs_hint = false} : vector<512x256xf32>, vector<256x1024xf32>, vector<512x1024xf32> -> vector<512x1024xf32>
    %get3A_6 = arith.constant 0 : index
    %get3A_7 = arith.constant 0 : index
    %get3A_8 = vector.load %arg3[%get3A_6, %get3A_7] : memref<512x8xf32, #tpu.memory_space<vmem>>, vector<512x8xf32>
    %dot_general3A_9 = arith.constant dense<0.000000e+00> : vector<8x1024xf32>
    %dot_general3A_10 = tpu.matmul %get3A_8, %dot_general3A_5, %dot_general3A_9 {dimension_numbers = #tpu.dot_dimension_numbers<[0], [0], [1], [1], [0, 1, 1, 1], [], []>, transpose_lhs_hint = false} : vector<512x8xf32>, vector<512x1024xf32>, vector<8x1024xf32> -> vector<8x1024xf32>
    %swap3A = arith.constant 0 : index
    %swap3A_11 = arith.constant 0 : index
    %swap3A_12 = vector.load %arg5[%swap3A, %swap3A_11] : memref<8x1024xf32, #tpu.memory_space<vmem>>, vector<8x1024xf32>
    tpu.vector_store %arg5[%swap3A, %swap3A_11], %dot_general3A_10 {strides = array<i32>} : memref<8x1024xf32, #tpu.memory_space<vmem>>, vector<8x1024xf32>,
    %bitcast_convert_type3A = tpu.bitcast %dot_general3A_5 : vector<512x1024xf32> -> vector<512x1024xi32>
    %add3A = arith.constant 32767 : i32
    %add3A_13 = vector.broadcast %add3A : i32 to vector<512x1024xi32>
    %add3A_14 = arith.addi %bitcast_convert_type3A, %add3A_13 : vector<512x1024xi32>
    %shift_right_logical3A = arith.constant 16 : i32
    %shift_right_logical3A_15 = vector.broadcast %shift_right_logical3A : i32 to vector<512x1024xi32>
    %shift_right_logical3A_16 = arith.shrui %bitcast_convert_type3A, %shift_right_logical3A_15 : vector<512x1024xi32>
    %and3A = arith.constant 1 : i32
    %and3A_17 = vector.broadcast %and3A : i32 to vector<512x1024xi32>
    %and3A_18 = arith.andi %shift_right_logical3A_16, %and3A_17 : vector<512x1024xi32>
    %add3A_19 = arith.addi %add3A_14, %and3A_18 : vector<512x1024xi32>
    %shift_right_logical3A_20 = arith.constant 16 : i32
    %shift_right_logical3A_21 = vector.broadcast %shift_right_logical3A_20 : i32 to vector<512x1024xi32>
    %shift_right_logical3A_22 = arith.shrui %add3A_19, %shift_right_logical3A_21 : vector<512x1024xi32>
    %slice3A = vector.extract_strided_slice %shift_right_logical3A_22 {offsets = [0, 0], sizes = [256, 1024], strides = [1, 1]} : vector<512x1024xi32> to vector<256x1024xi32>
    %slice3A_23 = vector.extract_strided_slice %shift_right_logical3A_22 {offsets = [256, 0], sizes = [256, 1024], strides = [1, 1]} : vector<512x1024xi32> to vector<256x1024xi32>
    %shift_left3A = arith.constant 16 : i32
    %shift_left3A_24 = vector.broadcast %shift_left3A : i32 to vector<256x1024xi32>
    %shift_left3A_25 = arith.shli %slice3A_23, %shift_left3A_24 : vector<256x1024xi32>
    %or3A = arith.ori %slice3A, %shift_left3A_25 : vector<256x1024xi32>
    %bitcast_convert_type3A_26 = tpu.bitcast %or3A : vector<256x1024xi32> -> vector<256x1024xi32>
    %swap3A_27 = arith.constant 0 : index
    %swap3A_28 = arith.constant 0 : index
    %swap3A_29 = vector.load %arg4[%swap3A_27, %swap3A_28] : memref<256x1024xi32, #tpu.memory_space<vmem>>, vector<256x1024xi32>
    tpu.vector_store %arg4[%swap3A_27, %swap3A_28], %bitcast_convert_type3A_26 {strides = array<i32>} : memref<256x1024xi32, #tpu.memory_space<vmem>>, vector<256x1024xi32>,
    return
  }
  func.func @transform_0(%arg0: i32) -> (i32, i32) {
    %c0_i32 = arith.constant 0 : i32
    %c0_i32_0 = arith.constant 0 : i32
    return %c0_i32, %arg0 : i32, i32
  }
  func.func @transform_1(%arg0: i32) -> (i32, i32) {
    %c0_i32 = arith.constant 0 : i32
    %c0_i32_0 = arith.constant 0 : i32
    %c0_i32_1 = arith.constant 0 : i32
    return %c0_i32, %c0_i32_0 : i32, i32
  }
  func.func @transform_2(%arg0: i32) -> (i32, i32) {
    %c0_i32 = arith.constant 0 : i32
    %c0_i32_0 = arith.constant 0 : i32
    %c0_i32_1 = arith.constant 0 : i32
    return %c0_i32, %c0_i32_0 : i32, i32
  }
  func.func @transform_3(%arg0: i32) -> (i32, i32) {
    %c0_i32 = arith.constant 0 : i32
    %c0_i32_0 = arith.constant 0 : i32
    return %c0_i32, %arg0 : i32, i32
  }
  func.func @transform_4(%arg0: i32) -> (i32, i32) {
    %c0_i32 = arith.constant 0 : i32
    %c0_i32_0 = arith.constant 0 : i32
    return %c0_i32, %arg0 : i32, i32
  }
}

module attributes {stable_mosaic.version = 14 : i64} {
  func.func @_recip_body(%arg0: i32, %arg1: memref<8x2048xf32, #tpu.memory_space<vmem>>, %arg2: memref<1x2048xf32, #tpu.memory_space<vmem>>) attributes {dimension_semantics = [#tpu.dimension_semantics<arbitrary>], iteration_bounds = array<i64: 20>, scalar_prefetch = 0 : i64, scratch_operands = 0 : i64, tpu.core_type = #tpu.core_type<tc>, window_params = [{transform_indices = @transform_0, window_bounds = array<i64: 8, 2048>}, {transform_indices = @transform_1, window_bounds = array<i64: 1, 2048>}]} {
    %get3A = arith.constant 0 : index
    %get3A_0 = arith.constant 0 : index
    %get3A_1 = vector.load %arg1[%get3A, %get3A_0] : memref<8x2048xf32, #tpu.memory_space<vmem>>, vector<8x2048xf32>
    %reduce_sum3A = arith.constant dense<0.000000e+00> : vector<2048xf32>
    %reduce_sum3A_2 = vector.multi_reduction <add>, %get3A_1, %reduce_sum3A [0] : vector<8x2048xf32> to vector<2048xf32>
    %add3A = arith.constant 9.99999971E-10 : f32
    %add3A_3 = vector.broadcast %add3A : f32 to vector<2048xf32>
    %add3A_4 = arith.addf %reduce_sum3A_2, %add3A_3 : vector<2048xf32>
    %div3A = arith.constant 1.000000e+00 : f32
    %div3A_5 = vector.broadcast %div3A : f32 to vector<2048xf32>
    %div3A_6 = arith.divf %div3A_5, %add3A_4 : vector<2048xf32>
    %swap3A = arith.constant 0 : index
    %swap3A_7 = arith.constant 0 : index
    %swap3A_8 = vector.load %arg2[%swap3A, %swap3A_7] : memref<1x2048xf32, #tpu.memory_space<vmem>>, vector<1x2048xf32>
    %swap3A_9 = vector.shape_cast %swap3A_8 : vector<1x2048xf32> to vector<2048xf32>
    %swap3A_10 = vector.shape_cast %div3A_6 : vector<2048xf32> to vector<1x2048xf32>
    tpu.vector_store %arg2[%swap3A, %swap3A_7], %swap3A_10 {strides = array<i32>} : memref<1x2048xf32, #tpu.memory_space<vmem>>, vector<1x2048xf32>,
    return
  }
  func.func @transform_0(%arg0: i32) -> (i32, i32) {
    %c0_i32 = arith.constant 0 : i32
    %c0_i32_0 = arith.constant 0 : i32
    return %c0_i32, %arg0 : i32, i32
  }
  func.func @transform_1(%arg0: i32) -> (i32, i32) {
    %c0_i32 = arith.constant 0 : i32
    %c0_i32_0 = arith.constant 0 : i32
    return %c0_i32, %arg0 : i32, i32
  }
}

</mosaic_0001>

<sc_bundles>
// kernel: kernel.10.cloned.1.call-start
scs
__scs_entry_jumppad:
0x0: {  	(pc) =	sbr.rel $0x88, $3  }
0x1: {  	(tag) =	ssettag $0x0;
	lr =	simm.s32 $0x1  }
0x2: {  	[smem:$0x3F9C] =	sst lr;
	_ =	strace $0xD0000000  }
0x3: {  	_ = 	snop  }
0x4: {  	_ = 	snop  }
0x5: {  	_ = 	snop  }
0x6: {  	_ = 	snop  }
0x7: {  	_ = 	snop  }
__scs_overlays_trampoline_lowered:
0x8: {  	[smem:$0x3FAB] =	sst s0  }
0x9: {  	[smem:$0x3FAC] =	sst s1  }
0xa: {  	[smem:$0x3FAD] =	sst s2  }
0xb: {  	[smem:$0x3FAE] =	sst s3  }
0xc: {  	[smem:$0x3FAF] =	sst s4  }
0xd: {  	[smem:$0x3FB0] =	sst s5  }
0xe: {  	[smem:$0x3FB1] =	sst s6  }
0xf: {  	[smem:$0x3FB2] =	sst s7  }
0x10: {  	[smem:$0x3FB3] =	sst s8  }
0x11: {  	[smem:$0x3FB4] =	sst s9;
	s0 =	simm.s32 @!p0 $0x0  }
0x12: {  	s1 =	sld [smem:$0x3F9A];
	s0 =	simm.s32 @p0 $0x1  }
0x13: {  	[smem:$0x3FB5] =	sst s0;
	s0 =	simm.s32 @!p1 $0x0  }
0x14: {  	s2 =	sld [smem:$0x3F99];
	s0 =	simm.s32 @p1 $0x1  }
0x15: {  	[smem:$0x3FB6] =	sst s0;
	s0 =	simm.s32 @!p2 $0x0  }
0x16: {  	s3 =	sld [smem:$0x3FDB];
	s0 =	simm.s32 @p2 $0x1  }
0x17: {  	s4 =	simm.s32 $0x1BF5;
	[smem:$0x3FB8] =	sst s0  }
0x18: {  	s0 =	sld [smem:$0x3F9B];
	_ =	swait.ge [sflag:s4], $0x0  }
0x19: {  	s7 =	sld [smem:$0x3F9C]  }
0x1a: {  	s8 =	sadd.s32 $0xFFFFE003, lr  }
0x1b: {  	s9 =	sadd.s32 $0xFFFFFEF7, lr;
	s5 =	simm.s32 $0xFFFFFFFF;
	p2 =	slt.u32 s8, $0xFFFFF086  }
0x1c: {  	p1 =	slt.u32 s9, $0xF7A;
	s5 =	simm.s32 @!p2 $0x0  }
0x1d: {  	s5 =	simm.s32 @p1 $0x1;
	p0 =	seq.s32 s7, s2  }
0x1e: {  	s7 =	smul.u32 @!p0 $0xF7A, s2;
	p2 =	seq.s32 @!p0 s5, $0x0  }
0x1f: {  	s9 =	smul.u32 $0xF7A, s1;
	s8 =	simm.s32 @!p0 $0x1BF5;
	p2 =	por !p2, p0  }
0x20: {  	[sflag:s8] =	ssyncset.s32 @!p0 $0xFFFFF086;
	s6 =	sadd.s32 @!p0 s3, s7;
	s7 =	simm.s32 @!p0 $0x108  }
0x21: {  	s3 =	sadd.s32 s3, s9;
	s6 =	sadd.s32 @!p0 $0x88, s6;
	s7 =	simm.s32 @p2 $0x1082  }
0x22: {  	[simem:s7], [sflag:s8] =	dma.local @!p0 [hbm:s6], $0xF7A  }
0x23: {  	s9 =	sor.u32 $0xD0000000, s2;
	s6 =	simm.s32 $0x108;
	_ =	swait.ge @!p0 [sflag:s8], $0x0  }
0x24: {  	s3 =	sadd.s32 $0x88, s3;
	s6 =	simm.s32 @!p1 $0x1082;
	[sflag:s4] =	ssyncset.s32 $0xFFFFF086  }
0x25: {  	[simem:s6], [sflag:s4] =	dma.local [hbm:s3], $0xF7A  }
0x26: {  	[smem:$0x3F9C] =	sst s1;
	(tag) =	ssettag s2;
	_ =	strace s9  }
0x27: {  	s1 =	sld [smem:$0x3FAC]  }
0x28: {  	s2 =	sld [smem:$0x3FAD]  }
0x29: {  	s4 =	sld [smem:$0x3FAF]  }
0x2a: {  	p0 =	seq.s32 s5, $0x0;
	s5 =	sld [smem:$0x3FB0]  }
0x2b: {  	s6 =	sld [smem:$0x3FB1]  }
0x2c: {  	s7 =	sld [smem:$0x3FB2]  }
0x2d: {  	s3 =	simm.s32 $0x108;
	s8 =	sld [smem:$0x3FB3]  }
0x2e: {  	s3 =	simm.s32 @!p0 $0x1082;
	s9 =	sld [smem:$0x3FB4]  }
0x2f: {  	lr =	sadd.s32 s0, s3;
	s0 =	sld [smem:$0x3FAB]  }
0x30: {  	s3 =	sld [smem:$0x3FAE]  }
0x31: {  	[smem:$0x3FB7] =	sst s10  }
0x32: {  	s10 =	sld [smem:$0x3FB5];
	_ =	sdelay $0x3  }
0x33: {  	p0 =	seq.s32 s10, $0x1;
	s10 =	sld [smem:$0x3FB7];
	_ =	sdelay $0x3  }
0x34: {  	[smem:$0x3FB7] =	sst s10  }
0x35: {  	s10 =	sld [smem:$0x3FB6];
	_ =	sdelay $0x3  }
0x36: {  	p1 =	seq.s32 s10, $0x1;
	s10 =	sld [smem:$0x3FB7];
	_ =	sdelay $0x3  }
0x37: {  	[smem:$0x3FB7] =	sst s10  }
0x38: {  	s10 =	sld [smem:$0x3FB8]  }
0x39: {  	_ = 	snop;
	(pc) =	sbr.ind lr, $3  }
0x3a: {  	_ = 	snop  }
0x3b: {  	_ = 	snop  }
0x3c: {  	p2 =	seq.s32 s10, $0x1;
	s10 =	sld [smem:$0x3FB7]  }
0x3d: {  	_ =	shalt  }
0x3e: {  	_ =	shalt  }
0x3f: {  	_ =	shalt  }
0x40: {  	_ =	shalt  }
0x41: {  	_ =	shalt  }
0x42: {  	_ =	shalt  }
0x43: {  	_ =	shalt  }
0x44: {  	_ =	shalt  }
0x45: {  	_ =	shalt  }
0x46: {  	_ =	shalt  }
0x47: {  	_ =	shalt  }
0x48: {  	_ =	shalt  }
0x49: {  	_ =	shalt  }
0x4a: {  	_ =	shalt  }
0x4b: {  	_ =	shalt  }
0x4c: {  	_ =	shalt  }
0x4d: {  	_ =	shalt  }
0x4e: {  	_ =	shalt  }
0x4f: {  	_ =	shalt  }
0x50: {  	_ =	shalt  }
0x51: {  	_ =	shalt  }
0x52: {  	_ =	shalt  }
0x53: {  	_ =	shalt  }
0x54: {  	_ =	shalt  }
0x55: {  	_ =	shalt  }
0x56: {  	_ =	shalt  }
0x57: {  	_ =	shalt  }
0x58: {  	_ =	shalt  }
0x59: {  	_ =	shalt  }
0x5a: {  	_ =	shalt  }
0x5b: {  	_ =	shalt  }
0x5c: {  	_ =	shalt  }
0x5d: {  	_ =	shalt  }
0x5e: {  	_ =	shalt  }
0x5f: {  	_ =	shalt  }
0x60: {  	_ =	shalt  }
0x61: {  	_ =	shalt  }
0x62: {  	_ =	shalt  }
0x63: {  	_ =	shalt  }
0x64: {  	_ =	shalt  }
0x65: {  	_ =	shalt  }
0x66: {  	_ =	shalt  }
0x67: {  	_ =	shalt  }
0x68: {  	_ =	shalt  }
0x69: {  	_ =	shalt  }
0x6a: {  	_ =	shalt  }
0x6b: {  	_ =	shalt  }
0x6c: {  	_ =	shalt  }
0x6d: {  	_ =	shalt  }
0x6e: {  	_ =	shalt  }
0x6f: {  	_ =	shalt  }
0x70: {  	_ =	shalt  }
0x71: {  	_ =	shalt  }
0x72: {  	_ =	shalt  }
0x73: {  	_ =	shalt  }
0x74: {  	_ =	shalt  }
0x75: {  	_ =	shalt  }
0x76: {  	_ =	shalt  }
0x77: {  	_ =	shalt  }
0x78: {  	_ =	shalt  }
0x79: {  	_ =	shalt  }
0x7a: {  	_ =	shalt  }
0x7b: {  	_ =	shalt  }
0x7c: {  	_ =	shalt  }
0x7d: {  	_ =	shalt  }
0x7e: {  	_ =	shalt  }
0x7f: {  	_ =	shalt  }
0x80: {  	_ =	shalt  }
0x81: {  	_ =	shalt  }
0x82: {  	_ =	shalt  }
0x83: {  	_ =	shalt  }
0x84: {  	_ =	shalt  }
0x85: {  	_ =	shalt  }
0x86: {  	_ =	shalt  }
0x87: {  	_ =	shalt  }
.Lfunc_end0:
.L_simem_size_0:
called_computation.1_lowered:
.L_overlay_start_0:
0x88: {  	s2 =	sld [smem:$0x3FD9]  }
0x89: {  	s3 =	sld [smem:$0x3FFE];
	_ =	sdelay $0x1  }
0x8a: {  	s1 =	srdreg.scid  }
0x8b: {  	s0 =	sand.u32 $0x1, s1  }
0x8c: {  	s14 =	sshll.u32 s0, $0xA;
	s2 =	sadd.s32 s3, s2  }
0x8d: {  	s2 =	sadd.s32 s2, s14  }
0x8e: {  	[smem:$0x3FC3] =	sst s2  }
0x8f: {  	_ = 	snop  }
0x90: {  	s2 =	sld [smem:$0x3FD0];
	_ =	sdelay $0x2  }
0x91: {  	s15 =	simm.s32 $0xA;
	s4 =	simm.s32 $0x10  }
0x92: {  	[smem:s4], [sflag:s15] =	dma.local [hbm:s2], $0x1  }
0x93: {  	_ =	swait.eq [sflag:s15], $0x1  }
0x94: {  	[sflag:s15] =	ssyncset.done $0x0  }
0x95: {  	[sflag:s15] =	ssyncadd.s32 $0xFFFFFFFF  }
0x96: {  	s16 =	sld [smem:$0x10];
	(tm) =	ssettm $0x1  }
0x97: {  	s17 =	sld [smem:$0x3FFB];
	_ =	sdelay $0x3  }
0x98: {  	_ =	strace s17  }
0x99: {  	s3 =	sld [smem:$0x3FFC];
	_ =	sdelay $0x3  }
0x9a: {  	_ =	strace s3  }
0x9b: {  	s3 =	sld [smem:$0x3FFD];
	_ =	sdelay $0x3  }
0x9c: {  	_ =	strace s3  }
0x9d: {  	_ =	strace $0x8FFFFFFF  }
0x9e: {  	s18 =	sld [smem:$0x3FDB];
	_ =	sdelay $0x1  }
0x9f: {  	s19 =	simm.s32 $_scs_section_size  }
0xa0: {  	s5 =	simm.s32 $_size__tile_overlayer_lowered;
	s6 =	simm.s32 $_tile_overlayer_lowered  }
0xa1: {  	s22 =	simm.s32 $0x1BFF;
	s21 =	sshll.u32 s6, $0x1;
	s3 =	sadd.s32 s19, s18  }
0xa2: {  	s7 =	simm.s32 $0x0;
	s20 =	sshll.u32 s5, $0x1;
	s5 =	sadd.s32 s21, s3  }
0xa3: {  	[timem:s7], [sflag:s22] =	dma.local [hbm:s5], s20  }
0xa4: {  	_ =	swait.ge [sflag:s22], s20  }
0xa5: {  	s4 =	ssub.s32 $0x0, s20;
	[sflag:s22] =	ssyncset.done $0x0  }
0xa6: {  	[sflag:s22] =	ssyncadd.s32 s4;
	_ =	sdelay $0x1  }
0xa7: {  	s23 =	simm.s32 $0x1B8B  }
0xa8: {  	_ =	swait.ge [sflag:s23], $0x1  }
0xa9: {  	[sflag:s23] =	ssyncset.done $0x0  }
0xaa: {  	s25 =	simm.s32 $0x1B8E;
	s24 =	sld [smem:$0x3FFE];
	[sflag:s23] =	ssyncadd.s32 $0xFFFFFFFF  }
0xab: {  	s26 =	simm.s32 $execute0_lowered;
	[smem:$0x3FD2] =	sst s25  }
0xac: {  	s5 =	sshll.u32 s26, $0x1;
	_ =	strace $0x80000049;
	[dreg:$0x1] =	wrdreg $0xFFFFFFFF  }
0xad: {  	s28 =	simm.s32 $_size_execute0_lowered;
	s3 =	sadd.s32 s3, s5;
	[dreg:$0x0] =	wrdreg $0x0  }
0xae: {  	s5 =	sshll.u32 s28, $0x1;
	[dreg:$0x2] =	wrdreg s3  }
0xaf: {  	[dreg:$0x3] =	wrdreg s5  }
0xb0: {  	[dreg:$0x4] =	wrdreg $0xC0  }
0xb1: {  	_ =	task [dreg:s7], $0x5FFFF  }
0xb2: {  	[dreg:$0x1] =	wrdreg $0xFFFFFFFF  }
0xb3: {  	[dreg:$0x0] =	wrdreg $0x60  }
0xb4: {  	[dreg:$0x2] =	wrdreg s24  }
0xb5: {  	[dreg:$0x3] =	wrdreg s16  }
0xb6: {  	[dreg:$0x4] =	wrdreg $0x9  }
0xb7: {  	_ =	task.clear_ibuf [dreg:s7], $0x5FFFF;
	_ =	strace $0x90000049  }
0xb8: {  	s29 =	simm.s32 $0x9;
	_ =	strace $0x8000004B  }
0xb9: {  	_ =	swait.ge [sflag:s29], $0x1  }
0xba: {  	[sflag:s29] =	ssyncadd.s32 $0xFFFFFFFF  }
0xbb: {  	_ =	strace $0x9000004B  }
0xbc: {  	_ =	sfence  }
0xbd: {  	s30 =	sld [smem:$0x0];
	_ =	sdelay $0x2  }
0xbe: {  	s31 =	sshll.u32 s1, $0xD;
	s1 =	sshrl.u32 s1, $0x2  }
0xbf: {  	s3 =	sand.u32 $0x4000, s31;
	s1 =	sadd.s32 s1, s30  }
0xc0: {  	s0 =	sor.u32 s3, s0;
	s1 =	sshll.u32 s1, $0x11  }
0xc1: {  	s0 =	sor.u32 s1, s0  }
0xc2: {  	s0 =	sadd.s32 $0x8F2B, s0  }
0xc3: {  	[sflag:s0] =	ssyncadd.remote.s32 $0x1  }
0xc4: {  	_ =	sfence.sel $0xFFFF  }
0xc5: {  	[dreg:$0x0] =	wrdreg $0xFFFFFFFF;
	(pc) =	sbr.abs _section_cstart, $3  }
0xc6: {  	[dreg:$0x1] =	wrdreg $0xFFFFFFFF  }
0xc7: {  	_ =	task.clear_ibuf [dreg:s7], $0x2FFFF;
	_ =	strace $0x9FFFFFFF  }
0xc8: {  	(tm) =	ssettm $0x7FFFFFFF  }
0xc9: {  	_ =	shalt  }
tec
execute0_lowered:
.L_overlay_start_1:
0x0: {  	(tag) =	ssettag $0x1  }
0x1: {  	s0 =	stileid.u32  }
0x2: {  	s1 =	srdreg.scid;
	s5 =	rddreg [dreg:$0x0];
	s3 =	sshrl.u32 s0, $0x2  }
0x3: {  	s2 =	sshll.u32 s0, $0x1;
	s4 =	sand.u32 $0x1, s1;
	s6 =	smul.u32 $0x500, s3  }
0x4: {  	s10 =	sand.u32 $0x3, s0;
	s29 =	sand.u32 $0x6, s2;
	s3 =	smul.u32 $0x27200, s3  }
0x5: {  	s8 =	rddreg [dreg:$0x1];
	s10 =	smul.u32 $0x9C80, s10;
	s7 =	sor.u32 s4, s29  }
0x6: {  	s14 =	simm.s32 $0x0;
	s1 =	rddreg [dreg:$0x2];
	s9 =	smul.u32 $0x9C8, s7  }
0x7: {  	s2 =	simm.s32 $0x0;
	s30 =	ssub.s32 $0x2, s4;
	s7 =	smul.u32 $0x4E40, s7  }
0x8: {  	s13 =	smul.u32 $0x4E40, s4;
	[smem:$0x7FF] =	sst s2;
	s31 =	sshrl.u32 s30, $0x1  }
0x9: {  	_ =	strace $0x8000004A;
	s6 =	sadd.s32 s6, s5;
	s3 =	sadd.s32 s3, s7  }
0xa: {  	s9 =	sadd.s32 s9, s5;
	s7 =	ssub.s32 s30, s31;
	s11 =	sshrl.u32 s3, $0x3  }
0xb: {  	s3 =	sadd.s32 $0x1200, s6;
	s4 =	sadd.s32 $0x3A00, s9;
	s7 =	smax.u32 s7, $0x1  }
0xc: {  	s12 =	sadd.s32 s11, s5;
	s5 =	sadd.s32 s8, s11;
	s8 =	sadd.s32 s13, s10  }
0xd: {  	s10 =	simm.s32 $0x1;
	s11 =	simm.s32 $0x2800;
	s13 =	simm.s32 $0xC480  }
0xe: {  	s6 =	sadd.s32 $0x8A00, s12;
	s9 =	sadd.s32 $0x4E00, s8;
	s12 =	simm.s32 $0x7640  }
.LBB2_1:
0xf: {  	[tilespmem:s2], [sflag:$0x1] =	stream.linear.gather [hbm4b:s3+s2], $0x2800, $0x38;
	[tilespmem:$0x112C0] =	vst v63  }
0x10: {  	_ =	swait.ge [sflag:s10], $0x2800  }
0x11: {  	[sflag:s10] =	ssyncset.done $0x0  }
0x12: {  	[sflag:s10] =	ssyncadd.s32 $0xFFFFD800  }
0x13: {  	[tilespmem:s11], [sflag:$0x1] =	stream.linear.gather [hbm4b:s4+s2], $0x4E40, $0x38;
	[tilespmem:$0x112C0] =	vst v63  }
0x14: {  	_ =	swait.ge [sflag:s10], $0x4E40  }
0x15: {  	[sflag:s10] =	ssyncset.done $0x0  }
0x16: {  	[sflag:s10] =	ssyncadd.s32 $0xFFFFB1C0  }
0x17: {  	[tilespmem:s12], [sflag:$0x1] =	stream.linear.gather [hbm4b:s5+s2], $0x4E40, $0x38;
	[tilespmem:$0x112C0] =	vst v63  }
0x18: {  	_ =	swait.ge [sflag:s10], $0x4E40  }
0x19: {  	[sflag:s10] =	ssyncset.done $0x0  }
0x1a: {  	s15 =	simm.s32 $0x2840;
	[sflag:s10] =	ssyncadd.s32 $0xFFFFB1C0  }
0x1b: {  	v0 =	vld [tilespmem:s15+$0x30]  }
0x1c: {  	v1 =	vld [tilespmem:s15+$0xFFFFFFD0]  }
0x1d: {  	v2 =	vld [tilespmem:s15+$0xFFFFFFE0]  }
0x1e: {  	v3 =	vld [tilespmem:s15+$0xFFFFFFF0]  }
0x1f: {  	v4 =	vld [tilespmem:s15+$0x0]  }
0x20: {  	v6 =	vld [tilespmem:s15+$0xFFFFFFC0];
	v0 =	vshrl.u32 v0, $0xE  }
0x21: {  	v5 =	vld [tilespmem:s15+$0x10];
	v1 =	vshrl.u32 v1, $0xE  }
0x22: {  	s20 =	simm.s32 $0x7680;
	v7 =	vld [tilespmem:s15+$0x20];
	v2 =	vshrl.u32 v2, $0xE  }
0x23: {  	v10 =	vld [tilespmem:s20+$0x30];
	v3 =	vshrl.u32 v3, $0xE  }
0x24: {  	v11 =	vld [tilespmem:s20+$0xFFFFFFF0];
	v8 =	vshrl.u32 v4, $0xE  }
0x25: {  	v6 =	vshrl.u32 v6, $0xE;
	v9 =	vld.idx.msk [tilespmem:v0+s2+$0x0], $0xffff  }
0x26: {  	v0 =	vshrl.u32 v5, $0xE;
	v5 =	vld.idx.msk [tilespmem:v1+s2+$0x0], $0xffff  }
0x27: {  	v4 =	vld.idx.msk [tilespmem:v2+s2+$0x0], $0xffff  }
0x28: {  	s19 =	simm.s32 $0xC4C0;
	s21 =	simm.s32 $0x0;
	s22 =	sadd.s32 $0xFFFFFF80, s8;
	v3 =	vld.idx.msk [tilespmem:v3+s2+$0x0], $0xffff  }
0x29: {  	s23 =	sadd.s32 $0x80, s22;
	s24 =	sadd.s32 $0x90, s22;
	s25 =	sadd.s32 $0xF0, s22;
	v1 =	vshrl.u32 v7, $0xE;
	v2 =	vld.idx.msk [tilespmem:v8+s2+$0x0], $0xffff  }
0x2a: {  	s26 =	sadd.s32 $0xA0, s22;
	s28 =	sadd.s32 $0xB0, s22;
	s31 =	sadd.s32 $0xC0, s22;
	v6 =	vld.idx.msk [tilespmem:v6+s2+$0x0], $0xffff;
	v9 =	vmul.f32 v9, v10  }
0x2b: {  	s29 =	sadd.s32 $0xD0, s22;
	s22 =	sadd.s32 $0xE0, s22;
	p0 =	slt.u32 s25, $0x27100;
	v7 =	vld [tilespmem:s20+$0xFFFFFFC0]  }
0x2c: {  	s16 =	simm.s32 $0x7600;
	s17 =	simm.s32 $0x4DF0;
	v8 =	vld [tilespmem:s20+$0xFFFFFFD0];
	v9 =	vpsel !p0, $0x0, v9;
	p0 =	slt.u32 s22, $0x27100  }
0x2d: {  	s18 =	simm.s32 $0x11280;
	p1 =	slt.u32 s23, $0x27100;
	v0 =	vld.idx.msk [tilespmem:v0+s2+$0x0], $0xffff;
	s22 =	simm.s32 @!p0 $0x0  }
0x2e: {  	p5 =	slt.u32 s24, $0x27100;
	p6 =	slt.u32 s26, $0x27100;
	v1 =	vld.idx.msk [tilespmem:v1+s2+$0x0], $0xffff;
	[tilespmem:s19+$0x30] =	vst v9;
	s22 =	simm.s32 @p0 $0x1  }
0x2f: {  	p4 =	slt.u32 s28, $0x27100;
	p3 =	slt.u32 s31, $0x27100;
	v10 =	vld [tilespmem:s20+$0xFFFFFFE0];
	[smem:$0x7FD] =	sst s22  }
0x30: {  	p2 =	slt.u32 s29, $0x27100;
	s15 =	simm.s32 $0xC440;
	s22 =	simm.s32 $0x28C0;
	v9 =	vld [tilespmem:s20+$0x0]  }
.LBB2_2:
0x31: {  	_ =	sdelay $0x1  }
0x32: {  	v12 =	vld [tilespmem:s22+$0x30]  }
0x33: {  	v6 =	vmul.f32 v6, v7;
	v7 =	vld [tilespmem:s22+$0xFFFFFFD0]  }
0x34: {  	v5 =	vmul.f32 v5, v8;
	v8 =	vld [tilespmem:s22+$0xFFFFFFE0]  }
0x35: {  	v4 =	vmul.f32 v4, v10;
	v10 =	vld [tilespmem:s22+$0xFFFFFFF0]  }
0x36: {  	v3 =	vmul.f32 v3, v11;
	v11 =	vld [tilespmem:s20+$0x20];
	v6 =	vpsel !p1, $0x0, v6  }
0x37: {  	v2 =	vmul.f32 v2, v9;
	v9 =	vshrl.u32 v12, $0xE;
	v5 =	vpsel !p5, $0x0, v5;
	[tilespmem:s19+$0xFFFFFFC0] =	vst v6;
	v6 =	vld [tilespmem:s22+$0x0]  }
0x38: {  	v3 =	vpsel !p4, $0x0, v3;
	[tilespmem:s19+$0xFFFFFFD0] =	vst v5;
	v5 =	vld [tilespmem:s22+$0x10]  }
0x39: {  	v4 =	vpsel !p6, $0x0, v4;
	[tilespmem:s19+$0xFFFFFFF0] =	vst v3;
	v3 =	vld [tilespmem:s22+$0xFFFFFFC0]  }
0x3a: {  	v2 =	vpsel !p3, $0x0, v2;
	[tilespmem:s19+$0xFFFFFFE0] =	vst v4;
	v4 =	vshrl.u32 v7, $0xE;
	v7 =	vld [tilespmem:s22+$0x20]  }
0x3b: {  	s23 =	smov.u32 s21;
	s21 =	sadd.s32 $0x80, s21;
	[tilespmem:s19+$0x0] =	vst v2;
	v8 =	vshrl.u32 v8, $0xE;
	v2 =	vshrl.u32 v10, $0xE;
	v10 =	vld [tilespmem:s20+$0x10]  }
0x3c: {  	p0 =	slt.u32 s21, $0x4D80;
	s23 =	sadd.s32 s23, s8;
	s20 =	sadd.s32 $0x80, s20;
	v9 =	vld.idx.msk [tilespmem:v9+s2+$0x0], $0xffff  }
0x3d: {  	s28 =	sld [smem:$0x7FD];
	s24 =	simm.s32 @!p0 $0x0;
	s25 =	sadd.s32 $0x90, s23;
	v13 =	vld [tilespmem:s20+$0x30]  }
0x3e: {  	s26 =	sadd.s32 $0xF0, s23;
	s29 =	sadd.s32 $0xB0, s23;
	s24 =	simm.s32 @p0 $0x1;
	v1 =	vmul.f32 v1, v11;
	v11 =	vld [tilespmem:s20+$0xFFFFFFF0]  }
0x3f: {  	s31 =	sadd.s32 $0xC0, s23;
	s30 =	sadd.s32 $0xD0, s23;
	[smem:$0x7FC] =	sst s24;
	v6 =	vshrl.u32 v6, $0xE;
	v63 =	vshrl.u32 v5, $0xE;
	v5 =	vld.idx.msk [tilespmem:v4+s2+$0x0], $0xffff  }
0x40: {  	s24 =	sadd.s32 $0x80, s23;
	p5 =	seq.s32 s28, $0x1;
	s28 =	sadd.s32 $0xA0, s23;
	v4 =	vld.idx.msk [tilespmem:v8+s2+$0x0], $0xffff  }
0x41: {  	s23 =	sadd.s32 $0xE0, s23;
	p3 =	slt.u32 s31, $0x27100;
	s31 =	sld [smem:$0x7FC];
	v14 =	vshrl.u32 v3, $0xE;
	v3 =	vld.idx.msk [tilespmem:v2+s2+$0x0], $0xffff  }
0x42: {  	p0 =	slt.u32 s23, $0x27100;
	v7 =	vshrl.u32 v7, $0xE;
	v0 =	vmul.f32 v0, v10;
	v10 =	vld [tilespmem:s20+$0xFFFFFFE0]  }
0x43: {  	s23 =	simm.s32 @!p0 $0x0;
	v8 =	vmul.f32 v9, v13;
	v9 =	vld [tilespmem:s20+$0x0]  }
0x44: {  	s23 =	simm.s32 @p0 $0x1;
	p0 =	seq.s32 s31, $0x1;
	v1 =	vpsel !p5, $0x0, v1;
	v2 =	vld.idx.msk [tilespmem:v6+s2+$0x0], $0xffff  }
.Ltmp0:
0x45: {  	[tilespmem:s19+$0x20] =	vst v1;
	v6 =	vpsel !p2, $0x0, v0;
	v0 =	vld.idx.msk [tilespmem:v63+s2+$0x0], $0xffff;
	(pc) =	sbr.rel @p0 .LBB2_2-.Ltmp0, $4  }
0x46: {  	[tilespmem:s19+$0x10] =	vst v6;
	v6 =	vld.idx.msk [tilespmem:v14+s2+$0x0], $0xffff  }
0x47: {  	p6 =	slt.u32 s26, $0x27100;
	p1 =	slt.u32 s24, $0x27100;
	p4 =	slt.u32 s29, $0x27100;
	v1 =	vld.idx.msk [tilespmem:v7+s2+$0x0], $0xffff  }
0x48: {  	s22 =	sadd.s32 $0x80, s22;
	[smem:$0x7FD] =	sst s23;
	v8 =	vpsel !p6, $0x0, v8;
	s19 =	sadd.s32 $0x80, s19;
	v7 =	vld [tilespmem:s20+$0xFFFFFFC0]  }
0x49: {  	p5 =	slt.u32 s25, $0x27100;
	p6 =	slt.u32 s28, $0x27100;
	p2 =	slt.u32 s30, $0x27100;
	[tilespmem:s19+$0x30] =	vst v8;
	v8 =	vld [tilespmem:s20+$0xFFFFFFD0]  }
0x4a: {  	v61 =	vld [tilespmem:s20+$0x10];
	v4 =	vmul.f32 v4, v10  }
0x4b: {  	v3 =	vmul.f32 v3, v11  }
0x4c: {  	v2 =	vmul.f32 v2, v9;
	v4 =	vpsel !p6, $0x0, v4  }
0x4d: {  	v3 =	vpsel !p4, $0x0, v3;
	v6 =	vmul.f32 v6, v7;
	[tilespmem:s19+$0xFFFFFFE0] =	vst v4  }
0x4e: {  	v2 =	vpsel !p3, $0x0, v2;
	[tilespmem:s19+$0xFFFFFFF0] =	vst v3;
	v5 =	vmul.f32 v5, v8  }
0x4f: {  	[tilespmem:s19+$0x0] =	vst v2;
	v6 =	vpsel !p1, $0x0, v6;
	v0 =	vmul.f32 v0, v61  }
0x50: {  	v62 =	vld [tilespmem:s20+$0x20];
	[tilespmem:s19+$0xFFFFFFC0] =	vst v6;
	v5 =	vpsel !p5, $0x0, v5  }
0x51: {  	[tilespmem:s19+$0xFFFFFFD0] =	vst v5;
	v0 =	vpsel !p2, $0x0, v0  }
0x52: {  	[tilespmem:s19+$0x10] =	vst v0  }
0x53: {  	s31 =	sld [smem:$0x7FD];
	_ =	sdelay $0x1  }
0x54: {  	v1 =	vmul.f32 v1, v62  }
0x55: {  	p0 =	seq.s32 s31, $0x1  }
0x56: {  	v63 =	vpsel !p0, $0x0, v1  }
0x57: {  	[tilespmem:s19+$0x20] =	vst v63  }
.LBB2_4:
0x58: {  	v0 =	vld [tilespmem:s16+$0x0];
	_ =	sdelay $0x4  }
0x59: {  	v0 =	vshrl.u32 v0, $0xE;
	_ =	sdelay $0x3  }
0x5a: {  	v1 =	vld [tilespmem:s15+$0x0]  }
0x5b: {  	v0 =	vld.idx.msk [tilespmem:v0+s2+$0x0], $0xffff;
	_ =	sdelay $0x3  }
0x5c: {  	s19 =	sadd.s32 s17, s9  }
0x5d: {  	s19 =	sadd.s32 $0xFFFFB210, s19;
	v0 =	vmul.f32 v0, v1  }
0x5e: {  	s17 =	sadd.s32 $0x10, s17;
	p0 =	slt.u32 s19, $0x27100  }
0x5f: {  	v0 =	vpsel !p0, $0x0, v0;
	p0 =	slt.u32 s17, $0x4E30  }
.Ltmp1:
0x60: {  	_ = 	snop;
	(pc) =	sbr.rel @p0 .LBB2_4-.Ltmp1, $2  }
0x61: {  	_ =	sdelay $0x2  }
0x62: {  	s15 =	sadd.s32 $0x10, s15;
	s16 =	sadd.s32 $0x10, s16;
	[tilespmem:s18+$0x0] =	vst v0;
	s18 =	sadd.s32 $0x10, s18  }
0x63: {  	s14 =	sadd.s32 $0x1, s14  }
0x64: {  	p0 =	sne.s32 s14, s7  }
.Ltmp2:
0x65: {  	_ = 	snop;
	(pc) =	sbr.rel @p0 .LBB2_1-.Ltmp2, $4  }
0x66: {  	[hbm4b:s6+s2] =	stream.linear.scatter [tilespmem:s13], [sflag:$0x1], $0x4E40, $0x38;
	[tilespmem:$0x112C0] =	vst v63  }
0x67: {  	_ =	swait.ge [sflag:s10], $0x4E40  }
0x68: {  	[sflag:s10] =	ssyncset.done $0x0  }
0x69: {  	[sflag:s10] =	ssyncadd.s32 $0xFFFFB1C0  }
0x6a: {  	_ =	sfence.sel $0x180000  }
0x6b: {  	[bflag:$0x0] =	sbarrier.arrive $0xFFFF  }
0x6c: {  	p0 =	sne.s32 s0, $0x0;
	_ =	strace $0x9000004A  }
0x6d: {  	s0 =	sadd.s32 @!p0 $0x100000, s1;
	[bflag:$0x2] =	sbarrier.arrive $0xFFFF  }
0x6e: {  	[sflag:s0] =	ssyncadd.tile.s32 @!p0 $0x1;
	_ =	shalt  }
.Lfunc_end2:
_tile_overlayer_lowered:
.L_overlay_start_2:
0x6f: {  	(tag) =	ssettag $0x2  }
0x70: {  	s0 =	rddreg [dreg:$0x0];
	s2 =	stileid.u32  }
0x71: {  	s1 =	rddreg [dreg:$0x1];
	p0 =	sne.s32 s2, $0x0  }
0x72: {  	s3 =	rddreg [dreg:$0x2];
	[bflag:$0x3] =	sbarrier.arrive $0xFFFF;
	s2 =	simm.s32 @!p0 $0x1C01  }
0x73: {  	[timem:s3], [sflag:s2] =	dma.local @!p0 [hbm:s0], s1  }
0x74: {  	s0 =	simm.s32 @!p0 $0x1  }
0x75: {  	_ =	swait.ge @!p0 [sflag:s0], s1  }
0x76: {  	s1 =	ssub.s32 @!p0 $0x0, s1;
	[sflag:s0] =	ssyncset.done @!p0 $0x0  }
0x77: {  	[sflag:s0] =	ssyncadd.s32 @!p0 s1  }
0x78: {  	[bflag:$0x3] =	sbarrier.arrive $0xFFFF  }
0x79: {  	_ =	shalt  }

// kernel: kernel.13.cloned.1.call-start
scs
__scs_entry_jumppad:
0x0: {  	(pc) =	sbr.rel $0x88, $3  }
0x1: {  	(tag) =	ssettag $0x0;
	lr =	simm.s32 $0x1  }
0x2: {  	[smem:$0x3F9C] =	sst lr;
	_ =	strace $0xD0000000  }
0x3: {  	_ = 	snop  }
0x4: {  	_ = 	snop  }
0x5: {  	_ = 	snop  }
0x6: {  	_ = 	snop  }
0x7: {  	_ = 	snop  }
__scs_overlays_trampoline_lowered:
0x8: {  	[smem:$0x3FAB] =	sst s0  }
0x9: {  	[smem:$0x3FAC] =	sst s1  }
0xa: {  	[smem:$0x3FAD] =	sst s2  }
0xb: {  	[smem:$0x3FAE] =	sst s3  }
0xc: {  	[smem:$0x3FAF] =	sst s4  }
0xd: {  	[smem:$0x3FB0] =	sst s5  }
0xe: {  	[smem:$0x3FB1] =	sst s6  }
0xf: {  	[smem:$0x3FB2] =	sst s7  }
0x10: {  	[smem:$0x3FB3] =	sst s8  }
0x11: {  	[smem:$0x3FB4] =	sst s9;
	s0 =	simm.s32 @!p0 $0x0  }
0x12: {  	s1 =	sld [smem:$0x3F9A];
	s0 =	simm.s32 @p0 $0x1  }
0x13: {  	[smem:$0x3FB5] =	sst s0;
	s0 =	simm.s32 @!p1 $0x0  }
0x14: {  	s2 =	sld [smem:$0x3F99];
	s0 =	simm.s32 @p1 $0x1  }
0x15: {  	[smem:$0x3FB6] =	sst s0;
	s0 =	simm.s32 @!p2 $0x0  }
0x16: {  	s3 =	sld [smem:$0x3FDB];
	s0 =	simm.s32 @p2 $0x1  }
0x17: {  	s4 =	simm.s32 $0x1BF5;
	[smem:$0x3FB8] =	sst s0  }
0x18: {  	s0 =	sld [smem:$0x3F9B];
	_ =	swait.ge [sflag:s4], $0x0  }
0x19: {  	s7 =	sld [smem:$0x3F9C]  }
0x1a: {  	s8 =	sadd.s32 $0xFFFFE003, lr  }
0x1b: {  	s9 =	sadd.s32 $0xFFFFFEF7, lr;
	s5 =	simm.s32 $0xFFFFFFFF;
	p2 =	slt.u32 s8, $0xFFFFF086  }
0x1c: {  	p1 =	slt.u32 s9, $0xF7A;
	s5 =	simm.s32 @!p2 $0x0  }
0x1d: {  	s5 =	simm.s32 @p1 $0x1;
	p0 =	seq.s32 s7, s2  }
0x1e: {  	s7 =	smul.u32 @!p0 $0xF7A, s2;
	p2 =	seq.s32 @!p0 s5, $0x0  }
0x1f: {  	s9 =	smul.u32 $0xF7A, s1;
	s8 =	simm.s32 @!p0 $0x1BF5;
	p2 =	por !p2, p0  }
0x20: {  	[sflag:s8] =	ssyncset.s32 @!p0 $0xFFFFF086;
	s6 =	sadd.s32 @!p0 s3, s7;
	s7 =	simm.s32 @!p0 $0x108  }
0x21: {  	s3 =	sadd.s32 s3, s9;
	s6 =	sadd.s32 @!p0 $0x88, s6;
	s7 =	simm.s32 @p2 $0x1082  }
0x22: {  	[simem:s7], [sflag:s8] =	dma.local @!p0 [hbm:s6], $0xF7A  }
0x23: {  	s9 =	sor.u32 $0xD0000000, s2;
	s6 =	simm.s32 $0x108;
	_ =	swait.ge @!p0 [sflag:s8], $0x0  }
0x24: {  	s3 =	sadd.s32 $0x88, s3;
	s6 =	simm.s32 @!p1 $0x1082;
	[sflag:s4] =	ssyncset.s32 $0xFFFFF086  }
0x25: {  	[simem:s6], [sflag:s4] =	dma.local [hbm:s3], $0xF7A  }
0x26: {  	[smem:$0x3F9C] =	sst s1;
	(tag) =	ssettag s2;
	_ =	strace s9  }
0x27: {  	s1 =	sld [smem:$0x3FAC]  }
0x28: {  	s2 =	sld [smem:$0x3FAD]  }
0x29: {  	s4 =	sld [smem:$0x3FAF]  }
0x2a: {  	p0 =	seq.s32 s5, $0x0;
	s5 =	sld [smem:$0x3FB0]  }
0x2b: {  	s6 =	sld [smem:$0x3FB1]  }
0x2c: {  	s7 =	sld [smem:$0x3FB2]  }
0x2d: {  	s3 =	simm.s32 $0x108;
	s8 =	sld [smem:$0x3FB3]  }
0x2e: {  	s3 =	simm.s32 @!p0 $0x1082;
	s9 =	sld [smem:$0x3FB4]  }
0x2f: {  	lr =	sadd.s32 s0, s3;
	s0 =	sld [smem:$0x3FAB]  }
0x30: {  	s3 =	sld [smem:$0x3FAE]  }
0x31: {  	[smem:$0x3FB7] =	sst s10  }
0x32: {  	s10 =	sld [smem:$0x3FB5];
	_ =	sdelay $0x3  }
0x33: {  	p0 =	seq.s32 s10, $0x1;
	s10 =	sld [smem:$0x3FB7];
	_ =	sdelay $0x3  }
0x34: {  	[smem:$0x3FB7] =	sst s10  }
0x35: {  	s10 =	sld [smem:$0x3FB6];
	_ =	sdelay $0x3  }
0x36: {  	p1 =	seq.s32 s10, $0x1;
	s10 =	sld [smem:$0x3FB7];
	_ =	sdelay $0x3  }
0x37: {  	[smem:$0x3FB7] =	sst s10  }
0x38: {  	s10 =	sld [smem:$0x3FB8]  }
0x39: {  	_ = 	snop;
	(pc) =	sbr.ind lr, $3  }
0x3a: {  	_ = 	snop  }
0x3b: {  	_ = 	snop  }
0x3c: {  	p2 =	seq.s32 s10, $0x1;
	s10 =	sld [smem:$0x3FB7]  }
0x3d: {  	_ =	shalt  }
0x3e: {  	_ =	shalt  }
0x3f: {  	_ =	shalt  }
0x40: {  	_ =	shalt  }
0x41: {  	_ =	shalt  }
0x42: {  	_ =	shalt  }
0x43: {  	_ =	shalt  }
0x44: {  	_ =	shalt  }
0x45: {  	_ =	shalt  }
0x46: {  	_ =	shalt  }
0x47: {  	_ =	shalt  }
0x48: {  	_ =	shalt  }
0x49: {  	_ =	shalt  }
0x4a: {  	_ =	shalt  }
0x4b: {  	_ =	shalt  }
0x4c: {  	_ =	shalt  }
0x4d: {  	_ =	shalt  }
0x4e: {  	_ =	shalt  }
0x4f: {  	_ =	shalt  }
0x50: {  	_ =	shalt  }
0x51: {  	_ =	shalt  }
0x52: {  	_ =	shalt  }
0x53: {  	_ =	shalt  }
0x54: {  	_ =	shalt  }
0x55: {  	_ =	shalt  }
0x56: {  	_ =	shalt  }
0x57: {  	_ =	shalt  }
0x58: {  	_ =	shalt  }
0x59: {  	_ =	shalt  }
0x5a: {  	_ =	shalt  }
0x5b: {  	_ =	shalt  }
0x5c: {  	_ =	shalt  }
0x5d: {  	_ =	shalt  }
0x5e: {  	_ =	shalt  }
0x5f: {  	_ =	shalt  }
0x60: {  	_ =	shalt  }
0x61: {  	_ =	shalt  }
0x62: {  	_ =	shalt  }
0x63: {  	_ =	shalt  }
0x64: {  	_ =	shalt  }
0x65: {  	_ =	shalt  }
0x66: {  	_ =	shalt  }
0x67: {  	_ =	shalt  }
0x68: {  	_ =	shalt  }
0x69: {  	_ =	shalt  }
0x6a: {  	_ =	shalt  }
0x6b: {  	_ =	shalt  }
0x6c: {  	_ =	shalt  }
0x6d: {  	_ =	shalt  }
0x6e: {  	_ =	shalt  }
0x6f: {  	_ =	shalt  }
0x70: {  	_ =	shalt  }
0x71: {  	_ =	shalt  }
0x72: {  	_ =	shalt  }
0x73: {  	_ =	shalt  }
0x74: {  	_ =	shalt  }
0x75: {  	_ =	shalt  }
0x76: {  	_ =	shalt  }
0x77: {  	_ =	shalt  }
0x78: {  	_ =	shalt  }
0x79: {  	_ =	shalt  }
0x7a: {  	_ =	shalt  }
0x7b: {  	_ =	shalt  }
0x7c: {  	_ =	shalt  }
0x7d: {  	_ =	shalt  }
0x7e: {  	_ =	shalt  }
0x7f: {  	_ =	shalt  }
0x80: {  	_ =	shalt  }
0x81: {  	_ =	shalt  }
0x82: {  	_ =	shalt  }
0x83: {  	_ =	shalt  }
0x84: {  	_ =	shalt  }
0x85: {  	_ =	shalt  }
0x86: {  	_ =	shalt  }
0x87: {  	_ =	shalt  }
.Lfunc_end0:
.L_simem_size_0:
called_computation.2_lowered:
.L_overlay_start_0:
0x88: {  	s2 =	sld [smem:$0x3FD9]  }
0x89: {  	s3 =	sld [smem:$0x3FFE];
	_ =	sdelay $0x1  }
0x8a: {  	s1 =	srdreg.scid  }
0x8b: {  	s0 =	sand.u32 $0x1, s1  }
0x8c: {  	s14 =	sshll.u32 s0, $0xA;
	s2 =	sadd.s32 s3, s2  }
0x8d: {  	s2 =	sadd.s32 s2, s14  }
0x8e: {  	[smem:$0x3FC3] =	sst s2  }
0x8f: {  	_ = 	snop  }
0x90: {  	s2 =	sld [smem:$0x3FD0];
	_ =	sdelay $0x2  }
0x91: {  	s15 =	simm.s32 $0xA;
	s4 =	simm.s32 $0x10  }
0x92: {  	[smem:s4], [sflag:s15] =	dma.local [hbm:s2], $0x1  }
0x93: {  	_ =	swait.eq [sflag:s15], $0x1  }
0x94: {  	[sflag:s15] =	ssyncset.done $0x0  }
0x95: {  	[sflag:s15] =	ssyncadd.s32 $0xFFFFFFFF  }
0x96: {  	s16 =	sld [smem:$0x10];
	(tm) =	ssettm $0x1  }
0x97: {  	s17 =	sld [smem:$0x3FFB];
	_ =	sdelay $0x3  }
0x98: {  	_ =	strace s17  }
0x99: {  	s3 =	sld [smem:$0x3FFC];
	_ =	sdelay $0x3  }
0x9a: {  	_ =	strace s3  }
0x9b: {  	s3 =	sld [smem:$0x3FFD];
	_ =	sdelay $0x3  }
0x9c: {  	_ =	strace s3  }
0x9d: {  	_ =	strace $0x8FFFFFFF  }
0x9e: {  	s18 =	sld [smem:$0x3FDB];
	_ =	sdelay $0x1  }
0x9f: {  	s19 =	simm.s32 $_scs_section_size  }
0xa0: {  	s5 =	simm.s32 $_size__tile_overlayer_lowered;
	s6 =	simm.s32 $_tile_overlayer_lowered  }
0xa1: {  	s22 =	simm.s32 $0x1BFF;
	s21 =	sshll.u32 s6, $0x1;
	s3 =	sadd.s32 s19, s18  }
0xa2: {  	s7 =	simm.s32 $0x0;
	s20 =	sshll.u32 s5, $0x1;
	s5 =	sadd.s32 s21, s3  }
0xa3: {  	[timem:s7], [sflag:s22] =	dma.local [hbm:s5], s20  }
0xa4: {  	_ =	swait.ge [sflag:s22], s20  }
0xa5: {  	s4 =	ssub.s32 $0x0, s20;
	[sflag:s22] =	ssyncset.done $0x0  }
0xa6: {  	[sflag:s22] =	ssyncadd.s32 s4;
	_ =	sdelay $0x1  }
0xa7: {  	s23 =	simm.s32 $0x1B8B  }
0xa8: {  	_ =	swait.ge [sflag:s23], $0x1  }
0xa9: {  	[sflag:s23] =	ssyncset.done $0x0  }
0xaa: {  	s25 =	simm.s32 $0x1B8E;
	s24 =	sld [smem:$0x3FFE];
	[sflag:s23] =	ssyncadd.s32 $0xFFFFFFFF  }
0xab: {  	s26 =	simm.s32 $execute0_lowered;
	[smem:$0x3FD2] =	sst s25  }
0xac: {  	s5 =	sshll.u32 s26, $0x1;
	_ =	strace $0x8000004C;
	[dreg:$0x1] =	wrdreg $0xFFFFFFFF  }
0xad: {  	s28 =	simm.s32 $_size_execute0_lowered;
	s3 =	sadd.s32 s3, s5;
	[dreg:$0x0] =	wrdreg $0x0  }
0xae: {  	s5 =	sshll.u32 s28, $0x1;
	[dreg:$0x2] =	wrdreg s3  }
0xaf: {  	[dreg:$0x3] =	wrdreg s5  }
0xb0: {  	[dreg:$0x4] =	wrdreg $0xC0  }
0xb1: {  	_ =	task [dreg:s7], $0x5FFFF  }
0xb2: {  	[dreg:$0x1] =	wrdreg $0xFFFFFFFF  }
0xb3: {  	[dreg:$0x0] =	wrdreg $0x60  }
0xb4: {  	[dreg:$0x2] =	wrdreg s24  }
0xb5: {  	[dreg:$0x3] =	wrdreg s16  }
0xb6: {  	[dreg:$0x4] =	wrdreg $0x9  }
0xb7: {  	_ =	task.clear_ibuf [dreg:s7], $0x5FFFF;
	_ =	strace $0x9000004C  }
0xb8: {  	s29 =	simm.s32 $0x9;
	_ =	strace $0x8000004E  }
0xb9: {  	_ =	swait.ge [sflag:s29], $0x1  }
0xba: {  	[sflag:s29] =	ssyncadd.s32 $0xFFFFFFFF  }
0xbb: {  	_ =	strace $0x9000004E  }
0xbc: {  	_ =	sfence  }
0xbd: {  	s30 =	sld [smem:$0x0];
	_ =	sdelay $0x2  }
0xbe: {  	s31 =	sshll.u32 s1, $0xD;
	s1 =	sshrl.u32 s1, $0x2  }
0xbf: {  	s3 =	sand.u32 $0x4000, s31;
	s1 =	sadd.s32 s1, s30  }
0xc0: {  	s0 =	sor.u32 s3, s0;
	s1 =	sshll.u32 s1, $0x11  }
0xc1: {  	s0 =	sor.u32 s1, s0  }
0xc2: {  	s0 =	sadd.s32 $0x8F2B, s0  }
0xc3: {  	[sflag:s0] =	ssyncadd.remote.s32 $0x1  }
0xc4: {  	_ =	sfence.sel $0xFFFF  }
0xc5: {  	[dreg:$0x0] =	wrdreg $0xFFFFFFFF;
	(pc) =	sbr.abs _section_cstart, $3  }
0xc6: {  	[dreg:$0x1] =	wrdreg $0xFFFFFFFF  }
0xc7: {  	_ =	task.clear_ibuf [dreg:s7], $0x2FFFF;
	_ =	strace $0x9FFFFFFF  }
0xc8: {  	(tm) =	ssettm $0x7FFFFFFF  }
0xc9: {  	_ =	shalt  }
tec
execute0_lowered:
.L_overlay_start_1:
0x0: {  	(tag) =	ssettag $0x1  }
0x1: {  	s0 =	srdreg.scid;
	s20 =	stileid.u32  }
0x2: {  	s2 =	sand.u32 $0x1, s0;
	s28 =	sshll.u32 s20, $0x1  }
0x3: {  	s1 =	sor.u32 s2, s28  }
0x4: {  	s4 =	smul.u32 $0x1400, s1  }
0x5: {  	s11 =	smul.u32 $0x2710, s1  }
0x6: {  	s3 =	sshll.u32 s1, $0x2;
	s9 =	sshllo.u32 s1, $0x2;
	s13 =	smul.u32 $0x13880, s1  }
0x7: {  	s5 =	sor.u32 $0x1, s3;
	s10 =	smul.u32 $0x500, s9  }
0x8: {  	s7 =	sor.u32 $0x2, s3;
	s6 =	smul.u32 $0x500, s5  }
0x9: {  	s8 =	smul.u32 $0x500, s7  }
0xa: {  	s2 =	ssub.s32 $0x2, s2;
	s14 =	smul.u32 $0x9C4, s5  }
0xb: {  	s15 =	sshrl.u32 s2, $0x1;
	s5 =	smul.u32 $0x4E20, s5  }
0xc: {  	s2 =	ssub.s32 s2, s15;
	s31 =	sor.u32 $0x80, s3;
	s15 =	smul.u32 $0x9C4, s7  }
0xd: {  	s23 =	sor.u32 $0x81, s3;
	s22 =	smul.u32 $0x500, s31  }
0xe: {  	s0 =	rddreg [dreg:$0x0];
	s17 =	sor.u32 $0x82, s3;
	s24 =	smul.u32 $0x500, s23  }
0xf: {  	s16 =	sadd.s32 $0x1C400, s0;
	s3 =	sor.u32 $0x83, s3;
	s18 =	smul.u32 $0x500, s17  }
0x10: {  	s12 =	rddreg [dreg:$0x1];
	s4 =	sadd.s32 s16, s4;
	s19 =	smul.u32 $0x500, s3  }
0x11: {  	s1 =	simm.s32 $0x0;
	[dreg:$0x3] =	wrdreg s4;
	s4 =	smul.u32 $0x4E20, s7  }
0x12: {  	[smem:$0x7FF] =	sst s1;
	s11 =	sadd.s32 s12, s11;
	s7 =	smul.u32 $0x4E20, s31  }
0x13: {  	s13 =	sshrl.u32 s13, $0x3;
	s21 =	sadd.s32 s16, s10;
	s10 =	smul.u32 $0x4E20, s23  }
0x14: {  	[dreg:$0x7] =	wrdreg s11;
	s29 =	sadd.s32 s16, s6;
	s6 =	smul.u32 $0x9C4, s9  }
0x15: {  	s30 =	sadd.s32 s16, s8;
	[dreg:$0x6] =	wrdreg s21;
	s9 =	smul.u32 $0x4E20, s9  }
0x16: {  	s8 =	sadd.s32 s16, s22;
	s25 =	sadd.s32 s16, s24;
	s26 =	sadd.s32 s16, s18  }
0x17: {  	s28 =	sadd.s32 s16, s19;
	s16 =	smul.u32 $0x9C4, s17;
	[dreg:$0x4] =	wrdreg s29  }
0x18: {  	s2 =	smax.u32 s2, $0x1;
	s18 =	smul.u32 $0x4E20, s17;
	[dreg:$0x5] =	wrdreg s30  }
0x19: {  	s13 =	sadd.s32 s12, s13;
	s19 =	smul.u32 $0x9C4, s3;
	[dreg:$0x8] =	wrdreg s8  }
0x1a: {  	s5 =	sshrl.u32 s5, $0x3;
	s3 =	smul.u32 $0x4E20, s3;
	[dreg:$0x9] =	wrdreg s25  }
0x1b: {  	s22 =	sshrl.u32 s20, $0x3;
	s20 =	sadd.s32 $0x8A00, s0;
	[dreg:$0xa] =	wrdreg s26  }
0x1c: {  	s17 =	simm.s32 $0x1ADB0;
	[dreg:$0xb] =	wrdreg s28;
	s29 =	smul.u32 $0x9C4, s31  }
0x1d: {  	s30 =	sadd.s32 s12, s14;
	s5 =	sadd.s32 s12, s5;
	s31 =	sadd.s32 s12, s15  }
0x1e: {  	s4 =	sshrl.u32 s4, $0x3;
	s14 =	smul.u32 $0x9C4, s23;
	s7 =	sshrl.u32 s7, $0x3  }
0x1f: {  	s10 =	sshrl.u32 s10, $0x3;
	s23 =	sadd.s32 $0x6C400, s0;
	s24 =	smul.u32 $0x27200, s22  }
0x20: {  	s25 =	sadd.s32 $0x4E2, s13;
	s13 =	simm.s32 $0x13880;
	[dreg:$0xc] =	wrdreg s30  }
0x21: {  	[dreg:$0xd] =	wrdreg s31;
	s4 =	sadd.s32 s12, s4;
	s6 =	sadd.s32 s12, s6  }
0x22: {  	s9 =	sshrl.u32 s9, $0x3;
	s21 =	sadd.s32 s12, s19;
	[dreg:$0xe] =	wrdreg s6  }
0x23: {  	s7 =	sadd.s32 s12, s7;
	s8 =	sadd.s32 s12, s29;
	[dreg:$0x12] =	wrdreg s21  }
0x24: {  	s10 =	sadd.s32 s12, s10;
	s11 =	sadd.s32 s12, s14;
	[dreg:$0xf] =	wrdreg s8  }
0x25: {  	s15 =	sadd.s32 s12, s9;
	s9 =	sadd.s32 s12, s16;
	[dreg:$0x10] =	wrdreg s11  }
0x26: {  	s3 =	sshrl.u32 s3, $0x3;
	s5 =	sadd.s32 $0x4E2, s5;
	[dreg:$0x11] =	wrdreg s9  }
0x27: {  	s3 =	sadd.s32 s12, s3;
	_ =	strace $0x8000004D;
	[dreg:$0x15] =	wrdreg s25  }
0x28: {  	s4 =	sadd.s32 $0x4E2, s4;
	s28 =	sadd.s32 $0x4E2, s7;
	[dreg:$0x16] =	wrdreg s5  }
0x29: {  	s29 =	sadd.s32 $0x4E2, s10;
	s26 =	sadd.s32 $0x4E2, s15;
	[dreg:$0x17] =	wrdreg s4  }
0x2a: {  	s31 =	sadd.s32 $0x4E400, s24;
	s7 =	simm.s32 $0x1;
	[dreg:$0x18] =	wrdreg s26  }
0x2b: {  	s10 =	simm.s32 $0xC350;
	s14 =	simm.s32 $0x15F90;
	[dreg:$0x19] =	wrdreg s28  }
0x2c: {  	s8 =	sshrl.u32 s18, $0x3;
	s3 =	sadd.s32 $0x4E2, s3;
	[dreg:$0x1a] =	wrdreg s29  }
0x2d: {  	s9 =	simm.s32 $0x9C40;
	s11 =	simm.s32 $0xEA60;
	[dreg:$0x1c] =	wrdreg s3  }
0x2e: {  	s15 =	simm.s32 $0x186A0;
	s18 =	simm.s32 $0x0;
	[dreg:$0x1d] =	wrdreg s2  }
0x2f: {  	s8 =	sadd.s32 s12, s8;
	[dreg:$0x14] =	wrdreg s24;
	s5 =	simm.s32 $0x3  }
0x30: {  	s2 =	simm.s32 $0x2710;
	s3 =	simm.s32 $0x4E20;
	[dreg:$0x13] =	wrdreg s23  }
0x31: {  	s4 =	simm.s32 $0x7530;
	[dreg:$0x1e] =	wrdreg s31;
	s30 =	sadd.s32 $0x4E2, s8  }
0x32: {  	v0 =	vimm.f32 $0.0e+00;
	s12 =	simm.s32 $0x11170;
	s8 =	simm.s32 $0x2;
	[dreg:$0x1b] =	wrdreg s30  }
.LBB2_1:
0x33: {  	[dreg:$0x1f] =	wrdreg s18  }
0x34: {  	s0 =	rddreg [dreg:$0x3]  }
0x35: {  	[tilespmem:s1], [sflag:$0x3] =	stream.linear.gather [hbm4b:s0+s1], $0x2710, $0x38;
	[tilespmem:$0x1FBE0] =	vst v63  }
0x36: {  	_ =	swait.ge [sflag:s5], $0x2710  }
0x37: {  	[sflag:s5] =	ssyncset.done $0x0  }
0x38: {  	s23 =	rddreg [dreg:$0x4];
	[sflag:s5] =	ssyncadd.s32 $0xFFFFD8F0  }
0x39: {  	[tilespmem:s2], [sflag:$0x3] =	stream.linear.gather [hbm4b:s23+s1], $0x2710, $0x38;
	[tilespmem:$0x1FBE0] =	vst v63  }
0x3a: {  	_ =	swait.ge [sflag:s5], $0x2710  }
0x3b: {  	[sflag:s5] =	ssyncset.done $0x0  }
0x3c: {  	s24 =	rddreg [dreg:$0x5];
	[sflag:s5] =	ssyncadd.s32 $0xFFFFD8F0  }
0x3d: {  	[tilespmem:s3], [sflag:$0x3] =	stream.linear.gather [hbm4b:s24+s1], $0x2710, $0x38;
	[tilespmem:$0x1FBE0] =	vst v63  }
0x3e: {  	_ =	swait.ge [sflag:s5], $0x2710  }
0x3f: {  	[sflag:s5] =	ssyncset.done $0x0  }
0x40: {  	s25 =	rddreg [dreg:$0x6];
	[sflag:s5] =	ssyncadd.s32 $0xFFFFD8F0  }
0x41: {  	[tilespmem:s4], [sflag:$0x3] =	stream.linear.gather [hbm4b:s25+s1], $0x2710, $0x38;
	[tilespmem:$0x1FBE0] =	vst v63  }
0x42: {  	_ =	swait.ge [sflag:s5], $0x2710  }
0x43: {  	[sflag:s5] =	ssyncset.done $0x0  }
0x44: {  	s26 =	simm.s32 $0x9C80;
	[sflag:s5] =	ssyncadd.s32 $0xFFFFD8F0  }
0x45: {  	[tilespmem:s26+$0xFFFFFFE0] =	vst v0  }
0x46: {  	[tilespmem:s26+$0xFFFFFFF0] =	vst v0  }
0x47: {  	[tilespmem:s26+$0x10] =	vst v0  }
0x48: {  	[tilespmem:s26+$0xFFFFFFD0] =	vst v0  }
0x49: {  	[tilespmem:s26+$0x0] =	vst v0  }
0x4a: {  	[tilespmem:s26+$0x30] =	vst v0  }
0x4b: {  	[tilespmem:s26+$0xFFFFFFC0] =	vst v0  }
0x4c: {  	s28 =	simm.s32 $0xC390;
	[tilespmem:s26+$0x20] =	vst v0  }
0x4d: {  	[tilespmem:s28+$0x20] =	vst v0  }
0x4e: {  	[tilespmem:s28+$0xFFFFFFC0] =	vst v0  }
0x4f: {  	[tilespmem:s28+$0x30] =	vst v0  }
0x50: {  	[tilespmem:s28+$0x0] =	vst v0  }
0x51: {  	[tilespmem:s28+$0xFFFFFFD0] =	vst v0  }
0x52: {  	s29 =	simm.s32 $0xEAA0;
	[tilespmem:s28+$0x10] =	vst v0  }
0x53: {  	[tilespmem:s29+$0x20] =	vst v0  }
0x54: {  	[tilespmem:s29+$0xFFFFFFC0] =	vst v0  }
0x55: {  	[tilespmem:s29+$0x30] =	vst v0  }
0x56: {  	[tilespmem:s29+$0x10] =	vst v0  }
0x57: {  	[tilespmem:s29+$0xFFFFFFD0] =	vst v0  }
0x58: {  	s26 =	simm.s32 $0x111B0;
	[tilespmem:s29+$0x0] =	vst v0  }
0x59: {  	[tilespmem:s26+$0x20] =	vst v0  }
0x5a: {  	[tilespmem:s26+$0x30] =	vst v0  }
0x5b: {  	[tilespmem:s26+$0xFFFFFFC0] =	vst v0  }
0x5c: {  	s25 =	simm.s32 $0x138C0;
	[tilespmem:s26+$0x10] =	vst v0  }
0x5d: {  	[tilespmem:s25+$0x20] =	vst v0  }
0x5e: {  	[tilespmem:s25+$0xFFFFFFC0] =	vst v0  }
0x5f: {  	s23 =	simm.s32 $0x15FD0;
	[tilespmem:s25+$0x30] =	vst v0  }
0x60: {  	[tilespmem:s23+$0x20] =	vst v0  }
0x61: {  	s22 =	simm.s32 $0x186E0;
	[tilespmem:s23+$0xFFFFFFC0] =	vst v0  }
0x62: {  	s31 =	simm.s32 $0x0;
	[tilespmem:s22+$0x20] =	vst v0  }
0x63: {  	s18 =	simm.s32 $0x16050;
	s21 =	simm.s32 $0x18760;
	s24 =	simm.s32 $0x1ADF0;
	[tilespmem:s22+$0xFFFFFFC0] =	vst v0  }
0x64: {  	s6 =	simm.s32 $0x9D00;
	s19 =	simm.s32 $0x13940;
	s16 =	simm.s32 $0xC390;
	[tilespmem:s24+$0x20] =	vst v0  }
0x65: {  	s30 =	simm.s32 $0xEAA0;
	s0 =	simm.s32 $0x11230;
	s5 =	simm.s32 $0x1AE70;
	[tilespmem:s24+$0xFFFFFFC0] =	vst v0  }
.LBB2_2:
0x66: {  	s31 =	sadd.s32 $0x80, s31;
	[tilespmem:s26+$0x0] =	vst v0;
	s28 =	sadd.s32 $0x80, s28;
	s29 =	sadd.s32 $0x80, s29  }
0x67: {  	p0 =	slt.u32 s31, $0x2680;
	[tilespmem:s16+$0xFFFFFFE0] =	vst v0  }
0x68: {  	[tilespmem:s25+$0x10] =	vst v0  }
0x69: {  	[tilespmem:s23+$0x10] =	vst v0  }
0x6a: {  	[tilespmem:s26+$0xFFFFFFD0] =	vst v0  }
0x6b: {  	[tilespmem:s16+$0xFFFFFFF0] =	vst v0;
	s16 =	smov.u32 s28  }
0x6c: {  	[tilespmem:s25+$0x0] =	vst v0  }
0x6d: {  	[tilespmem:s23+$0x0] =	vst v0  }
0x6e: {  	[tilespmem:s22+$0x0] =	vst v0  }
0x6f: {  	[tilespmem:s24+$0x0] =	vst v0  }
0x70: {  	[tilespmem:s30+$0xFFFFFFE0] =	vst v0  }
0x71: {  	[tilespmem:s22+$0x10] =	vst v0  }
0x72: {  	[tilespmem:s23+$0x30] =	vst v0  }
0x73: {  	[tilespmem:s25+$0xFFFFFFD0] =	vst v0  }
0x74: {  	[tilespmem:s30+$0xFFFFFFF0] =	vst v0;
	s30 =	smov.u32 s29  }
0x75: {  	[tilespmem:s23+$0xFFFFFFD0] =	vst v0  }
0x76: {  	[tilespmem:s26+$0xFFFFFFF0] =	vst v0  }
0x77: {  	[tilespmem:s25+$0xFFFFFFF0] =	vst v0  }
0x78: {  	[tilespmem:s24+$0x10] =	vst v0  }
0x79: {  	[tilespmem:s26+$0xFFFFFFE0] =	vst v0;
	s26 =	smov.u32 s0  }
0x7a: {  	[tilespmem:s22+$0x30] =	vst v0  }
0x7b: {  	[tilespmem:s24+$0x30] =	vst v0  }
0x7c: {  	[tilespmem:s22+$0xFFFFFFD0] =	vst v0  }
0x7d: {  	[tilespmem:s25+$0xFFFFFFE0] =	vst v0;
	s25 =	smov.u32 s19  }
0x7e: {  	[tilespmem:s23+$0xFFFFFFE0] =	vst v0  }
0x7f: {  	[tilespmem:s24+$0xFFFFFFD0] =	vst v0  }
0x80: {  	[tilespmem:s23+$0xFFFFFFF0] =	vst v0;
	s23 =	smov.u32 s18  }
0x81: {  	[tilespmem:s22+$0xFFFFFFE0] =	vst v0  }
0x82: {  	[tilespmem:s24+$0xFFFFFFE0] =	vst v0  }
0x83: {  	[tilespmem:s22+$0xFFFFFFF0] =	vst v0;
	s22 =	smov.u32 s21  }
0x84: {  	[tilespmem:s24+$0xFFFFFFF0] =	vst v0;
	s24 =	smov.u32 s5  }
0x85: {  	[tilespmem:s6+$0xFFFFFFE0] =	vst v0  }
0x86: {  	[tilespmem:s6+$0xFFFFFFF0] =	vst v0  }
0x87: {  	[tilespmem:s6+$0x10] =	vst v0  }
0x88: {  	[tilespmem:s6+$0xFFFFFFD0] =	vst v0  }
0x89: {  	[tilespmem:s6+$0x0] =	vst v0  }
0x8a: {  	[tilespmem:s6+$0x30] =	vst v0  }
0x8b: {  	[tilespmem:s6+$0xFFFFFFC0] =	vst v0  }
0x8c: {  	[tilespmem:s6+$0x20] =	vst v0  }
0x8d: {  	[tilespmem:s28+$0x20] =	vst v0  }
0x8e: {  	[tilespmem:s29+$0x20] =	vst v0  }
0x8f: {  	[tilespmem:s0+$0x20] =	vst v0  }
0x90: {  	[tilespmem:s19+$0x20] =	vst v0  }
0x91: {  	[tilespmem:s18+$0x20] =	vst v0  }
0x92: {  	[tilespmem:s21+$0x20] =	vst v0  }
0x93: {  	[tilespmem:s5+$0x20] =	vst v0  }
0x94: {  	[tilespmem:s28+$0xFFFFFFC0] =	vst v0  }
0x95: {  	[tilespmem:s29+$0xFFFFFFC0] =	vst v0  }
0x96: {  	[tilespmem:s28+$0x30] =	vst v0  }
0x97: {  	[tilespmem:s29+$0x30] =	vst v0  }
0x98: {  	[tilespmem:s0+$0x30] =	vst v0  }
0x99: {  	[tilespmem:s0+$0xFFFFFFC0] =	vst v0  }
0x9a: {  	[tilespmem:s28+$0x0] =	vst v0  }
0x9b: {  	[tilespmem:s28+$0xFFFFFFD0] =	vst v0  }
0x9c: {  	[tilespmem:s19+$0xFFFFFFC0] =	vst v0  }
0x9d: {  	[tilespmem:s28+$0x10] =	vst v0  }
0x9e: {  	[tilespmem:s29+$0x10] =	vst v0  }
0x9f: {  	[tilespmem:s0+$0x10] =	vst v0  }
0xa0: {  	[tilespmem:s29+$0xFFFFFFD0] =	vst v0  }
.Ltmp0:
0xa1: {  	[tilespmem:s19+$0x30] =	vst v0;
	(pc) =	sbr.rel @p0 .LBB2_2-.Ltmp0, $4  }
0xa2: {  	[tilespmem:s29+$0x0] =	vst v0  }
0xa3: {  	[tilespmem:s18+$0xFFFFFFC0] =	vst v0  }
0xa4: {  	s21 =	sadd.s32 $0x80, s21;
	s5 =	sadd.s32 $0x80, s5;
	s18 =	sadd.s32 $0x80, s18;
	[tilespmem:s22+$0xFFFFFFC0] =	vst v0  }
0xa5: {  	s6 =	sadd.s32 $0x80, s6;
	s0 =	sadd.s32 $0x80, s0;
	s19 =	sadd.s32 $0x80, s19;
	[tilespmem:s24+$0xFFFFFFC0] =	vst v0  }
0xa6: {  	[tilespmem:s26+$0x0] =	vst v0  }
0xa7: {  	[tilespmem:s16+$0xFFFFFFE0] =	vst v0  }
0xa8: {  	[tilespmem:s25+$0x10] =	vst v0  }
0xa9: {  	[tilespmem:s26+$0xFFFFFFD0] =	vst v0  }
0xaa: {  	[tilespmem:s16+$0xFFFFFFF0] =	vst v0  }
0xab: {  	[tilespmem:s23+$0x30] =	vst v0  }
0xac: {  	[tilespmem:s23+$0x10] =	vst v0  }
0xad: {  	[tilespmem:s25+$0x0] =	vst v0  }
0xae: {  	[tilespmem:s30+$0xFFFFFFE0] =	vst v0  }
0xaf: {  	[tilespmem:s25+$0xFFFFFFD0] =	vst v0  }
0xb0: {  	[tilespmem:s30+$0xFFFFFFF0] =	vst v0  }
0xb1: {  	[tilespmem:s22+$0x30] =	vst v0  }
0xb2: {  	[tilespmem:s23+$0x0] =	vst v0  }
0xb3: {  	[tilespmem:s22+$0x10] =	vst v0  }
0xb4: {  	[tilespmem:s23+$0xFFFFFFD0] =	vst v0  }
0xb5: {  	[tilespmem:s26+$0xFFFFFFF0] =	vst v0  }
0xb6: {  	[tilespmem:s26+$0xFFFFFFE0] =	vst v0  }
0xb7: {  	[tilespmem:s24+$0x30] =	vst v0  }
0xb8: {  	[tilespmem:s22+$0x0] =	vst v0  }
0xb9: {  	[tilespmem:s25+$0xFFFFFFF0] =	vst v0  }
0xba: {  	[tilespmem:s24+$0x10] =	vst v0  }
0xbb: {  	[tilespmem:s22+$0xFFFFFFD0] =	vst v0  }
0xbc: {  	[tilespmem:s25+$0xFFFFFFE0] =	vst v0  }
0xbd: {  	[tilespmem:s24+$0x0] =	vst v0  }
0xbe: {  	[tilespmem:s23+$0xFFFFFFE0] =	vst v0  }
0xbf: {  	[tilespmem:s24+$0xFFFFFFD0] =	vst v0  }
0xc0: {  	[tilespmem:s23+$0xFFFFFFF0] =	vst v0  }
0xc1: {  	[tilespmem:s22+$0xFFFFFFE0] =	vst v0  }
0xc2: {  	[tilespmem:s22+$0xFFFFFFF0] =	vst v0  }
0xc3: {  	[tilespmem:s24+$0xFFFFFFE0] =	vst v0  }
0xc4: {  	[tilespmem:s24+$0xFFFFFFF0] =	vst v0  }
0xc5: {  	[tilespmem:$0xC340] =	vst v0  }
0xc6: {  	[tilespmem:$0xEA50] =	vst v0  }
0xc7: {  	[tilespmem:$0x11160] =	vst v0  }
0xc8: {  	[tilespmem:$0x13870] =	vst v0  }
0xc9: {  	[tilespmem:$0x15F80] =	vst v0  }
0xca: {  	[tilespmem:$0x18690] =	vst v0  }
0xcb: {  	s18 =	simm.s32 $0x1D4C0;
	[tilespmem:$0x1ADA0] =	vst v0;
	s6 =	rddreg [dreg:$0x13]  }
0xcc: {  	s19 =	simm.s32 $0x1E850;
	s22 =	simm.s32 $0x0;
	[tilespmem:$0x1D4B0] =	vst v0;
	s16 =	rddreg [dreg:$0x14]  }
.LBB2_4:
0xcd: {  	s0 =	smul.u32 $0x1390, s22;
	_ =	sdelay $0x1  }
0xce: {  	s5 =	sshrl.u32 s0, $0x3;
	s0 =	sadd.s32 s16, s0  }
0xcf: {  	s5 =	sadd.s32 s6, s5;
	s0 =	sshrl.u32 s0, $0x3  }
0xd0: {  	[tilespmem:s18], [sflag:$0x1] =	stream.linear.gather [hbm4b:s5+s1], $0x1390, $0x38;
	[tilespmem:$0x1FBE0] =	vst v63  }
0xd1: {  	s0 =	sadd.s32 s20, s0  }
0xd2: {  	[tilespmem:s19], [sflag:$0x2] =	stream.linear.gather [hbm4b:s0+s1], $0x1390, $0x38;
	[tilespmem:$0x1FBE0] =	vst v63  }
0xd3: {  	_ =	swait.ge [sflag:s7], $0x1390  }
0xd4: {  	[sflag:s7] =	ssyncset.done $0x0  }
0xd5: {  	[sflag:s7] =	ssyncadd.s32 $0xFFFFEC70  }
0xd6: {  	_ =	swait.ge [sflag:s8], $0x1390  }
0xd7: {  	[sflag:s8] =	ssyncset.done $0x0  }
0xd8: {  	s31 =	simm.s32 $0x1D500;
	[sflag:s8] =	ssyncadd.s32 $0xFFFFEC70  }
0xd9: {  	v1 =	vld [tilespmem:s31+$0x30]  }
0xda: {  	v2 =	vld [tilespmem:s31+$0xFFFFFFD0]  }
0xdb: {  	v3 =	vld [tilespmem:s31+$0xFFFFFFE0]  }
0xdc: {  	v16 =	vld [tilespmem:s31+$0xFFFFFFF0]  }
0xdd: {  	v22 =	vld [tilespmem:s31+$0x0]  }
0xde: {  	v24 =	vld [tilespmem:s31+$0x10];
	v23 =	vand.u32 $0x3FFF, v1  }
0xdf: {  	v4 =	vld [tilespmem:s31+$0xFFFFFFC0]  }
0xe0: {  	s23 =	simm.s32 $0x1E890;
	v25 =	vld [tilespmem:s31+$0x20]  }
0xe1: {  	v27 =	vld [tilespmem:s23+$0x30]  }
0xe2: {  	v21 =	vld [tilespmem:s23+$0xFFFFFFC0]  }
0xe3: {  	v7 =	vand.u32 $0x3FFF, v2;
	v5 =	vld.idx.msk [tilespmem:v23+s1+$0x0], $0xffff  }
0xe4: {  	v15 =	vld [tilespmem:s23+$0xFFFFFFD0];
	v9 =	vand.u32 $0x3FFF, v3  }
0xe5: {  	v14 =	vld [tilespmem:s23+$0xFFFFFFE0];
	v18 =	vand.u32 $0x3FFF, v4  }
0xe6: {  	v8 =	vld [tilespmem:s23+$0xFFFFFFF0];
	v30 =	vshrl.u32 v1, $0xE  }
0xe7: {  	v6 =	vld [tilespmem:s23+$0x0]  }
0xe8: {  	v26 =	vld.idx.msk [tilespmem:v7+s1+$0x0], $0xffff;
	v1 =	vshll.u32 v5, $0x10  }
0xe9: {  	v10 =	vand.u32 $0x3FFF, v16;
	v28 =	vld.idx.msk [tilespmem:v9+s1+$0x0], $0xffff;
	v5 =	vand.u32 $0xFFFF0000, v5;
	v1 =	vmul.f32 v1, v27  }
0xea: {  	v11 =	vand.u32 $0x3FFF, v22;
	v19 =	vld.idx.msk [tilespmem:v18+s1+$0x0], $0xffff;
	v5 =	vmul.f32 v5, v27  }
0xeb: {  	v12 =	vand.u32 $0x3FFF, v24;
	[tilespmem:v30+s9+$0x0] =	vst.idx.add.f32.msk $0xffff, v1  }
0xec: {  	v13 =	vand.u32 $0x3FFF, v25;
	[tilespmem:v30+s10+$0x0] =	vst.idx.add.f32.msk $0xffff, v5  }
0xed: {  	v1 =	vld.idx.msk [tilespmem:v23+s2+$0x0], $0xffff  }
0xee: {  	v17 =	vshrl.u32 v4, $0xE;
	v29 =	vld.idx.msk [tilespmem:v10+s1+$0x0], $0xffff  }
0xef: {  	v31 =	vld.idx.msk [tilespmem:v11+s1+$0x0], $0xffff  }
0xf0: {  	v32 =	vld.idx.msk [tilespmem:v12+s1+$0x0], $0xffff;
	v4 =	vshll.u32 v19, $0x10  }
0xf1: {  	v33 =	vld.idx.msk [tilespmem:v13+s1+$0x0], $0xffff;
	v34 =	vmul.f32 v4, v21  }
0xf2: {  	v4 =	vld [tilespmem:s23+$0x20];
	v20 =	vshll.u32 v1, $0x10  }
0xf3: {  	[tilespmem:v17+s9+$0x0] =	vst.idx.add.f32.msk $0xffff, v34;
	v1 =	vand.u32 $0xFFFF0000, v1;
	v35 =	vmul.f32 v20, v27  }
0xf4: {  	v5 =	vld [tilespmem:s23+$0x10];
	v20 =	vshrl.u32 v2, $0xE;
	v1 =	vmul.f32 v1, v27;
	v2 =	vand.u32 $0xFFFF0000, v19  }
0xf5: {  	v2 =	vmul.f32 v2, v21;
	[tilespmem:v30+s11+$0x0] =	vst.idx.add.f32.msk $0xffff, v35  }
0xf6: {  	v19 =	vshrl.u32 v3, $0xE;
	[tilespmem:v30+s12+$0x0] =	vst.idx.add.f32.msk $0xffff, v1  }
0xf7: {  	v3 =	vshll.u32 v26, $0x10;
	[tilespmem:v17+s10+$0x0] =	vst.idx.add.f32.msk $0xffff, v2  }
0xf8: {  	v61 =	vshll.u32 v28, $0x10;
	v3 =	vmul.f32 v3, v15;
	v60 =	vld.idx.msk [tilespmem:v23+s3+$0x0], $0xffff  }
0xf9: {  	v63 =	vmul.f32 v61, v14;
	v1 =	vand.u32 $0xFFFF0000, v26;
	v45 =	vld.idx.msk [tilespmem:v18+s2+$0x0], $0xffff  }
0xfa: {  	v2 =	vand.u32 $0xFFFF0000, v28;
	v62 =	vmul.f32 v1, v15;
	[tilespmem:v20+s9+$0x0] =	vst.idx.add.f32.msk $0xffff, v3  }
0xfb: {  	v16 =	vshrl.u32 v16, $0xE;
	v2 =	vmul.f32 v2, v14;
	[tilespmem:v19+s9+$0x0] =	vst.idx.add.f32.msk $0xffff, v63  }
0xfc: {  	[tilespmem:v20+s10+$0x0] =	vst.idx.add.f32.msk $0xffff, v62  }
0xfd: {  	v1 =	vshrl.u32 v22, $0xE;
	v3 =	vshll.u32 v29, $0x10;
	[tilespmem:v19+s10+$0x0] =	vst.idx.add.f32.msk $0xffff, v2  }
0xfe: {  	v34 =	vand.u32 $0xFFFF0000, v29;
	v3 =	vmul.f32 v3, v8;
	v47 =	vld.idx.msk [tilespmem:v7+s2+$0x0], $0xffff  }
0xff: {  	v35 =	vshll.u32 v31, $0x10;
	v22 =	vmul.f32 v34, v8;
	v48 =	vld.idx.msk [tilespmem:v9+s2+$0x0], $0xffff  }
0x100: {  	v38 =	vand.u32 $0xFFFF0000, v31;
	v28 =	vmul.f32 v35, v6;
	[tilespmem:v16+s9+$0x0] =	vst.idx.add.f32.msk $0xffff, v3  }
0x101: {  	v40 =	vmul.f32 v38, v6;
	[tilespmem:v16+s10+$0x0] =	vst.idx.add.f32.msk $0xffff, v22  }
0x102: {  	[tilespmem:v1+s9+$0x0] =	vst.idx.add.f32.msk $0xffff, v28  }
0x103: {  	v2 =	vshll.u32 v60, $0x10;
	[tilespmem:v1+s10+$0x0] =	vst.idx.add.f32.msk $0xffff, v40  }
0x104: {  	v3 =	vand.u32 $0xFFFF0000, v60;
	v36 =	vmul.f32 v2, v27;
	v2 =	vshrl.u32 v24, $0xE;
	v49 =	vld.idx.msk [tilespmem:v10+s2+$0x0], $0xffff  }
0x105: {  	v37 =	vmul.f32 v3, v27;
	v3 =	vshrl.u32 v25, $0xE;
	v51 =	vld.idx.msk [tilespmem:v11+s2+$0x0], $0xffff  }
0x106: {  	v39 =	vshll.u32 v32, $0x10;
	[tilespmem:v30+s13+$0x0] =	vst.idx.add.f32.msk $0xffff, v36  }
0x107: {  	v42 =	vshll.u32 v33, $0x10;
	v22 =	vmul.f32 v39, v5;
	[tilespmem:v30+s14+$0x0] =	vst.idx.add.f32.msk $0xffff, v37  }
0x108: {  	v26 =	vmul.f32 v42, v4;
	v53 =	vshll.u32 v47, $0x10;
	v23 =	vld.idx.msk [tilespmem:v23+s4+$0x0], $0xffff  }
0x109: {  	v56 =	vshll.u32 v48, $0x10;
	v55 =	vmul.f32 v53, v15;
	[tilespmem:v2+s9+$0x0] =	vst.idx.add.f32.msk $0xffff, v22  }
0x10a: {  	v41 =	vand.u32 $0xFFFF0000, v32;
	v58 =	vmul.f32 v56, v14;
	[tilespmem:v3+s9+$0x0] =	vst.idx.add.f32.msk $0xffff, v26  }
0x10b: {  	v43 =	vand.u32 $0xFFFF0000, v33;
	v24 =	vmul.f32 v41, v5;
	[tilespmem:v20+s11+$0x0] =	vst.idx.add.f32.msk $0xffff, v55  }
0x10c: {  	v44 =	vmul.f32 v43, v4;
	v25 =	vand.u32 $0xFFFF0000, v47;
	[tilespmem:v19+s11+$0x0] =	vst.idx.add.f32.msk $0xffff, v58  }
0x10d: {  	v25 =	vmul.f32 v25, v15;
	[tilespmem:v2+s10+$0x0] =	vst.idx.add.f32.msk $0xffff, v24  }
0x10e: {  	[tilespmem:v3+s10+$0x0] =	vst.idx.add.f32.msk $0xffff, v44  }
0x10f: {  	[tilespmem:v20+s12+$0x0] =	vst.idx.add.f32.msk $0xffff, v25  }
0x110: {  	v60 =	vshll.u32 v51, $0x10;
	v54 =	vld.idx.msk [tilespmem:v13+s2+$0x0], $0xffff  }
0x111: {  	v25 =	vmul.f32 v60, v6;
	v33 =	vld.idx.msk [tilespmem:v7+s3+$0x0], $0xffff;
	v46 =	vshll.u32 v23, $0x10  }
0x112: {  	v52 =	vld.idx.msk [tilespmem:v12+s2+$0x0], $0xffff;
	v23 =	vand.u32 $0xFFFF0000, v23;
	v24 =	vmul.f32 v46, v27  }
0x113: {  	v50 =	vshll.u32 v45, $0x10;
	[tilespmem:v1+s11+$0x0] =	vst.idx.add.f32.msk $0xffff, v25;
	v23 =	vmul.f32 v23, v27  }
0x114: {  	v22 =	vand.u32 $0xFFFF0000, v45;
	[tilespmem:v30+s15+$0x0] =	vst.idx.add.f32.msk $0xffff, v24;
	v24 =	vmul.f32 v50, v21  }
0x115: {  	v22 =	vmul.f32 v22, v21;
	v28 =	vshll.u32 v54, $0x10;
	[tilespmem:v30+s17+$0x0] =	vst.idx.add.f32.msk $0xffff, v23  }
0x116: {  	v40 =	vshll.u32 v33, $0x10;
	v29 =	vmul.f32 v28, v4;
	[tilespmem:v17+s11+$0x0] =	vst.idx.add.f32.msk $0xffff, v24  }
0x117: {  	v59 =	vshll.u32 v49, $0x10;
	v41 =	vmul.f32 v40, v15;
	[tilespmem:v17+s12+$0x0] =	vst.idx.add.f32.msk $0xffff, v22  }
0x118: {  	v24 =	vmul.f32 v59, v8;
	[tilespmem:v3+s11+$0x0] =	vst.idx.add.f32.msk $0xffff, v29  }
0x119: {  	v30 =	vand.u32 $0xFFFF0000, v54;
	[tilespmem:v20+s13+$0x0] =	vst.idx.add.f32.msk $0xffff, v41  }
0x11a: {  	v57 =	vand.u32 $0xFFFF0000, v48;
	v31 =	vmul.f32 v30, v4;
	[tilespmem:v16+s11+$0x0] =	vst.idx.add.f32.msk $0xffff, v24  }
0x11b: {  	v23 =	vand.u32 $0xFFFF0000, v49;
	v22 =	vmul.f32 v57, v14;
	v32 =	vld.idx.msk [tilespmem:v18+s3+$0x0], $0xffff  }
0x11c: {  	v23 =	vmul.f32 v23, v8;
	[tilespmem:v3+s12+$0x0] =	vst.idx.add.f32.msk $0xffff, v31  }
0x11d: {  	v62 =	vshll.u32 v52, $0x10;
	[tilespmem:v19+s12+$0x0] =	vst.idx.add.f32.msk $0xffff, v22  }
0x11e: {  	v24 =	vmul.f32 v62, v5;
	[tilespmem:v16+s12+$0x0] =	vst.idx.add.f32.msk $0xffff, v23  }
0x11f: {  	v39 =	vld.idx.msk [tilespmem:v13+s3+$0x0], $0xffff  }
0x120: {  	v61 =	vand.u32 $0xFFFF0000, v51;
	[tilespmem:v2+s11+$0x0] =	vst.idx.add.f32.msk $0xffff, v24  }
0x121: {  	v63 =	vand.u32 $0xFFFF0000, v52;
	v22 =	vmul.f32 v61, v6;
	v34 =	vld.idx.msk [tilespmem:v9+s3+$0x0], $0xffff  }
0x122: {  	v23 =	vmul.f32 v63, v5;
	v35 =	vld.idx.msk [tilespmem:v10+s3+$0x0], $0xffff  }
0x123: {  	[tilespmem:v1+s12+$0x0] =	vst.idx.add.f32.msk $0xffff, v22  }
0x124: {  	[tilespmem:v2+s12+$0x0] =	vst.idx.add.f32.msk $0xffff, v23;
	v23 =	vand.u32 $0xFFFF0000, v33  }
0x125: {  	v36 =	vld.idx.msk [tilespmem:v11+s3+$0x0], $0xffff;
	v43 =	vmul.f32 v23, v15  }
0x126: {  	v38 =	vld.idx.msk [tilespmem:v12+s3+$0x0], $0xffff;
	v37 =	vshll.u32 v32, $0x10  }
0x127: {  	v22 =	vand.u32 $0xFFFF0000, v32;
	v27 =	vmul.f32 v37, v21;
	[tilespmem:v20+s14+$0x0] =	vst.idx.add.f32.msk $0xffff, v43  }
0x128: {  	v22 =	vmul.f32 v22, v21;
	v54 =	vshll.u32 v39, $0x10;
	v7 =	vld.idx.msk [tilespmem:v7+s4+$0x0], $0xffff  }
0x129: {  	v42 =	vshll.u32 v34, $0x10;
	v55 =	vmul.f32 v54, v4;
	[tilespmem:v17+s13+$0x0] =	vst.idx.add.f32.msk $0xffff, v27  }
0x12a: {  	v46 =	vshll.u32 v35, $0x10;
	v45 =	vmul.f32 v42, v14;
	[tilespmem:v17+s14+$0x0] =	vst.idx.add.f32.msk $0xffff, v22  }
0x12b: {  	v49 =	vmul.f32 v46, v8;
	[tilespmem:v3+s13+$0x0] =	vst.idx.add.f32.msk $0xffff, v55  }
0x12c: {  	v56 =	vand.u32 $0xFFFF0000, v39;
	[tilespmem:v19+s13+$0x0] =	vst.idx.add.f32.msk $0xffff, v45  }
0x12d: {  	v44 =	vand.u32 $0xFFFF0000, v34;
	v57 =	vmul.f32 v56, v4;
	[tilespmem:v16+s13+$0x0] =	vst.idx.add.f32.msk $0xffff, v49  }
0x12e: {  	v48 =	vand.u32 $0xFFFF0000, v35;
	v47 =	vmul.f32 v44, v14;
	v18 =	vld.idx.msk [tilespmem:v18+s4+$0x0], $0xffff  }
0x12f: {  	v23 =	vmul.f32 v48, v8;
	[tilespmem:v3+s14+$0x0] =	vst.idx.add.f32.msk $0xffff, v57  }
0x130: {  	v50 =	vshll.u32 v36, $0x10;
	[tilespmem:v19+s14+$0x0] =	vst.idx.add.f32.msk $0xffff, v47  }
0x131: {  	v52 =	vshll.u32 v38, $0x10;
	v25 =	vmul.f32 v50, v6;
	[tilespmem:v16+s14+$0x0] =	vst.idx.add.f32.msk $0xffff, v23  }
0x132: {  	v24 =	vmul.f32 v52, v5;
	v13 =	vld.idx.msk [tilespmem:v13+s4+$0x0], $0xffff  }
0x133: {  	[tilespmem:v1+s13+$0x0] =	vst.idx.add.f32.msk $0xffff, v25  }
0x134: {  	v51 =	vand.u32 $0xFFFF0000, v36;
	[tilespmem:v2+s13+$0x0] =	vst.idx.add.f32.msk $0xffff, v24  }
0x135: {  	v53 =	vand.u32 $0xFFFF0000, v38;
	v22 =	vmul.f32 v51, v6;
	v9 =	vld.idx.msk [tilespmem:v9+s4+$0x0], $0xffff  }
0x136: {  	v23 =	vmul.f32 v53, v5;
	v10 =	vld.idx.msk [tilespmem:v10+s4+$0x0], $0xffff  }
0x137: {  	[tilespmem:v1+s14+$0x0] =	vst.idx.add.f32.msk $0xffff, v22  }
0x138: {  	v59 =	vshll.u32 v7, $0x10;
	[tilespmem:v2+s14+$0x0] =	vst.idx.add.f32.msk $0xffff, v23  }
0x139: {  	v7 =	vand.u32 $0xFFFF0000, v7;
	v61 =	vmul.f32 v59, v15;
	v11 =	vld.idx.msk [tilespmem:v11+s4+$0x0], $0xffff  }
0x13a: {  	v7 =	vmul.f32 v7, v15;
	v12 =	vld.idx.msk [tilespmem:v12+s4+$0x0], $0xffff;
	v58 =	vshll.u32 v18, $0x10;
	v18 =	vand.u32 $0xFFFF0000, v18  }
0x13b: {  	[tilespmem:v20+s15+$0x0] =	vst.idx.add.f32.msk $0xffff, v61;
	v22 =	vmul.f32 v58, v21;
	v18 =	vmul.f32 v18, v21  }
0x13c: {  	[tilespmem:v20+s17+$0x0] =	vst.idx.add.f32.msk $0xffff, v7;
	v60 =	vshll.u32 v9, $0x10;
	v9 =	vand.u32 $0xFFFF0000, v9;
	v62 =	vshll.u32 v10, $0x10  }
0x13d: {  	v10 =	vand.u32 $0xFFFF0000, v10;
	[tilespmem:v17+s15+$0x0] =	vst.idx.add.f32.msk $0xffff, v22;
	v7 =	vmul.f32 v9, v14;
	v63 =	vmul.f32 v62, v8  }
0x13e: {  	v20 =	vshll.u32 v13, $0x10;
	v8 =	vmul.f32 v10, v8;
	[tilespmem:v17+s17+$0x0] =	vst.idx.add.f32.msk $0xffff, v18;
	v17 =	vmul.f32 v60, v14  }
0x13f: {  	v15 =	vshll.u32 v11, $0x10;
	v11 =	vand.u32 $0xFFFF0000, v11;
	v18 =	vshll.u32 v12, $0x10;
	[tilespmem:v16+s15+$0x0] =	vst.idx.add.f32.msk $0xffff, v63  }
0x140: {  	v12 =	vand.u32 $0xFFFF0000, v12;
	v10 =	vmul.f32 v15, v6;
	v9 =	vmul.f32 v11, v6;
	[tilespmem:v19+s15+$0x0] =	vst.idx.add.f32.msk $0xffff, v17  }
0x141: {  	v18 =	vmul.f32 v18, v5;
	v6 =	vmul.f32 v20, v4;
	[tilespmem:v19+s17+$0x0] =	vst.idx.add.f32.msk $0xffff, v7;
	v7 =	vand.u32 $0xFFFF0000, v13  }
0x142: {  	s24 =	simm.s32 $0x0;
	s25 =	simm.s32 $0x1D580;
	v17 =	vmul.f32 v12, v5;
	[tilespmem:v16+s17+$0x0] =	vst.idx.add.f32.msk $0xffff, v8;
	v4 =	vmul.f32 v7, v4  }
.LBB2_5:
0x143: {  	v19 =	vld [tilespmem:s25+$0x30]  }
0x144: {  	v5 =	vld [tilespmem:s25+$0xFFFFFFD0]  }
0x145: {  	v12 =	vld [tilespmem:s25+$0xFFFFFFE0]  }
0x146: {  	v13 =	vld [tilespmem:s25+$0xFFFFFFF0]  }
0x147: {  	s24 =	sadd.s32 $0x80, s24;
	v15 =	vld [tilespmem:s25+$0x0]  }
0x148: {  	p0 =	slt.u32 s24, $0x1300;
	v16 =	vld [tilespmem:s25+$0x10];
	v28 =	vand.u32 $0x3FFF, v19  }
0x149: {  	v8 =	vshrl.u32 v5, $0xE;
	v11 =	vand.u32 $0x3FFF, v5;
	v20 =	vld [tilespmem:s25+$0x20]  }
0x14a: {  	v21 =	vld [tilespmem:s25+$0xFFFFFFC0];
	v7 =	vshrl.u32 v12, $0xE;
	v12 =	vand.u32 $0x3FFF, v12  }
0x14b: {  	v5 =	vshrl.u32 v13, $0xE;
	v13 =	vand.u32 $0x3FFF, v13;
	[tilespmem:v1+s15+$0x0] =	vst.idx.add.f32.msk $0xffff, v10  }
0x14c: {  	v14 =	vand.u32 $0x3FFF, v15;
	[tilespmem:v1+s17+$0x0] =	vst.idx.add.f32.msk $0xffff, v9;
	v1 =	vshrl.u32 v15, $0xE  }
0x14d: {  	v27 =	vshrl.u32 v16, $0xE;
	v15 =	vand.u32 $0x3FFF, v16;
	v22 =	vld.idx.msk [tilespmem:v28+s1+$0x0], $0xffff  }
0x14e: {  	s23 =	sadd.s32 $0x80, s23;
	v23 =	vld.idx.msk [tilespmem:v11+s1+$0x0], $0xffff;
	v10 =	vshrl.u32 v20, $0xE;
	v16 =	vand.u32 $0x3FFF, v20  }
0x14f: {  	v9 =	vshrl.u32 v21, $0xE;
	v24 =	vand.u32 $0x3FFF, v21;
	v29 =	vld [tilespmem:s23+$0x30]  }
0x150: {  	v20 =	vld.idx.msk [tilespmem:v12+s1+$0x0], $0xffff  }
0x151: {  	v30 =	vshrl.u32 v19, $0xE;
	v21 =	vld.idx.msk [tilespmem:v13+s1+$0x0], $0xffff  }
0x152: {  	v19 =	vld.idx.msk [tilespmem:v14+s1+$0x0], $0xffff  }
0x153: {  	v26 =	vshll.u32 v22, $0x10;
	v25 =	vld.idx.msk [tilespmem:v15+s1+$0x0], $0xffff  }
0x154: {  	v22 =	vand.u32 $0xFFFF0000, v22;
	v32 =	vshll.u32 v23, $0x10;
	v31 =	vld.idx.msk [tilespmem:v24+s1+$0x0], $0xffff;
	v26 =	vmul.f32 v26, v29  }
0x155: {  	v33 =	vand.u32 $0xFFFF0000, v23;
	v22 =	vmul.f32 v22, v29;
	v34 =	vld.idx.msk [tilespmem:v16+s1+$0x0], $0xffff  }
0x156: {  	v35 =	vshll.u32 v20, $0x10;
	v36 =	vand.u32 $0xFFFF0000, v20;
	[tilespmem:v30+s9+$0x0] =	vst.idx.add.f32.msk $0xffff, v26  }
0x157: {  	v37 =	vshll.u32 v21, $0x10;
	v38 =	vand.u32 $0xFFFF0000, v21;
	[tilespmem:v30+s10+$0x0] =	vst.idx.add.f32.msk $0xffff, v22  }
0x158: {  	v39 =	vshll.u32 v19, $0x10;
	v40 =	vand.u32 $0xFFFF0000, v19;
	v41 =	vld.idx.msk [tilespmem:v28+s2+$0x0], $0xffff  }
0x159: {  	v42 =	vshll.u32 v25, $0x10;
	v43 =	vand.u32 $0xFFFF0000, v25;
	v26 =	vld [tilespmem:s23+$0xFFFFFFC0]  }
0x15a: {  	v20 =	vshll.u32 v31, $0x10;
	v21 =	vand.u32 $0xFFFF0000, v31;
	v25 =	vld [tilespmem:s23+$0xFFFFFFD0]  }
0x15b: {  	v31 =	vshll.u32 v34, $0x10;
	v34 =	vand.u32 $0xFFFF0000, v34;
	v23 =	vld [tilespmem:s23+$0xFFFFFFE0]  }
0x15c: {  	v22 =	vld [tilespmem:s23+$0xFFFFFFF0]  }
0x15d: {  	v19 =	vld [tilespmem:s23+$0x0]  }
0x15e: {  	v46 =	vshll.u32 v41, $0x10;
	v44 =	vmul.f32 v20, v26;
	v45 =	vmul.f32 v21, v26;
	v20 =	vld [tilespmem:s23+$0x10]  }
0x15f: {  	v41 =	vand.u32 $0xFFFF0000, v41;
	v46 =	vmul.f32 v46, v29;
	v32 =	vmul.f32 v32, v25;
	v21 =	vld [tilespmem:s23+$0x20]  }
0x160: {  	v41 =	vmul.f32 v41, v29;
	v33 =	vmul.f32 v33, v25;
	[tilespmem:v9+s9+$0x0] =	vst.idx.add.f32.msk $0xffff, v44  }
0x161: {  	v35 =	vmul.f32 v35, v23;
	v36 =	vmul.f32 v36, v23;
	[tilespmem:v30+s11+$0x0] =	vst.idx.add.f32.msk $0xffff, v46  }
0x162: {  	v37 =	vmul.f32 v37, v22;
	v38 =	vmul.f32 v38, v22;
	[tilespmem:v30+s12+$0x0] =	vst.idx.add.f32.msk $0xffff, v41  }
0x163: {  	v39 =	vmul.f32 v39, v19;
	v40 =	vmul.f32 v40, v19;
	v41 =	vld.idx.msk [tilespmem:v28+s3+$0x0], $0xffff  }
0x164: {  	v42 =	vmul.f32 v42, v20;
	v43 =	vmul.f32 v43, v20;
	[tilespmem:v9+s10+$0x0] =	vst.idx.add.f32.msk $0xffff, v45  }
0x165: {  	v31 =	vmul.f32 v31, v21;
	[tilespmem:v8+s9+$0x0] =	vst.idx.add.f32.msk $0xffff, v32;
	v32 =	vmul.f32 v34, v21  }
0x166: {  	[tilespmem:v8+s10+$0x0] =	vst.idx.add.f32.msk $0xffff, v33  }
0x167: {  	[tilespmem:v7+s9+$0x0] =	vst.idx.add.f32.msk $0xffff, v35  }
0x168: {  	[tilespmem:v7+s10+$0x0] =	vst.idx.add.f32.msk $0xffff, v36  }
0x169: {  	v33 =	vshll.u32 v41, $0x10;
	[tilespmem:v5+s9+$0x0] =	vst.idx.add.f32.msk $0xffff, v37  }
0x16a: {  	v34 =	vand.u32 $0xFFFF0000, v41;
	v33 =	vmul.f32 v33, v29;
	[tilespmem:v5+s10+$0x0] =	vst.idx.add.f32.msk $0xffff, v38  }
0x16b: {  	v34 =	vmul.f32 v34, v29;
	[tilespmem:v1+s9+$0x0] =	vst.idx.add.f32.msk $0xffff, v39  }
0x16c: {  	[tilespmem:v30+s13+$0x0] =	vst.idx.add.f32.msk $0xffff, v33  }
0x16d: {  	[tilespmem:v30+s14+$0x0] =	vst.idx.add.f32.msk $0xffff, v34  }
0x16e: {  	v28 =	vld.idx.msk [tilespmem:v28+s4+$0x0], $0xffff  }
0x16f: {  	[tilespmem:v1+s10+$0x0] =	vst.idx.add.f32.msk $0xffff, v40  }
0x170: {  	[tilespmem:v27+s9+$0x0] =	vst.idx.add.f32.msk $0xffff, v42  }
0x171: {  	[tilespmem:v27+s10+$0x0] =	vst.idx.add.f32.msk $0xffff, v43  }
0x172: {  	[tilespmem:v10+s9+$0x0] =	vst.idx.add.f32.msk $0xffff, v31  }
0x173: {  	[tilespmem:v10+s10+$0x0] =	vst.idx.add.f32.msk $0xffff, v32  }
0x174: {  	v32 =	vshll.u32 v28, $0x10;
	v31 =	vld.idx.msk [tilespmem:v24+s2+$0x0], $0xffff  }
0x175: {  	v28 =	vand.u32 $0xFFFF0000, v28;
	v32 =	vmul.f32 v32, v29;
	v33 =	vld.idx.msk [tilespmem:v11+s2+$0x0], $0xffff  }
0x176: {  	v28 =	vmul.f32 v28, v29;
	v34 =	vld.idx.msk [tilespmem:v12+s2+$0x0], $0xffff  }
0x177: {  	[tilespmem:v30+s15+$0x0] =	vst.idx.add.f32.msk $0xffff, v32  }
0x178: {  	[tilespmem:v30+s17+$0x0] =	vst.idx.add.f32.msk $0xffff, v28  }
0x179: {  	v28 =	vld.idx.msk [tilespmem:v13+s2+$0x0], $0xffff  }
0x17a: {  	v29 =	vshll.u32 v31, $0x10;
	v30 =	vand.u32 $0xFFFF0000, v31;
	v31 =	vld.idx.msk [tilespmem:v14+s2+$0x0], $0xffff  }
0x17b: {  	v29 =	vmul.f32 v29, v26;
	v32 =	vshll.u32 v33, $0x10;
	v33 =	vand.u32 $0xFFFF0000, v33;
	v35 =	vld.idx.msk [tilespmem:v15+s2+$0x0], $0xffff  }
0x17c: {  	v30 =	vmul.f32 v30, v26;
	v36 =	vshll.u32 v34, $0x10;
	v34 =	vand.u32 $0xFFFF0000, v34;
	v37 =	vld.idx.msk [tilespmem:v16+s2+$0x0], $0xffff  }
0x17d: {  	[tilespmem:v9+s11+$0x0] =	vst.idx.add.f32.msk $0xffff, v29;
	v29 =	vmul.f32 v32, v25;
	v32 =	vmul.f32 v33, v25  }
0x17e: {  	v33 =	vmul.f32 v34, v23;
	[tilespmem:v9+s12+$0x0] =	vst.idx.add.f32.msk $0xffff, v30;
	v30 =	vmul.f32 v36, v23  }
0x17f: {  	[tilespmem:v8+s11+$0x0] =	vst.idx.add.f32.msk $0xffff, v29;
	v29 =	vshll.u32 v28, $0x10;
	v28 =	vand.u32 $0xFFFF0000, v28  }
0x180: {  	[tilespmem:v8+s12+$0x0] =	vst.idx.add.f32.msk $0xffff, v32;
	v29 =	vmul.f32 v29, v22;
	v32 =	vshll.u32 v31, $0x10;
	v31 =	vand.u32 $0xFFFF0000, v31  }
0x181: {  	v28 =	vmul.f32 v28, v22;
	v34 =	vand.u32 $0xFFFF0000, v35;
	[tilespmem:v7+s11+$0x0] =	vst.idx.add.f32.msk $0xffff, v30;
	v30 =	vshll.u32 v35, $0x10  }
0x182: {  	v32 =	vmul.f32 v32, v19;
	v35 =	vand.u32 $0xFFFF0000, v37;
	[tilespmem:v7+s12+$0x0] =	vst.idx.add.f32.msk $0xffff, v33;
	v33 =	vshll.u32 v37, $0x10  }
0x183: {  	v30 =	vmul.f32 v30, v20;
	[tilespmem:v5+s11+$0x0] =	vst.idx.add.f32.msk $0xffff, v29;
	v29 =	vmul.f32 v31, v19  }
0x184: {  	v31 =	vmul.f32 v33, v21;
	[tilespmem:v5+s12+$0x0] =	vst.idx.add.f32.msk $0xffff, v28;
	v28 =	vmul.f32 v34, v20  }
0x185: {  	[tilespmem:v1+s11+$0x0] =	vst.idx.add.f32.msk $0xffff, v32;
	v32 =	vmul.f32 v35, v21  }
0x186: {  	[tilespmem:v1+s12+$0x0] =	vst.idx.add.f32.msk $0xffff, v29  }
0x187: {  	[tilespmem:v27+s11+$0x0] =	vst.idx.add.f32.msk $0xffff, v30  }
0x188: {  	[tilespmem:v27+s12+$0x0] =	vst.idx.add.f32.msk $0xffff, v28  }
0x189: {  	[tilespmem:v10+s11+$0x0] =	vst.idx.add.f32.msk $0xffff, v31  }
0x18a: {  	[tilespmem:v10+s12+$0x0] =	vst.idx.add.f32.msk $0xffff, v32  }
0x18b: {  	v28 =	vld.idx.msk [tilespmem:v24+s3+$0x0], $0xffff  }
0x18c: {  	v29 =	vld.idx.msk [tilespmem:v11+s3+$0x0], $0xffff  }
0x18d: {  	v30 =	vld.idx.msk [tilespmem:v12+s3+$0x0], $0xffff  }
0x18e: {  	v31 =	vld.idx.msk [tilespmem:v13+s3+$0x0], $0xffff  }
0x18f: {  	v32 =	vld.idx.msk [tilespmem:v14+s3+$0x0], $0xffff  }
0x190: {  	v33 =	vld.idx.msk [tilespmem:v15+s3+$0x0], $0xffff  }
0x191: {  	v34 =	vshll.u32 v28, $0x10;
	v28 =	vand.u32 $0xFFFF0000, v28;
	v35 =	vld.idx.msk [tilespmem:v16+s3+$0x0], $0xffff  }
0x192: {  	v34 =	vmul.f32 v34, v26;
	v36 =	vshll.u32 v29, $0x10;
	v29 =	vand.u32 $0xFFFF0000, v29;
	[tilespmem:v2+s15+$0x0] =	vst.idx.add.f32.msk $0xffff, v18  }
0x193: {  	v18 =	vmul.f32 v28, v26;
	v28 =	vshll.u32 v30, $0x10;
	v30 =	vand.u32 $0xFFFF0000, v30;
	[tilespmem:v2+s17+$0x0] =	vst.idx.add.f32.msk $0xffff, v17;
	v2 =	vmovc v27  }
0x194: {  	v17 =	vmul.f32 v36, v25;
	v27 =	vshll.u32 v31, $0x10;
	v31 =	vand.u32 $0xFFFF0000, v31;
	[tilespmem:v9+s13+$0x0] =	vst.idx.add.f32.msk $0xffff, v34  }
0x195: {  	[tilespmem:v9+s14+$0x0] =	vst.idx.add.f32.msk $0xffff, v18;
	v18 =	vmul.f32 v29, v25;
	v29 =	vshll.u32 v32, $0x10;
	v32 =	vand.u32 $0xFFFF0000, v32  }
0x196: {  	[tilespmem:v8+s13+$0x0] =	vst.idx.add.f32.msk $0xffff, v17;
	v17 =	vmul.f32 v28, v23;
	v28 =	vshll.u32 v33, $0x10;
	v33 =	vand.u32 $0xFFFF0000, v33  }
0x197: {  	v34 =	vand.u32 $0xFFFF0000, v35;
	[tilespmem:v8+s14+$0x0] =	vst.idx.add.f32.msk $0xffff, v18;
	v18 =	vmul.f32 v30, v23;
	v30 =	vshll.u32 v35, $0x10  }
0x198: {  	[tilespmem:v7+s13+$0x0] =	vst.idx.add.f32.msk $0xffff, v17;
	v17 =	vmul.f32 v27, v22;
	v27 =	vmul.f32 v31, v22  }
0x199: {  	[tilespmem:v7+s14+$0x0] =	vst.idx.add.f32.msk $0xffff, v18;
	v18 =	vmul.f32 v29, v19;
	v29 =	vmul.f32 v32, v19  }
0x19a: {  	[tilespmem:v5+s13+$0x0] =	vst.idx.add.f32.msk $0xffff, v17;
	v17 =	vmul.f32 v28, v20;
	v28 =	vmul.f32 v33, v20  }
0x19b: {  	[tilespmem:v5+s14+$0x0] =	vst.idx.add.f32.msk $0xffff, v27;
	v27 =	vmul.f32 v30, v21;
	v30 =	vmul.f32 v34, v21  }
0x19c: {  	[tilespmem:v1+s13+$0x0] =	vst.idx.add.f32.msk $0xffff, v18  }
0x19d: {  	[tilespmem:v1+s14+$0x0] =	vst.idx.add.f32.msk $0xffff, v29  }
0x19e: {  	[tilespmem:v2+s13+$0x0] =	vst.idx.add.f32.msk $0xffff, v17  }
0x19f: {  	[tilespmem:v2+s14+$0x0] =	vst.idx.add.f32.msk $0xffff, v28  }
0x1a0: {  	[tilespmem:v10+s13+$0x0] =	vst.idx.add.f32.msk $0xffff, v27  }
0x1a1: {  	[tilespmem:v10+s14+$0x0] =	vst.idx.add.f32.msk $0xffff, v30  }
0x1a2: {  	v17 =	vld.idx.msk [tilespmem:v24+s4+$0x0], $0xffff  }
0x1a3: {  	v11 =	vld.idx.msk [tilespmem:v11+s4+$0x0], $0xffff  }
0x1a4: {  	v12 =	vld.idx.msk [tilespmem:v12+s4+$0x0], $0xffff  }
0x1a5: {  	v13 =	vld.idx.msk [tilespmem:v13+s4+$0x0], $0xffff  }
0x1a6: {  	v14 =	vld.idx.msk [tilespmem:v14+s4+$0x0], $0xffff  }
0x1a7: {  	v15 =	vld.idx.msk [tilespmem:v15+s4+$0x0], $0xffff  }
0x1a8: {  	v18 =	vshll.u32 v17, $0x10;
	v17 =	vand.u32 $0xFFFF0000, v17;
	v16 =	vld.idx.msk [tilespmem:v16+s4+$0x0], $0xffff  }
0x1a9: {  	v18 =	vmul.f32 v18, v26;
	v24 =	vshll.u32 v11, $0x10;
	v11 =	vand.u32 $0xFFFF0000, v11;
	[tilespmem:v3+s15+$0x0] =	vst.idx.add.f32.msk $0xffff, v6  }
0x1aa: {  	v6 =	vmul.f32 v17, v26;
	v17 =	vshll.u32 v12, $0x10;
	v12 =	vand.u32 $0xFFFF0000, v12;
	[tilespmem:v3+s17+$0x0] =	vst.idx.add.f32.msk $0xffff, v4;
	v3 =	vmovc v10  }
0x1ab: {  	v4 =	vmul.f32 v24, v25;
	v10 =	vshll.u32 v13, $0x10;
	v13 =	vand.u32 $0xFFFF0000, v13;
	[tilespmem:v9+s15+$0x0] =	vst.idx.add.f32.msk $0xffff, v18  }
0x1ac: {  	[tilespmem:v9+s17+$0x0] =	vst.idx.add.f32.msk $0xffff, v6;
	v6 =	vmul.f32 v11, v25;
	v9 =	vshll.u32 v14, $0x10;
	v11 =	vand.u32 $0xFFFF0000, v14  }
0x1ad: {  	v14 =	vshll.u32 v15, $0x10;
	v15 =	vand.u32 $0xFFFF0000, v15;
	[tilespmem:v8+s15+$0x0] =	vst.idx.add.f32.msk $0xffff, v4;
	v4 =	vmul.f32 v17, v23  }
.Ltmp1:
0x1ae: {  	[tilespmem:v8+s17+$0x0] =	vst.idx.add.f32.msk $0xffff, v6;
	v6 =	vmul.f32 v12, v23;
	v8 =	vshll.u32 v16, $0x10;
	v12 =	vand.u32 $0xFFFF0000, v16;
	(pc) =	sbr.rel @p0 .LBB2_5-.Ltmp1, $4  }
0x1af: {  	v13 =	vmul.f32 v13, v22;
	[tilespmem:v7+s15+$0x0] =	vst.idx.add.f32.msk $0xffff, v4;
	v4 =	vmul.f32 v10, v22  }
0x1b0: {  	v10 =	vmul.f32 v9, v19;
	v9 =	vmul.f32 v11, v19;
	[tilespmem:v7+s17+$0x0] =	vst.idx.add.f32.msk $0xffff, v6  }
0x1b1: {  	v18 =	vmul.f32 v14, v20;
	v17 =	vmul.f32 v15, v20;
	[tilespmem:v5+s15+$0x0] =	vst.idx.add.f32.msk $0xffff, v4  }
0x1b2: {  	s25 =	sadd.s32 $0x80, s25;
	v6 =	vmul.f32 v8, v21;
	v4 =	vmul.f32 v12, v21;
	[tilespmem:v5+s17+$0x0] =	vst.idx.add.f32.msk $0xffff, v13  }
0x1b3: {  	_ =	sdelay $0x3  }
0x1b4: {  	[tilespmem:v1+s15+$0x0] =	vst.idx.add.f32.msk $0xffff, v10  }
0x1b5: {  	[tilespmem:v2+s15+$0x0] =	vst.idx.add.f32.msk $0xffff, v18  }
0x1b6: {  	[tilespmem:v1+s17+$0x0] =	vst.idx.add.f32.msk $0xffff, v9  }
0x1b7: {  	[tilespmem:v2+s17+$0x0] =	vst.idx.add.f32.msk $0xffff, v17  }
0x1b8: {  	[tilespmem:v3+s15+$0x0] =	vst.idx.add.f32.msk $0xffff, v6  }
0x1b9: {  	[tilespmem:v3+s17+$0x0] =	vst.idx.add.f32.msk $0xffff, v4  }
0x1ba: {  	v1 =	vld [tilespmem:$0x1E840];
	_ =	sdelay $0x4  }
0x1bb: {  	v2 =	vand.u32 $0x3FFF, v1;
	_ =	sdelay $0x4  }
0x1bc: {  	v3 =	vld.idx.msk [tilespmem:v2+s1+$0x0], $0xffff  }
0x1bd: {  	v4 =	vld [tilespmem:$0x1FBD0];
	_ =	sdelay $0x1  }
0x1be: {  	v1 =	vshrl.u32 v1, $0xE;
	_ =	sdelay $0x1  }
0x1bf: {  	v5 =	vshll.u32 v3, $0x10  }
0x1c0: {  	v3 =	vand.u32 $0xFFFF0000, v3;
	v5 =	vmul.f32 v5, v4  }
0x1c1: {  	v3 =	vmul.f32 v3, v4  }
0x1c2: {  	[tilespmem:v1+s9+$0x0] =	vst.idx.add.f32.msk $0xffff, v5  }
0x1c3: {  	[tilespmem:v1+s10+$0x0] =	vst.idx.add.f32.msk $0xffff, v3  }
0x1c4: {  	v3 =	vld.idx.msk [tilespmem:v2+s2+$0x0], $0xffff;
	_ =	sdelay $0x4  }
0x1c5: {  	v62 =	vshll.u32 v3, $0x10  }
0x1c6: {  	v3 =	vand.u32 $0xFFFF0000, v3;
	v5 =	vmul.f32 v62, v4  }
0x1c7: {  	v3 =	vmul.f32 v3, v4  }
0x1c8: {  	[tilespmem:v1+s11+$0x0] =	vst.idx.add.f32.msk $0xffff, v5  }
0x1c9: {  	[tilespmem:v1+s12+$0x0] =	vst.idx.add.f32.msk $0xffff, v3  }
0x1ca: {  	v3 =	vld.idx.msk [tilespmem:v2+s3+$0x0], $0xffff;
	_ =	sdelay $0x4  }
0x1cb: {  	v63 =	vshll.u32 v3, $0x10  }
0x1cc: {  	v3 =	vand.u32 $0xFFFF0000, v3;
	v5 =	vmul.f32 v63, v4  }
0x1cd: {  	v3 =	vmul.f32 v3, v4  }
0x1ce: {  	[tilespmem:v1+s13+$0x0] =	vst.idx.add.f32.msk $0xffff, v5  }
0x1cf: {  	[tilespmem:v1+s14+$0x0] =	vst.idx.add.f32.msk $0xffff, v3  }
0x1d0: {  	v2 =	vld.idx.msk [tilespmem:v2+s4+$0x0], $0xffff;
	_ =	sdelay $0x2  }
0x1d1: {  	s22 =	sadd.s32 $0x1, s22  }
0x1d2: {  	p0 =	sne.s32 s22, $0x20  }
.Ltmp2:
0x1d3: {  	v3 =	vshll.u32 v2, $0x10;
	(pc) =	sbr.rel @p0 .LBB2_4-.Ltmp2, $4  }
0x1d4: {  	v2 =	vand.u32 $0xFFFF0000, v2;
	v3 =	vmul.f32 v3, v4  }
0x1d5: {  	v2 =	vmul.f32 v2, v4  }
0x1d6: {  	[tilespmem:v1+s15+$0x0] =	vst.idx.add.f32.msk $0xffff, v3  }
0x1d7: {  	[tilespmem:v1+s17+$0x0] =	vst.idx.add.f32.msk $0xffff, v2  }
0x1d8: {  	s0 =	rddreg [dreg:$0x7];
	s5 =	simm.s32 $0x3  }
0x1d9: {  	[hbm4b:s0+s1] =	stream.linear.scatter [tilespmem:s9], [sflag:$0x3], $0x2710, $0x38;
	[tilespmem:$0x1FBE0] =	vst v63  }
0x1da: {  	_ =	swait.ge [sflag:s5], $0x2710  }
0x1db: {  	[sflag:s5] =	ssyncset.done $0x0  }
0x1dc: {  	s25 =	rddreg [dreg:$0x15];
	[sflag:s5] =	ssyncadd.s32 $0xFFFFD8F0  }
0x1dd: {  	[hbm4b:s25+s1] =	stream.linear.scatter [tilespmem:s10], [sflag:$0x3], $0x2710, $0x38;
	[tilespmem:$0x1FBE0] =	vst v63  }
0x1de: {  	_ =	swait.ge [sflag:s5], $0x2710  }
0x1df: {  	[sflag:s5] =	ssyncset.done $0x0  }
0x1e0: {  	s26 =	rddreg [dreg:$0xc];
	[sflag:s5] =	ssyncadd.s32 $0xFFFFD8F0  }
0x1e1: {  	[hbm4b:s26+s1] =	stream.linear.scatter [tilespmem:s11], [sflag:$0x3], $0x2710, $0x38;
	[tilespmem:$0x1FBE0] =	vst v63  }
0x1e2: {  	_ =	swait.ge [sflag:s5], $0x2710  }
0x1e3: {  	[sflag:s5] =	ssyncset.done $0x0  }
0x1e4: {  	s6 =	rddreg [dreg:$0x16];
	[sflag:s5] =	ssyncadd.s32 $0xFFFFD8F0  }
0x1e5: {  	[hbm4b:s6+s1] =	stream.linear.scatter [tilespmem:s12], [sflag:$0x3], $0x2710, $0x38;
	[tilespmem:$0x1FBE0] =	vst v63  }
0x1e6: {  	_ =	swait.ge [sflag:s5], $0x2710  }
0x1e7: {  	[sflag:s5] =	ssyncset.done $0x0  }
0x1e8: {  	s16 =	rddreg [dreg:$0xd];
	[sflag:s5] =	ssyncadd.s32 $0xFFFFD8F0  }
0x1e9: {  	[hbm4b:s16+s1] =	stream.linear.scatter [tilespmem:s13], [sflag:$0x3], $0x2710, $0x38;
	[tilespmem:$0x1FBE0] =	vst v63  }
0x1ea: {  	_ =	swait.ge [sflag:s5], $0x2710  }
0x1eb: {  	[sflag:s5] =	ssyncset.done $0x0  }
0x1ec: {  	s18 =	rddreg [dreg:$0x17];
	[sflag:s5] =	ssyncadd.s32 $0xFFFFD8F0  }
0x1ed: {  	[hbm4b:s18+s1] =	stream.linear.scatter [tilespmem:s14], [sflag:$0x3], $0x2710, $0x38;
	[tilespmem:$0x1FBE0] =	vst v63  }
0x1ee: {  	_ =	swait.ge [sflag:s5], $0x2710  }
0x1ef: {  	[sflag:s5] =	ssyncset.done $0x0  }
0x1f0: {  	s19 =	rddreg [dreg:$0xe];
	[sflag:s5] =	ssyncadd.s32 $0xFFFFD8F0  }
0x1f1: {  	[hbm4b:s19+s1] =	stream.linear.scatter [tilespmem:s15], [sflag:$0x3], $0x2710, $0x38;
	[tilespmem:$0x1FBE0] =	vst v63  }
0x1f2: {  	_ =	swait.ge [sflag:s5], $0x2710  }
0x1f3: {  	[sflag:s5] =	ssyncset.done $0x0  }
0x1f4: {  	s21 =	rddreg [dreg:$0x18];
	[sflag:s5] =	ssyncadd.s32 $0xFFFFD8F0  }
0x1f5: {  	[hbm4b:s21+s1] =	stream.linear.scatter [tilespmem:s17], [sflag:$0x3], $0x2710, $0x38;
	[tilespmem:$0x1FBE0] =	vst v63  }
0x1f6: {  	_ =	swait.ge [sflag:s5], $0x2710  }
0x1f7: {  	[sflag:s5] =	ssyncset.done $0x0  }
0x1f8: {  	s22 =	rddreg [dreg:$0x8];
	[sflag:s5] =	ssyncadd.s32 $0xFFFFD8F0  }
0x1f9: {  	[tilespmem:s1], [sflag:$0x3] =	stream.linear.gather [hbm4b:s22+s1], $0x2710, $0x38;
	[tilespmem:$0x1FBE0] =	vst v63  }
0x1fa: {  	_ =	swait.ge [sflag:s5], $0x2710  }
0x1fb: {  	[sflag:s5] =	ssyncset.done $0x0  }
0x1fc: {  	s23 =	rddreg [dreg:$0x9];
	[sflag:s5] =	ssyncadd.s32 $0xFFFFD8F0  }
0x1fd: {  	[tilespmem:s2], [sflag:$0x3] =	stream.linear.gather [hbm4b:s23+s1], $0x2710, $0x38;
	[tilespmem:$0x1FBE0] =	vst v63  }
0x1fe: {  	_ =	swait.ge [sflag:s5], $0x2710  }
0x1ff: {  	[sflag:s5] =	ssyncset.done $0x0  }
0x200: {  	s24 =	rddreg [dreg:$0xa];
	[sflag:s5] =	ssyncadd.s32 $0xFFFFD8F0  }
0x201: {  	[tilespmem:s3], [sflag:$0x3] =	stream.linear.gather [hbm4b:s24+s1], $0x2710, $0x38;
	[tilespmem:$0x1FBE0] =	vst v63  }
0x202: {  	_ =	swait.ge [sflag:s5], $0x2710  }
0x203: {  	[sflag:s5] =	ssyncset.done $0x0  }
0x204: {  	s25 =	rddreg [dreg:$0xb];
	[sflag:s5] =	ssyncadd.s32 $0xFFFFD8F0  }
0x205: {  	[tilespmem:s4], [sflag:$0x3] =	stream.linear.gather [hbm4b:s25+s1], $0x2710, $0x38;
	[tilespmem:$0x1FBE0] =	vst v63  }
0x206: {  	_ =	swait.ge [sflag:s5], $0x2710  }
0x207: {  	[sflag:s5] =	ssyncset.done $0x0  }
0x208: {  	s26 =	simm.s32 $0x9C80;
	[sflag:s5] =	ssyncadd.s32 $0xFFFFD8F0  }
0x209: {  	[tilespmem:s26+$0xFFFFFFE0] =	vst v0  }
0x20a: {  	[tilespmem:s26+$0xFFFFFFF0] =	vst v0  }
0x20b: {  	[tilespmem:s26+$0x10] =	vst v0  }
0x20c: {  	[tilespmem:s26+$0xFFFFFFD0] =	vst v0  }
0x20d: {  	[tilespmem:s26+$0x0] =	vst v0  }
0x20e: {  	[tilespmem:s26+$0x30] =	vst v0  }
0x20f: {  	[tilespmem:s26+$0xFFFFFFC0] =	vst v0  }
0x210: {  	s28 =	simm.s32 $0xC390;
	[tilespmem:s26+$0x20] =	vst v0  }
0x211: {  	[tilespmem:s28+$0x20] =	vst v0  }
0x212: {  	[tilespmem:s28+$0xFFFFFFC0] =	vst v0  }
0x213: {  	[tilespmem:s28+$0x30] =	vst v0  }
0x214: {  	[tilespmem:s28+$0x0] =	vst v0  }
0x215: {  	[tilespmem:s28+$0xFFFFFFD0] =	vst v0  }
0x216: {  	s29 =	simm.s32 $0xEAA0;
	[tilespmem:s28+$0x10] =	vst v0  }
0x217: {  	[tilespmem:s29+$0x20] =	vst v0  }
0x218: {  	[tilespmem:s29+$0xFFFFFFC0] =	vst v0  }
0x219: {  	[tilespmem:s29+$0x30] =	vst v0  }
0x21a: {  	[tilespmem:s29+$0x10] =	vst v0  }
0x21b: {  	[tilespmem:s29+$0xFFFFFFD0] =	vst v0  }
0x21c: {  	s26 =	simm.s32 $0x111B0;
	[tilespmem:s29+$0x0] =	vst v0  }
0x21d: {  	[tilespmem:s26+$0x20] =	vst v0  }
0x21e: {  	[tilespmem:s26+$0x30] =	vst v0  }
0x21f: {  	[tilespmem:s26+$0xFFFFFFC0] =	vst v0  }
0x220: {  	s25 =	simm.s32 $0x138C0;
	[tilespmem:s26+$0x10] =	vst v0  }
0x221: {  	[tilespmem:s25+$0x20] =	vst v0  }
0x222: {  	[tilespmem:s25+$0xFFFFFFC0] =	vst v0  }
0x223: {  	s23 =	simm.s32 $0x15FD0;
	[tilespmem:s25+$0x30] =	vst v0  }
0x224: {  	[tilespmem:s23+$0x20] =	vst v0  }
0x225: {  	s22 =	simm.s32 $0x186E0;
	[tilespmem:s23+$0xFFFFFFC0] =	vst v0  }
0x226: {  	s31 =	simm.s32 $0x0;
	[tilespmem:s22+$0x20] =	vst v0  }
0x227: {  	s30 =	simm.s32 $0xEAA0;
	s0 =	simm.s32 $0x11230;
	s24 =	simm.s32 $0x1ADF0;
	[tilespmem:s22+$0xFFFFFFC0] =	vst v0  }
0x228: {  	s6 =	simm.s32 $0x9D00;
	s16 =	simm.s32 $0xC390;
	s18 =	simm.s32 $0x16050;
	[tilespmem:s24+$0x20] =	vst v0  }
0x229: {  	s19 =	simm.s32 $0x13940;
	s21 =	simm.s32 $0x18760;
	s5 =	simm.s32 $0x1AE70;
	[tilespmem:s24+$0xFFFFFFC0] =	vst v0  }
.LBB2_8:
0x22a: {  	s31 =	sadd.s32 $0x80, s31;
	[tilespmem:s26+$0x0] =	vst v0;
	s28 =	sadd.s32 $0x80, s28;
	s29 =	sadd.s32 $0x80, s29  }
0x22b: {  	p0 =	slt.u32 s31, $0x2680;
	[tilespmem:s16+$0xFFFFFFE0] =	vst v0  }
0x22c: {  	[tilespmem:s25+$0x10] =	vst v0  }
0x22d: {  	[tilespmem:s23+$0x10] =	vst v0  }
0x22e: {  	[tilespmem:s26+$0xFFFFFFD0] =	vst v0  }
0x22f: {  	[tilespmem:s16+$0xFFFFFFF0] =	vst v0;
	s16 =	smov.u32 s28  }
0x230: {  	[tilespmem:s25+$0x0] =	vst v0  }
0x231: {  	[tilespmem:s23+$0x0] =	vst v0  }
0x232: {  	[tilespmem:s22+$0x0] =	vst v0  }
0x233: {  	[tilespmem:s24+$0x0] =	vst v0  }
0x234: {  	[tilespmem:s30+$0xFFFFFFE0] =	vst v0  }
0x235: {  	[tilespmem:s22+$0x10] =	vst v0  }
0x236: {  	[tilespmem:s23+$0x30] =	vst v0  }
0x237: {  	[tilespmem:s25+$0xFFFFFFD0] =	vst v0  }
0x238: {  	[tilespmem:s30+$0xFFFFFFF0] =	vst v0;
	s30 =	smov.u32 s29  }
0x239: {  	[tilespmem:s23+$0xFFFFFFD0] =	vst v0  }
0x23a: {  	[tilespmem:s26+$0xFFFFFFF0] =	vst v0  }
0x23b: {  	[tilespmem:s25+$0xFFFFFFF0] =	vst v0  }
0x23c: {  	[tilespmem:s24+$0x10] =	vst v0  }
0x23d: {  	[tilespmem:s26+$0xFFFFFFE0] =	vst v0;
	s26 =	smov.u32 s0  }
0x23e: {  	[tilespmem:s22+$0x30] =	vst v0  }
0x23f: {  	[tilespmem:s24+$0x30] =	vst v0  }
0x240: {  	[tilespmem:s22+$0xFFFFFFD0] =	vst v0  }
0x241: {  	[tilespmem:s25+$0xFFFFFFE0] =	vst v0;
	s25 =	smov.u32 s19  }
0x242: {  	[tilespmem:s23+$0xFFFFFFE0] =	vst v0  }
0x243: {  	[tilespmem:s24+$0xFFFFFFD0] =	vst v0  }
0x244: {  	[tilespmem:s23+$0xFFFFFFF0] =	vst v0;
	s23 =	smov.u32 s18  }
0x245: {  	[tilespmem:s22+$0xFFFFFFE0] =	vst v0  }
0x246: {  	[tilespmem:s24+$0xFFFFFFE0] =	vst v0  }
0x247: {  	[tilespmem:s22+$0xFFFFFFF0] =	vst v0;
	s22 =	smov.u32 s21  }
0x248: {  	[tilespmem:s24+$0xFFFFFFF0] =	vst v0;
	s24 =	smov.u32 s5  }
0x249: {  	[tilespmem:s6+$0xFFFFFFE0] =	vst v0  }
0x24a: {  	[tilespmem:s6+$0xFFFFFFF0] =	vst v0  }
0x24b: {  	[tilespmem:s6+$0x10] =	vst v0  }
0x24c: {  	[tilespmem:s6+$0xFFFFFFD0] =	vst v0  }
0x24d: {  	[tilespmem:s6+$0x0] =	vst v0  }
0x24e: {  	[tilespmem:s6+$0x30] =	vst v0  }
0x24f: {  	[tilespmem:s6+$0xFFFFFFC0] =	vst v0  }
0x250: {  	[tilespmem:s6+$0x20] =	vst v0  }
0x251: {  	[tilespmem:s28+$0x20] =	vst v0  }
0x252: {  	[tilespmem:s29+$0x20] =	vst v0  }
0x253: {  	[tilespmem:s0+$0x20] =	vst v0  }
0x254: {  	[tilespmem:s19+$0x20] =	vst v0  }
0x255: {  	[tilespmem:s18+$0x20] =	vst v0  }
0x256: {  	[tilespmem:s21+$0x20] =	vst v0  }
0x257: {  	[tilespmem:s5+$0x20] =	vst v0  }
0x258: {  	[tilespmem:s28+$0xFFFFFFC0] =	vst v0  }
0x259: {  	[tilespmem:s29+$0xFFFFFFC0] =	vst v0  }
0x25a: {  	[tilespmem:s28+$0x30] =	vst v0  }
0x25b: {  	[tilespmem:s29+$0x30] =	vst v0  }
0x25c: {  	[tilespmem:s0+$0x30] =	vst v0  }
0x25d: {  	[tilespmem:s0+$0xFFFFFFC0] =	vst v0  }
0x25e: {  	[tilespmem:s28+$0x0] =	vst v0  }
0x25f: {  	[tilespmem:s28+$0xFFFFFFD0] =	vst v0  }
0x260: {  	[tilespmem:s19+$0xFFFFFFC0] =	vst v0  }
0x261: {  	[tilespmem:s28+$0x10] =	vst v0  }
0x262: {  	[tilespmem:s29+$0x10] =	vst v0  }
0x263: {  	[tilespmem:s0+$0x10] =	vst v0  }
0x264: {  	[tilespmem:s29+$0xFFFFFFD0] =	vst v0  }
.Ltmp3:
0x265: {  	[tilespmem:s19+$0x30] =	vst v0;
	(pc) =	sbr.rel @p0 .LBB2_8-.Ltmp3, $4  }
0x266: {  	[tilespmem:s29+$0x0] =	vst v0  }
0x267: {  	[tilespmem:s18+$0xFFFFFFC0] =	vst v0  }
0x268: {  	s21 =	sadd.s32 $0x80, s21;
	s5 =	sadd.s32 $0x80, s5;
	s18 =	sadd.s32 $0x80, s18;
	[tilespmem:s22+$0xFFFFFFC0] =	vst v0  }
0x269: {  	s6 =	sadd.s32 $0x80, s6;
	s0 =	sadd.s32 $0x80, s0;
	s19 =	sadd.s32 $0x80, s19;
	[tilespmem:s24+$0xFFFFFFC0] =	vst v0  }
0x26a: {  	[tilespmem:s26+$0x0] =	vst v0  }
0x26b: {  	[tilespmem:s16+$0xFFFFFFE0] =	vst v0  }
0x26c: {  	[tilespmem:s25+$0x10] =	vst v0  }
0x26d: {  	[tilespmem:s26+$0xFFFFFFD0] =	vst v0  }
0x26e: {  	[tilespmem:s16+$0xFFFFFFF0] =	vst v0  }
0x26f: {  	[tilespmem:s23+$0x30] =	vst v0  }
0x270: {  	[tilespmem:s23+$0x10] =	vst v0  }
0x271: {  	[tilespmem:s25+$0x0] =	vst v0  }
0x272: {  	[tilespmem:s30+$0xFFFFFFE0] =	vst v0  }
0x273: {  	[tilespmem:s25+$0xFFFFFFD0] =	vst v0  }
0x274: {  	[tilespmem:s30+$0xFFFFFFF0] =	vst v0  }
0x275: {  	[tilespmem:s22+$0x30] =	vst v0  }
0x276: {  	[tilespmem:s23+$0x0] =	vst v0  }
0x277: {  	[tilespmem:s22+$0x10] =	vst v0  }
0x278: {  	[tilespmem:s23+$0xFFFFFFD0] =	vst v0  }
0x279: {  	[tilespmem:s26+$0xFFFFFFF0] =	vst v0  }
0x27a: {  	[tilespmem:s26+$0xFFFFFFE0] =	vst v0  }
0x27b: {  	[tilespmem:s24+$0x30] =	vst v0  }
0x27c: {  	[tilespmem:s22+$0x0] =	vst v0  }
0x27d: {  	[tilespmem:s25+$0xFFFFFFF0] =	vst v0  }
0x27e: {  	[tilespmem:s24+$0x10] =	vst v0  }
0x27f: {  	[tilespmem:s22+$0xFFFFFFD0] =	vst v0  }
0x280: {  	[tilespmem:s25+$0xFFFFFFE0] =	vst v0  }
0x281: {  	[tilespmem:s24+$0x0] =	vst v0  }
0x282: {  	[tilespmem:s23+$0xFFFFFFE0] =	vst v0  }
0x283: {  	[tilespmem:s24+$0xFFFFFFD0] =	vst v0  }
0x284: {  	[tilespmem:s23+$0xFFFFFFF0] =	vst v0  }
0x285: {  	[tilespmem:s22+$0xFFFFFFE0] =	vst v0  }
0x286: {  	[tilespmem:s22+$0xFFFFFFF0] =	vst v0  }
0x287: {  	[tilespmem:s24+$0xFFFFFFE0] =	vst v0  }
0x288: {  	[tilespmem:s24+$0xFFFFFFF0] =	vst v0  }
0x289: {  	[tilespmem:$0xC340] =	vst v0  }
0x28a: {  	[tilespmem:$0xEA50] =	vst v0  }
0x28b: {  	[tilespmem:$0x11160] =	vst v0  }
0x28c: {  	[tilespmem:$0x13870] =	vst v0  }
0x28d: {  	[tilespmem:$0x15F80] =	vst v0  }
0x28e: {  	[tilespmem:$0x18690] =	vst v0  }
0x28f: {  	s18 =	simm.s32 $0x1D4C0;
	[tilespmem:$0x1ADA0] =	vst v0;
	s16 =	rddreg [dreg:$0x13]  }
0x290: {  	s19 =	simm.s32 $0x1E850;
	s22 =	simm.s32 $0x0;
	[tilespmem:$0x1D4B0] =	vst v0;
	s6 =	rddreg [dreg:$0x1e]  }
.LBB2_10:
0x291: {  	s0 =	smul.u32 $0x1390, s22;
	_ =	sdelay $0x1  }
0x292: {  	s5 =	sshrl.u32 s0, $0x3;
	s0 =	sadd.s32 s0, s6  }
0x293: {  	s5 =	sadd.s32 s16, s5;
	s0 =	sshrl.u32 s0, $0x3  }
0x294: {  	[tilespmem:s18], [sflag:$0x1] =	stream.linear.gather [hbm4b:s5+s1], $0x1390, $0x38;
	[tilespmem:$0x1FBE0] =	vst v63  }
0x295: {  	s0 =	sadd.s32 s20, s0  }
0x296: {  	[tilespmem:s19], [sflag:$0x2] =	stream.linear.gather [hbm4b:s0+s1], $0x1390, $0x38;
	[tilespmem:$0x1FBE0] =	vst v63  }
0x297: {  	_ =	swait.ge [sflag:s7], $0x1390  }
0x298: {  	[sflag:s7] =	ssyncset.done $0x0  }
0x299: {  	[sflag:s7] =	ssyncadd.s32 $0xFFFFEC70  }
0x29a: {  	_ =	swait.ge [sflag:s8], $0x1390  }
0x29b: {  	[sflag:s8] =	ssyncset.done $0x0  }
0x29c: {  	s31 =	simm.s32 $0x1D500;
	[sflag:s8] =	ssyncadd.s32 $0xFFFFEC70  }
0x29d: {  	v1 =	vld [tilespmem:s31+$0x30]  }
0x29e: {  	v2 =	vld [tilespmem:s31+$0xFFFFFFD0]  }
0x29f: {  	v3 =	vld [tilespmem:s31+$0xFFFFFFE0]  }
0x2a0: {  	v16 =	vld [tilespmem:s31+$0xFFFFFFF0]  }
0x2a1: {  	v22 =	vld [tilespmem:s31+$0x0]  }
0x2a2: {  	v24 =	vld [tilespmem:s31+$0x10];
	v23 =	vand.u32 $0x3FFF, v1  }
0x2a3: {  	v4 =	vld [tilespmem:s31+$0xFFFFFFC0]  }
0x2a4: {  	s23 =	simm.s32 $0x1E890;
	v25 =	vld [tilespmem:s31+$0x20]  }
0x2a5: {  	v27 =	vld [tilespmem:s23+$0x30]  }
0x2a6: {  	v21 =	vld [tilespmem:s23+$0xFFFFFFC0]  }
0x2a7: {  	v7 =	vand.u32 $0x3FFF, v2;
	v5 =	vld.idx.msk [tilespmem:v23+s1+$0x0], $0xffff  }
0x2a8: {  	v15 =	vld [tilespmem:s23+$0xFFFFFFD0];
	v9 =	vand.u32 $0x3FFF, v3  }
0x2a9: {  	v14 =	vld [tilespmem:s23+$0xFFFFFFE0];
	v18 =	vand.u32 $0x3FFF, v4  }
0x2aa: {  	v8 =	vld [tilespmem:s23+$0xFFFFFFF0];
	v30 =	vshrl.u32 v1, $0xE  }
0x2ab: {  	v6 =	vld [tilespmem:s23+$0x0]  }
0x2ac: {  	v26 =	vld.idx.msk [tilespmem:v7+s1+$0x0], $0xffff;
	v1 =	vshll.u32 v5, $0x10  }
0x2ad: {  	v10 =	vand.u32 $0x3FFF, v16;
	v28 =	vld.idx.msk [tilespmem:v9+s1+$0x0], $0xffff;
	v5 =	vand.u32 $0xFFFF0000, v5;
	v1 =	vmul.f32 v1, v27  }
0x2ae: {  	v11 =	vand.u32 $0x3FFF, v22;
	v19 =	vld.idx.msk [tilespmem:v18+s1+$0x0], $0xffff;
	v5 =	vmul.f32 v5, v27  }
0x2af: {  	v12 =	vand.u32 $0x3FFF, v24;
	[tilespmem:v30+s9+$0x0] =	vst.idx.add.f32.msk $0xffff, v1  }
0x2b0: {  	v13 =	vand.u32 $0x3FFF, v25;
	[tilespmem:v30+s10+$0x0] =	vst.idx.add.f32.msk $0xffff, v5  }
0x2b1: {  	v1 =	vld.idx.msk [tilespmem:v23+s2+$0x0], $0xffff  }
0x2b2: {  	v17 =	vshrl.u32 v4, $0xE;
	v29 =	vld.idx.msk [tilespmem:v10+s1+$0x0], $0xffff  }
0x2b3: {  	v31 =	vld.idx.msk [tilespmem:v11+s1+$0x0], $0xffff  }
0x2b4: {  	v32 =	vld.idx.msk [tilespmem:v12+s1+$0x0], $0xffff;
	v4 =	vshll.u32 v19, $0x10  }
0x2b5: {  	v33 =	vld.idx.msk [tilespmem:v13+s1+$0x0], $0xffff;
	v34 =	vmul.f32 v4, v21  }
0x2b6: {  	v4 =	vld [tilespmem:s23+$0x20];
	v20 =	vshll.u32 v1, $0x10  }
0x2b7: {  	[tilespmem:v17+s9+$0x0] =	vst.idx.add.f32.msk $0xffff, v34;
	v1 =	vand.u32 $0xFFFF0000, v1;
	v35 =	vmul.f32 v20, v27  }
0x2b8: {  	v5 =	vld [tilespmem:s23+$0x10];
	v20 =	vshrl.u32 v2, $0xE;
	v1 =	vmul.f32 v1, v27;
	v2 =	vand.u32 $0xFFFF0000, v19  }
0x2b9: {  	v2 =	vmul.f32 v2, v21;
	[tilespmem:v30+s11+$0x0] =	vst.idx.add.f32.msk $0xffff, v35  }
0x2ba: {  	v19 =	vshrl.u32 v3, $0xE;
	[tilespmem:v30+s12+$0x0] =	vst.idx.add.f32.msk $0xffff, v1  }
0x2bb: {  	v3 =	vshll.u32 v26, $0x10;
	[tilespmem:v17+s10+$0x0] =	vst.idx.add.f32.msk $0xffff, v2  }
0x2bc: {  	v61 =	vshll.u32 v28, $0x10;
	v3 =	vmul.f32 v3, v15;
	v60 =	vld.idx.msk [tilespmem:v23+s3+$0x0], $0xffff  }
0x2bd: {  	v63 =	vmul.f32 v61, v14;
	v1 =	vand.u32 $0xFFFF0000, v26;
	v45 =	vld.idx.msk [tilespmem:v18+s2+$0x0], $0xffff  }
0x2be: {  	v2 =	vand.u32 $0xFFFF0000, v28;
	v62 =	vmul.f32 v1, v15;
	[tilespmem:v20+s9+$0x0] =	vst.idx.add.f32.msk $0xffff, v3  }
0x2bf: {  	v16 =	vshrl.u32 v16, $0xE;
	v2 =	vmul.f32 v2, v14;
	[tilespmem:v19+s9+$0x0] =	vst.idx.add.f32.msk $0xffff, v63  }
0x2c0: {  	[tilespmem:v20+s10+$0x0] =	vst.idx.add.f32.msk $0xffff, v62  }
0x2c1: {  	v1 =	vshrl.u32 v22, $0xE;
	v3 =	vshll.u32 v29, $0x10;
	[tilespmem:v19+s10+$0x0] =	vst.idx.add.f32.msk $0xffff, v2  }
0x2c2: {  	v34 =	vand.u32 $0xFFFF0000, v29;
	v3 =	vmul.f32 v3, v8;
	v47 =	vld.idx.msk [tilespmem:v7+s2+$0x0], $0xffff  }
0x2c3: {  	v35 =	vshll.u32 v31, $0x10;
	v22 =	vmul.f32 v34, v8;
	v48 =	vld.idx.msk [tilespmem:v9+s2+$0x0], $0xffff  }
0x2c4: {  	v38 =	vand.u32 $0xFFFF0000, v31;
	v28 =	vmul.f32 v35, v6;
	[tilespmem:v16+s9+$0x0] =	vst.idx.add.f32.msk $0xffff, v3  }
0x2c5: {  	v40 =	vmul.f32 v38, v6;
	[tilespmem:v16+s10+$0x0] =	vst.idx.add.f32.msk $0xffff, v22  }
0x2c6: {  	[tilespmem:v1+s9+$0x0] =	vst.idx.add.f32.msk $0xffff, v28  }
0x2c7: {  	v2 =	vshll.u32 v60, $0x10;
	[tilespmem:v1+s10+$0x0] =	vst.idx.add.f32.msk $0xffff, v40  }
0x2c8: {  	v3 =	vand.u32 $0xFFFF0000, v60;
	v36 =	vmul.f32 v2, v27;
	v2 =	vshrl.u32 v24, $0xE;
	v49 =	vld.idx.msk [tilespmem:v10+s2+$0x0], $0xffff  }
0x2c9: {  	v37 =	vmul.f32 v3, v27;
	v3 =	vshrl.u32 v25, $0xE;
	v51 =	vld.idx.msk [tilespmem:v11+s2+$0x0], $0xffff  }
0x2ca: {  	v39 =	vshll.u32 v32, $0x10;
	[tilespmem:v30+s13+$0x0] =	vst.idx.add.f32.msk $0xffff, v36  }
0x2cb: {  	v42 =	vshll.u32 v33, $0x10;
	v22 =	vmul.f32 v39, v5;
	[tilespmem:v30+s14+$0x0] =	vst.idx.add.f32.msk $0xffff, v37  }
0x2cc: {  	v26 =	vmul.f32 v42, v4;
	v53 =	vshll.u32 v47, $0x10;
	v23 =	vld.idx.msk [tilespmem:v23+s4+$0x0], $0xffff  }
0x2cd: {  	v56 =	vshll.u32 v48, $0x10;
	v55 =	vmul.f32 v53, v15;
	[tilespmem:v2+s9+$0x0] =	vst.idx.add.f32.msk $0xffff, v22  }
0x2ce: {  	v41 =	vand.u32 $0xFFFF0000, v32;
	v58 =	vmul.f32 v56, v14;
	[tilespmem:v3+s9+$0x0] =	vst.idx.add.f32.msk $0xffff, v26  }
0x2cf: {  	v43 =	vand.u32 $0xFFFF0000, v33;
	v24 =	vmul.f32 v41, v5;
	[tilespmem:v20+s11+$0x0] =	vst.idx.add.f32.msk $0xffff, v55  }
0x2d0: {  	v44 =	vmul.f32 v43, v4;
	v25 =	vand.u32 $0xFFFF0000, v47;
	[tilespmem:v19+s11+$0x0] =	vst.idx.add.f32.msk $0xffff, v58  }
0x2d1: {  	v25 =	vmul.f32 v25, v15;
	[tilespmem:v2+s10+$0x0] =	vst.idx.add.f32.msk $0xffff, v24  }
0x2d2: {  	[tilespmem:v3+s10+$0x0] =	vst.idx.add.f32.msk $0xffff, v44  }
0x2d3: {  	[tilespmem:v20+s12+$0x0] =	vst.idx.add.f32.msk $0xffff, v25  }
0x2d4: {  	v60 =	vshll.u32 v51, $0x10;
	v54 =	vld.idx.msk [tilespmem:v13+s2+$0x0], $0xffff  }
0x2d5: {  	v25 =	vmul.f32 v60, v6;
	v33 =	vld.idx.msk [tilespmem:v7+s3+$0x0], $0xffff;
	v46 =	vshll.u32 v23, $0x10  }
0x2d6: {  	v52 =	vld.idx.msk [tilespmem:v12+s2+$0x0], $0xffff;
	v23 =	vand.u32 $0xFFFF0000, v23;
	v24 =	vmul.f32 v46, v27  }
0x2d7: {  	v50 =	vshll.u32 v45, $0x10;
	[tilespmem:v1+s11+$0x0] =	vst.idx.add.f32.msk $0xffff, v25;
	v23 =	vmul.f32 v23, v27  }
0x2d8: {  	v22 =	vand.u32 $0xFFFF0000, v45;
	[tilespmem:v30+s15+$0x0] =	vst.idx.add.f32.msk $0xffff, v24;
	v24 =	vmul.f32 v50, v21  }
0x2d9: {  	v22 =	vmul.f32 v22, v21;
	v28 =	vshll.u32 v54, $0x10;
	[tilespmem:v30+s17+$0x0] =	vst.idx.add.f32.msk $0xffff, v23  }
0x2da: {  	v40 =	vshll.u32 v33, $0x10;
	v29 =	vmul.f32 v28, v4;
	[tilespmem:v17+s11+$0x0] =	vst.idx.add.f32.msk $0xffff, v24  }
0x2db: {  	v59 =	vshll.u32 v49, $0x10;
	v41 =	vmul.f32 v40, v15;
	[tilespmem:v17+s12+$0x0] =	vst.idx.add.f32.msk $0xffff, v22  }
0x2dc: {  	v24 =	vmul.f32 v59, v8;
	[tilespmem:v3+s11+$0x0] =	vst.idx.add.f32.msk $0xffff, v29  }
0x2dd: {  	v30 =	vand.u32 $0xFFFF0000, v54;
	[tilespmem:v20+s13+$0x0] =	vst.idx.add.f32.msk $0xffff, v41  }
0x2de: {  	v57 =	vand.u32 $0xFFFF0000, v48;
	v31 =	vmul.f32 v30, v4;
	[tilespmem:v16+s11+$0x0] =	vst.idx.add.f32.msk $0xffff, v24  }
0x2df: {  	v23 =	vand.u32 $0xFFFF0000, v49;
	v22 =	vmul.f32 v57, v14;
	v32 =	vld.idx.msk [tilespmem:v18+s3+$0x0], $0xffff  }
0x2e0: {  	v23 =	vmul.f32 v23, v8;
	[tilespmem:v3+s12+$0x0] =	vst.idx.add.f32.msk $0xffff, v31  }
0x2e1: {  	v62 =	vshll.u32 v52, $0x10;
	[tilespmem:v19+s12+$0x0] =	vst.idx.add.f32.msk $0xffff, v22  }
0x2e2: {  	v24 =	vmul.f32 v62, v5;
	[tilespmem:v16+s12+$0x0] =	vst.idx.add.f32.msk $0xffff, v23  }
0x2e3: {  	v39 =	vld.idx.msk [tilespmem:v13+s3+$0x0], $0xffff  }
0x2e4: {  	v61 =	vand.u32 $0xFFFF0000, v51;
	[tilespmem:v2+s11+$0x0] =	vst.idx.add.f32.msk $0xffff, v24  }
0x2e5: {  	v63 =	vand.u32 $0xFFFF0000, v52;
	v22 =	vmul.f32 v61, v6;
	v34 =	vld.idx.msk [tilespmem:v9+s3+$0x0], $0xffff  }
0x2e6: {  	v23 =	vmul.f32 v63, v5;
	v35 =	vld.idx.msk [tilespmem:v10+s3+$0x0], $0xffff  }
0x2e7: {  	[tilespmem:v1+s12+$0x0] =	vst.idx.add.f32.msk $0xffff, v22  }
0x2e8: {  	[tilespmem:v2+s12+$0x0] =	vst.idx.add.f32.msk $0xffff, v23;
	v23 =	vand.u32 $0xFFFF0000, v33  }
0x2e9: {  	v36 =	vld.idx.msk [tilespmem:v11+s3+$0x0], $0xffff;
	v43 =	vmul.f32 v23, v15  }
0x2ea: {  	v38 =	vld.idx.msk [tilespmem:v12+s3+$0x0], $0xffff;
	v37 =	vshll.u32 v32, $0x10  }
0x2eb: {  	v22 =	vand.u32 $0xFFFF0000, v32;
	v27 =	vmul.f32 v37, v21;
	[tilespmem:v20+s14+$0x0] =	vst.idx.add.f32.msk $0xffff, v43  }
0x2ec: {  	v22 =	vmul.f32 v22, v21;
	v54 =	vshll.u32 v39, $0x10;
	v7 =	vld.idx.msk [tilespmem:v7+s4+$0x0], $0xffff  }
0x2ed: {  	v42 =	vshll.u32 v34, $0x10;
	v55 =	vmul.f32 v54, v4;
	[tilespmem:v17+s13+$0x0] =	vst.idx.add.f32.msk $0xffff, v27  }
0x2ee: {  	v46 =	vshll.u32 v35, $0x10;
	v45 =	vmul.f32 v42, v14;
	[tilespmem:v17+s14+$0x0] =	vst.idx.add.f32.msk $0xffff, v22  }
0x2ef: {  	v49 =	vmul.f32 v46, v8;
	[tilespmem:v3+s13+$0x0] =	vst.idx.add.f32.msk $0xffff, v55  }
0x2f0: {  	v56 =	vand.u32 $0xFFFF0000, v39;
	[tilespmem:v19+s13+$0x0] =	vst.idx.add.f32.msk $0xffff, v45  }
0x2f1: {  	v44 =	vand.u32 $0xFFFF0000, v34;
	v57 =	vmul.f32 v56, v4;
	[tilespmem:v16+s13+$0x0] =	vst.idx.add.f32.msk $0xffff, v49  }
0x2f2: {  	v48 =	vand.u32 $0xFFFF0000, v35;
	v47 =	vmul.f32 v44, v14;
	v18 =	vld.idx.msk [tilespmem:v18+s4+$0x0], $0xffff  }
0x2f3: {  	v23 =	vmul.f32 v48, v8;
	[tilespmem:v3+s14+$0x0] =	vst.idx.add.f32.msk $0xffff, v57  }
0x2f4: {  	v50 =	vshll.u32 v36, $0x10;
	[tilespmem:v19+s14+$0x0] =	vst.idx.add.f32.msk $0xffff, v47  }
0x2f5: {  	v52 =	vshll.u32 v38, $0x10;
	v25 =	vmul.f32 v50, v6;
	[tilespmem:v16+s14+$0x0] =	vst.idx.add.f32.msk $0xffff, v23  }
0x2f6: {  	v24 =	vmul.f32 v52, v5;
	v13 =	vld.idx.msk [tilespmem:v13+s4+$0x0], $0xffff  }
0x2f7: {  	[tilespmem:v1+s13+$0x0] =	vst.idx.add.f32.msk $0xffff, v25  }
0x2f8: {  	v51 =	vand.u32 $0xFFFF0000, v36;
	[tilespmem:v2+s13+$0x0] =	vst.idx.add.f32.msk $0xffff, v24  }
0x2f9: {  	v53 =	vand.u32 $0xFFFF0000, v38;
	v22 =	vmul.f32 v51, v6;
	v9 =	vld.idx.msk [tilespmem:v9+s4+$0x0], $0xffff  }
0x2fa: {  	v23 =	vmul.f32 v53, v5;
	v10 =	vld.idx.msk [tilespmem:v10+s4+$0x0], $0xffff  }
0x2fb: {  	[tilespmem:v1+s14+$0x0] =	vst.idx.add.f32.msk $0xffff, v22  }
0x2fc: {  	v59 =	vshll.u32 v7, $0x10;
	[tilespmem:v2+s14+$0x0] =	vst.idx.add.f32.msk $0xffff, v23  }
0x2fd: {  	v7 =	vand.u32 $0xFFFF0000, v7;
	v61 =	vmul.f32 v59, v15;
	v11 =	vld.idx.msk [tilespmem:v11+s4+$0x0], $0xffff  }
0x2fe: {  	v7 =	vmul.f32 v7, v15;
	v12 =	vld.idx.msk [tilespmem:v12+s4+$0x0], $0xffff;
	v58 =	vshll.u32 v18, $0x10;
	v18 =	vand.u32 $0xFFFF0000, v18  }
0x2ff: {  	[tilespmem:v20+s15+$0x0] =	vst.idx.add.f32.msk $0xffff, v61;
	v22 =	vmul.f32 v58, v21;
	v18 =	vmul.f32 v18, v21  }
0x300: {  	[tilespmem:v20+s17+$0x0] =	vst.idx.add.f32.msk $0xffff, v7;
	v60 =	vshll.u32 v9, $0x10;
	v9 =	vand.u32 $0xFFFF0000, v9;
	v62 =	vshll.u32 v10, $0x10  }
0x301: {  	v10 =	vand.u32 $0xFFFF0000, v10;
	[tilespmem:v17+s15+$0x0] =	vst.idx.add.f32.msk $0xffff, v22;
	v7 =	vmul.f32 v9, v14;
	v63 =	vmul.f32 v62, v8  }
0x302: {  	v20 =	vshll.u32 v13, $0x10;
	v8 =	vmul.f32 v10, v8;
	[tilespmem:v17+s17+$0x0] =	vst.idx.add.f32.msk $0xffff, v18;
	v17 =	vmul.f32 v60, v14  }
0x303: {  	v15 =	vshll.u32 v11, $0x10;
	v11 =	vand.u32 $0xFFFF0000, v11;
	v18 =	vshll.u32 v12, $0x10;
	[tilespmem:v16+s15+$0x0] =	vst.idx.add.f32.msk $0xffff, v63  }
0x304: {  	v12 =	vand.u32 $0xFFFF0000, v12;
	v10 =	vmul.f32 v15, v6;
	v9 =	vmul.f32 v11, v6;
	[tilespmem:v19+s15+$0x0] =	vst.idx.add.f32.msk $0xffff, v17  }
0x305: {  	v18 =	vmul.f32 v18, v5;
	v6 =	vmul.f32 v20, v4;
	[tilespmem:v19+s17+$0x0] =	vst.idx.add.f32.msk $0xffff, v7;
	v7 =	vand.u32 $0xFFFF0000, v13  }
0x306: {  	s24 =	simm.s32 $0x0;
	s25 =	simm.s32 $0x1D580;
	v17 =	vmul.f32 v12, v5;
	[tilespmem:v16+s17+$0x0] =	vst.idx.add.f32.msk $0xffff, v8;
	v4 =	vmul.f32 v7, v4  }
.LBB2_11:
0x307: {  	v19 =	vld [tilespmem:s25+$0x30]  }
0x308: {  	v5 =	vld [tilespmem:s25+$0xFFFFFFD0]  }
0x309: {  	v12 =	vld [tilespmem:s25+$0xFFFFFFE0]  }
0x30a: {  	v13 =	vld [tilespmem:s25+$0xFFFFFFF0]  }
0x30b: {  	s24 =	sadd.s32 $0x80, s24;
	v15 =	vld [tilespmem:s25+$0x0]  }
0x30c: {  	p0 =	slt.u32 s24, $0x1300;
	v16 =	vld [tilespmem:s25+$0x10];
	v28 =	vand.u32 $0x3FFF, v19  }
0x30d: {  	v8 =	vshrl.u32 v5, $0xE;
	v11 =	vand.u32 $0x3FFF, v5;
	v20 =	vld [tilespmem:s25+$0x20]  }
0x30e: {  	v21 =	vld [tilespmem:s25+$0xFFFFFFC0];
	v7 =	vshrl.u32 v12, $0xE;
	v12 =	vand.u32 $0x3FFF, v12  }
0x30f: {  	v5 =	vshrl.u32 v13, $0xE;
	v13 =	vand.u32 $0x3FFF, v13;
	[tilespmem:v1+s15+$0x0] =	vst.idx.add.f32.msk $0xffff, v10  }
0x310: {  	v14 =	vand.u32 $0x3FFF, v15;
	[tilespmem:v1+s17+$0x0] =	vst.idx.add.f32.msk $0xffff, v9;
	v1 =	vshrl.u32 v15, $0xE  }
0x311: {  	v27 =	vshrl.u32 v16, $0xE;
	v15 =	vand.u32 $0x3FFF, v16;
	v22 =	vld.idx.msk [tilespmem:v28+s1+$0x0], $0xffff  }
0x312: {  	s23 =	sadd.s32 $0x80, s23;
	v23 =	vld.idx.msk [tilespmem:v11+s1+$0x0], $0xffff;
	v10 =	vshrl.u32 v20, $0xE;
	v16 =	vand.u32 $0x3FFF, v20  }
0x313: {  	v9 =	vshrl.u32 v21, $0xE;
	v24 =	vand.u32 $0x3FFF, v21;
	v29 =	vld [tilespmem:s23+$0x30]  }
0x314: {  	v20 =	vld.idx.msk [tilespmem:v12+s1+$0x0], $0xffff  }
0x315: {  	v30 =	vshrl.u32 v19, $0xE;
	v21 =	vld.idx.msk [tilespmem:v13+s1+$0x0], $0xffff  }
0x316: {  	v19 =	vld.idx.msk [tilespmem:v14+s1+$0x0], $0xffff  }
0x317: {  	v26 =	vshll.u32 v22, $0x10;
	v25 =	vld.idx.msk [tilespmem:v15+s1+$0x0], $0xffff  }
0x318: {  	v22 =	vand.u32 $0xFFFF0000, v22;
	v32 =	vshll.u32 v23, $0x10;
	v31 =	vld.idx.msk [tilespmem:v24+s1+$0x0], $0xffff;
	v26 =	vmul.f32 v26, v29  }
0x319: {  	v33 =	vand.u32 $0xFFFF0000, v23;
	v22 =	vmul.f32 v22, v29;
	v34 =	vld.idx.msk [tilespmem:v16+s1+$0x0], $0xffff  }
0x31a: {  	v35 =	vshll.u32 v20, $0x10;
	v36 =	vand.u32 $0xFFFF0000, v20;
	[tilespmem:v30+s9+$0x0] =	vst.idx.add.f32.msk $0xffff, v26  }
0x31b: {  	v37 =	vshll.u32 v21, $0x10;
	v38 =	vand.u32 $0xFFFF0000, v21;
	[tilespmem:v30+s10+$0x0] =	vst.idx.add.f32.msk $0xffff, v22  }
0x31c: {  	v39 =	vshll.u32 v19, $0x10;
	v40 =	vand.u32 $0xFFFF0000, v19;
	v41 =	vld.idx.msk [tilespmem:v28+s2+$0x0], $0xffff  }
0x31d: {  	v42 =	vshll.u32 v25, $0x10;
	v43 =	vand.u32 $0xFFFF0000, v25;
	v26 =	vld [tilespmem:s23+$0xFFFFFFC0]  }
0x31e: {  	v20 =	vshll.u32 v31, $0x10;
	v21 =	vand.u32 $0xFFFF0000, v31;
	v25 =	vld [tilespmem:s23+$0xFFFFFFD0]  }
0x31f: {  	v31 =	vshll.u32 v34, $0x10;
	v34 =	vand.u32 $0xFFFF0000, v34;
	v23 =	vld [tilespmem:s23+$0xFFFFFFE0]  }
0x320: {  	v22 =	vld [tilespmem:s23+$0xFFFFFFF0]  }
0x321: {  	v19 =	vld [tilespmem:s23+$0x0]  }
0x322: {  	v46 =	vshll.u32 v41, $0x10;
	v44 =	vmul.f32 v20, v26;
	v45 =	vmul.f32 v21, v26;
	v20 =	vld [tilespmem:s23+$0x10]  }
0x323: {  	v41 =	vand.u32 $0xFFFF0000, v41;
	v46 =	vmul.f32 v46, v29;
	v32 =	vmul.f32 v32, v25;
	v21 =	vld [tilespmem:s23+$0x20]  }
0x324: {  	v41 =	vmul.f32 v41, v29;
	v33 =	vmul.f32 v33, v25;
	[tilespmem:v9+s9+$0x0] =	vst.idx.add.f32.msk $0xffff, v44  }
0x325: {  	v35 =	vmul.f32 v35, v23;
	v36 =	vmul.f32 v36, v23;
	[tilespmem:v30+s11+$0x0] =	vst.idx.add.f32.msk $0xffff, v46  }
0x326: {  	v37 =	vmul.f32 v37, v22;
	v38 =	vmul.f32 v38, v22;
	[tilespmem:v30+s12+$0x0] =	vst.idx.add.f32.msk $0xffff, v41  }
0x327: {  	v39 =	vmul.f32 v39, v19;
	v40 =	vmul.f32 v40, v19;
	v41 =	vld.idx.msk [tilespmem:v28+s3+$0x0], $0xffff  }
0x328: {  	v42 =	vmul.f32 v42, v20;
	v43 =	vmul.f32 v43, v20;
	[tilespmem:v9+s10+$0x0] =	vst.idx.add.f32.msk $0xffff, v45  }
0x329: {  	v31 =	vmul.f32 v31, v21;
	[tilespmem:v8+s9+$0x0] =	vst.idx.add.f32.msk $0xffff, v32;
	v32 =	vmul.f32 v34, v21  }
0x32a: {  	[tilespmem:v8+s10+$0x0] =	vst.idx.add.f32.msk $0xffff, v33  }
0x32b: {  	[tilespmem:v7+s9+$0x0] =	vst.idx.add.f32.msk $0xffff, v35  }
0x32c: {  	[tilespmem:v7+s10+$0x0] =	vst.idx.add.f32.msk $0xffff, v36  }
0x32d: {  	v33 =	vshll.u32 v41, $0x10;
	[tilespmem:v5+s9+$0x0] =	vst.idx.add.f32.msk $0xffff, v37  }
0x32e: {  	v34 =	vand.u32 $0xFFFF0000, v41;
	v33 =	vmul.f32 v33, v29;
	[tilespmem:v5+s10+$0x0] =	vst.idx.add.f32.msk $0xffff, v38  }
0x32f: {  	v34 =	vmul.f32 v34, v29;
	[tilespmem:v1+s9+$0x0] =	vst.idx.add.f32.msk $0xffff, v39  }
0x330: {  	[tilespmem:v30+s13+$0x0] =	vst.idx.add.f32.msk $0xffff, v33  }
0x331: {  	[tilespmem:v30+s14+$0x0] =	vst.idx.add.f32.msk $0xffff, v34  }
0x332: {  	v28 =	vld.idx.msk [tilespmem:v28+s4+$0x0], $0xffff  }
0x333: {  	[tilespmem:v1+s10+$0x0] =	vst.idx.add.f32.msk $0xffff, v40  }
0x334: {  	[tilespmem:v27+s9+$0x0] =	vst.idx.add.f32.msk $0xffff, v42  }
0x335: {  	[tilespmem:v27+s10+$0x0] =	vst.idx.add.f32.msk $0xffff, v43  }
0x336: {  	[tilespmem:v10+s9+$0x0] =	vst.idx.add.f32.msk $0xffff, v31  }
0x337: {  	[tilespmem:v10+s10+$0x0] =	vst.idx.add.f32.msk $0xffff, v32  }
0x338: {  	v32 =	vshll.u32 v28, $0x10;
	v31 =	vld.idx.msk [tilespmem:v24+s2+$0x0], $0xffff  }
0x339: {  	v28 =	vand.u32 $0xFFFF0000, v28;
	v32 =	vmul.f32 v32, v29;
	v33 =	vld.idx.msk [tilespmem:v11+s2+$0x0], $0xffff  }
0x33a: {  	v28 =	vmul.f32 v28, v29;
	v34 =	vld.idx.msk [tilespmem:v12+s2+$0x0], $0xffff  }
0x33b: {  	[tilespmem:v30+s15+$0x0] =	vst.idx.add.f32.msk $0xffff, v32  }
0x33c: {  	[tilespmem:v30+s17+$0x0] =	vst.idx.add.f32.msk $0xffff, v28  }
0x33d: {  	v28 =	vld.idx.msk [tilespmem:v13+s2+$0x0], $0xffff  }
0x33e: {  	v29 =	vshll.u32 v31, $0x10;
	v30 =	vand.u32 $0xFFFF0000, v31;
	v31 =	vld.idx.msk [tilespmem:v14+s2+$0x0], $0xffff  }
0x33f: {  	v29 =	vmul.f32 v29, v26;
	v32 =	vshll.u32 v33, $0x10;
	v33 =	vand.u32 $0xFFFF0000, v33;
	v35 =	vld.idx.msk [tilespmem:v15+s2+$0x0], $0xffff  }
0x340: {  	v30 =	vmul.f32 v30, v26;
	v36 =	vshll.u32 v34, $0x10;
	v34 =	vand.u32 $0xFFFF0000, v34;
	v37 =	vld.idx.msk [tilespmem:v16+s2+$0x0], $0xffff  }
0x341: {  	[tilespmem:v9+s11+$0x0] =	vst.idx.add.f32.msk $0xffff, v29;
	v29 =	vmul.f32 v32, v25;
	v32 =	vmul.f32 v33, v25  }
0x342: {  	v33 =	vmul.f32 v34, v23;
	[tilespmem:v9+s12+$0x0] =	vst.idx.add.f32.msk $0xffff, v30;
	v30 =	vmul.f32 v36, v23  }
0x343: {  	[tilespmem:v8+s11+$0x0] =	vst.idx.add.f32.msk $0xffff, v29;
	v29 =	vshll.u32 v28, $0x10;
	v28 =	vand.u32 $0xFFFF0000, v28  }
0x344: {  	[tilespmem:v8+s12+$0x0] =	vst.idx.add.f32.msk $0xffff, v32;
	v29 =	vmul.f32 v29, v22;
	v32 =	vshll.u32 v31, $0x10;
	v31 =	vand.u32 $0xFFFF0000, v31  }
0x345: {  	v28 =	vmul.f32 v28, v22;
	v34 =	vand.u32 $0xFFFF0000, v35;
	[tilespmem:v7+s11+$0x0] =	vst.idx.add.f32.msk $0xffff, v30;
	v30 =	vshll.u32 v35, $0x10  }
0x346: {  	v32 =	vmul.f32 v32, v19;
	v35 =	vand.u32 $0xFFFF0000, v37;
	[tilespmem:v7+s12+$0x0] =	vst.idx.add.f32.msk $0xffff, v33;
	v33 =	vshll.u32 v37, $0x10  }
0x347: {  	v30 =	vmul.f32 v30, v20;
	[tilespmem:v5+s11+$0x0] =	vst.idx.add.f32.msk $0xffff, v29;
	v29 =	vmul.f32 v31, v19  }
0x348: {  	v31 =	vmul.f32 v33, v21;
	[tilespmem:v5+s12+$0x0] =	vst.idx.add.f32.msk $0xffff, v28;
	v28 =	vmul.f32 v34, v20  }
0x349: {  	[tilespmem:v1+s11+$0x0] =	vst.idx.add.f32.msk $0xffff, v32;
	v32 =	vmul.f32 v35, v21  }
0x34a: {  	[tilespmem:v1+s12+$0x0] =	vst.idx.add.f32.msk $0xffff, v29  }
0x34b: {  	[tilespmem:v27+s11+$0x0] =	vst.idx.add.f32.msk $0xffff, v30  }
0x34c: {  	[tilespmem:v27+s12+$0x0] =	vst.idx.add.f32.msk $0xffff, v28  }
0x34d: {  	[tilespmem:v10+s11+$0x0] =	vst.idx.add.f32.msk $0xffff, v31  }
0x34e: {  	[tilespmem:v10+s12+$0x0] =	vst.idx.add.f32.msk $0xffff, v32  }
0x34f: {  	v28 =	vld.idx.msk [tilespmem:v24+s3+$0x0], $0xffff  }
0x350: {  	v29 =	vld.idx.msk [tilespmem:v11+s3+$0x0], $0xffff  }
0x351: {  	v30 =	vld.idx.msk [tilespmem:v12+s3+$0x0], $0xffff  }
0x352: {  	v31 =	vld.idx.msk [tilespmem:v13+s3+$0x0], $0xffff  }
0x353: {  	v32 =	vld.idx.msk [tilespmem:v14+s3+$0x0], $0xffff  }
0x354: {  	v33 =	vld.idx.msk [tilespmem:v15+s3+$0x0], $0xffff  }
0x355: {  	v34 =	vshll.u32 v28, $0x10;
	v28 =	vand.u32 $0xFFFF0000, v28;
	v35 =	vld.idx.msk [tilespmem:v16+s3+$0x0], $0xffff  }
0x356: {  	v34 =	vmul.f32 v34, v26;
	v36 =	vshll.u32 v29, $0x10;
	v29 =	vand.u32 $0xFFFF0000, v29;
	[tilespmem:v2+s15+$0x0] =	vst.idx.add.f32.msk $0xffff, v18  }
0x357: {  	v18 =	vmul.f32 v28, v26;
	v28 =	vshll.u32 v30, $0x10;
	v30 =	vand.u32 $0xFFFF0000, v30;
	[tilespmem:v2+s17+$0x0] =	vst.idx.add.f32.msk $0xffff, v17;
	v2 =	vmovc v27  }
0x358: {  	v17 =	vmul.f32 v36, v25;
	v27 =	vshll.u32 v31, $0x10;
	v31 =	vand.u32 $0xFFFF0000, v31;
	[tilespmem:v9+s13+$0x0] =	vst.idx.add.f32.msk $0xffff, v34  }
0x359: {  	[tilespmem:v9+s14+$0x0] =	vst.idx.add.f32.msk $0xffff, v18;
	v18 =	vmul.f32 v29, v25;
	v29 =	vshll.u32 v32, $0x10;
	v32 =	vand.u32 $0xFFFF0000, v32  }
0x35a: {  	[tilespmem:v8+s13+$0x0] =	vst.idx.add.f32.msk $0xffff, v17;
	v17 =	vmul.f32 v28, v23;
	v28 =	vshll.u32 v33, $0x10;
	v33 =	vand.u32 $0xFFFF0000, v33  }
0x35b: {  	v34 =	vand.u32 $0xFFFF0000, v35;
	[tilespmem:v8+s14+$0x0] =	vst.idx.add.f32.msk $0xffff, v18;
	v18 =	vmul.f32 v30, v23;
	v30 =	vshll.u32 v35, $0x10  }
0x35c: {  	[tilespmem:v7+s13+$0x0] =	vst.idx.add.f32.msk $0xffff, v17;
	v17 =	vmul.f32 v27, v22;
	v27 =	vmul.f32 v31, v22  }
0x35d: {  	[tilespmem:v7+s14+$0x0] =	vst.idx.add.f32.msk $0xffff, v18;
	v18 =	vmul.f32 v29, v19;
	v29 =	vmul.f32 v32, v19  }
0x35e: {  	[tilespmem:v5+s13+$0x0] =	vst.idx.add.f32.msk $0xffff, v17;
	v17 =	vmul.f32 v28, v20;
	v28 =	vmul.f32 v33, v20  }
0x35f: {  	[tilespmem:v5+s14+$0x0] =	vst.idx.add.f32.msk $0xffff, v27;
	v27 =	vmul.f32 v30, v21;
	v30 =	vmul.f32 v34, v21  }
0x360: {  	[tilespmem:v1+s13+$0x0] =	vst.idx.add.f32.msk $0xffff, v18  }
0x361: {  	[tilespmem:v1+s14+$0x0] =	vst.idx.add.f32.msk $0xffff, v29  }
0x362: {  	[tilespmem:v2+s13+$0x0] =	vst.idx.add.f32.msk $0xffff, v17  }
0x363: {  	[tilespmem:v2+s14+$0x0] =	vst.idx.add.f32.msk $0xffff, v28  }
0x364: {  	[tilespmem:v10+s13+$0x0] =	vst.idx.add.f32.msk $0xffff, v27  }
0x365: {  	[tilespmem:v10+s14+$0x0] =	vst.idx.add.f32.msk $0xffff, v30  }
0x366: {  	v17 =	vld.idx.msk [tilespmem:v24+s4+$0x0], $0xffff  }
0x367: {  	v11 =	vld.idx.msk [tilespmem:v11+s4+$0x0], $0xffff  }
0x368: {  	v12 =	vld.idx.msk [tilespmem:v12+s4+$0x0], $0xffff  }
0x369: {  	v13 =	vld.idx.msk [tilespmem:v13+s4+$0x0], $0xffff  }
0x36a: {  	v14 =	vld.idx.msk [tilespmem:v14+s4+$0x0], $0xffff  }
0x36b: {  	v15 =	vld.idx.msk [tilespmem:v15+s4+$0x0], $0xffff  }
0x36c: {  	v18 =	vshll.u32 v17, $0x10;
	v17 =	vand.u32 $0xFFFF0000, v17;
	v16 =	vld.idx.msk [tilespmem:v16+s4+$0x0], $0xffff  }
0x36d: {  	v18 =	vmul.f32 v18, v26;
	v24 =	vshll.u32 v11, $0x10;
	v11 =	vand.u32 $0xFFFF0000, v11;
	[tilespmem:v3+s15+$0x0] =	vst.idx.add.f32.msk $0xffff, v6  }
0x36e: {  	v6 =	vmul.f32 v17, v26;
	v17 =	vshll.u32 v12, $0x10;
	v12 =	vand.u32 $0xFFFF0000, v12;
	[tilespmem:v3+s17+$0x0] =	vst.idx.add.f32.msk $0xffff, v4;
	v3 =	vmovc v10  }
0x36f: {  	v4 =	vmul.f32 v24, v25;
	v10 =	vshll.u32 v13, $0x10;
	v13 =	vand.u32 $0xFFFF0000, v13;
	[tilespmem:v9+s15+$0x0] =	vst.idx.add.f32.msk $0xffff, v18  }
0x370: {  	[tilespmem:v9+s17+$0x0] =	vst.idx.add.f32.msk $0xffff, v6;
	v6 =	vmul.f32 v11, v25;
	v9 =	vshll.u32 v14, $0x10;
	v11 =	vand.u32 $0xFFFF0000, v14  }
0x371: {  	v14 =	vshll.u32 v15, $0x10;
	v15 =	vand.u32 $0xFFFF0000, v15;
	[tilespmem:v8+s15+$0x0] =	vst.idx.add.f32.msk $0xffff, v4;
	v4 =	vmul.f32 v17, v23  }
.Ltmp4:
0x372: {  	[tilespmem:v8+s17+$0x0] =	vst.idx.add.f32.msk $0xffff, v6;
	v6 =	vmul.f32 v12, v23;
	v8 =	vshll.u32 v16, $0x10;
	v12 =	vand.u32 $0xFFFF0000, v16;
	(pc) =	sbr.rel @p0 .LBB2_11-.Ltmp4, $4  }
0x373: {  	v13 =	vmul.f32 v13, v22;
	[tilespmem:v7+s15+$0x0] =	vst.idx.add.f32.msk $0xffff, v4;
	v4 =	vmul.f32 v10, v22  }
0x374: {  	v10 =	vmul.f32 v9, v19;
	v9 =	vmul.f32 v11, v19;
	[tilespmem:v7+s17+$0x0] =	vst.idx.add.f32.msk $0xffff, v6  }
0x375: {  	v18 =	vmul.f32 v14, v20;
	v17 =	vmul.f32 v15, v20;
	[tilespmem:v5+s15+$0x0] =	vst.idx.add.f32.msk $0xffff, v4  }
0x376: {  	s25 =	sadd.s32 $0x80, s25;
	v6 =	vmul.f32 v8, v21;
	v4 =	vmul.f32 v12, v21;
	[tilespmem:v5+s17+$0x0] =	vst.idx.add.f32.msk $0xffff, v13  }
0x377: {  	_ =	sdelay $0x3  }
0x378: {  	[tilespmem:v1+s15+$0x0] =	vst.idx.add.f32.msk $0xffff, v10  }
0x379: {  	[tilespmem:v2+s15+$0x0] =	vst.idx.add.f32.msk $0xffff, v18  }
0x37a: {  	[tilespmem:v1+s17+$0x0] =	vst.idx.add.f32.msk $0xffff, v9  }
0x37b: {  	[tilespmem:v2+s17+$0x0] =	vst.idx.add.f32.msk $0xffff, v17  }
0x37c: {  	[tilespmem:v3+s15+$0x0] =	vst.idx.add.f32.msk $0xffff, v6  }
0x37d: {  	[tilespmem:v3+s17+$0x0] =	vst.idx.add.f32.msk $0xffff, v4  }
0x37e: {  	v1 =	vld [tilespmem:$0x1E840];
	_ =	sdelay $0x4  }
0x37f: {  	v2 =	vand.u32 $0x3FFF, v1;
	_ =	sdelay $0x4  }
0x380: {  	v3 =	vld.idx.msk [tilespmem:v2+s1+$0x0], $0xffff  }
0x381: {  	v4 =	vld [tilespmem:$0x1FBD0];
	_ =	sdelay $0x1  }
0x382: {  	v1 =	vshrl.u32 v1, $0xE;
	_ =	sdelay $0x1  }
0x383: {  	v5 =	vshll.u32 v3, $0x10  }
0x384: {  	v3 =	vand.u32 $0xFFFF0000, v3;
	v5 =	vmul.f32 v5, v4  }
0x385: {  	v3 =	vmul.f32 v3, v4  }
0x386: {  	[tilespmem:v1+s9+$0x0] =	vst.idx.add.f32.msk $0xffff, v5  }
0x387: {  	[tilespmem:v1+s10+$0x0] =	vst.idx.add.f32.msk $0xffff, v3  }
0x388: {  	v3 =	vld.idx.msk [tilespmem:v2+s2+$0x0], $0xffff;
	_ =	sdelay $0x4  }
0x389: {  	v62 =	vshll.u32 v3, $0x10  }
0x38a: {  	v3 =	vand.u32 $0xFFFF0000, v3;
	v5 =	vmul.f32 v62, v4  }
0x38b: {  	v3 =	vmul.f32 v3, v4  }
0x38c: {  	[tilespmem:v1+s11+$0x0] =	vst.idx.add.f32.msk $0xffff, v5  }
0x38d: {  	[tilespmem:v1+s12+$0x0] =	vst.idx.add.f32.msk $0xffff, v3  }
0x38e: {  	v3 =	vld.idx.msk [tilespmem:v2+s3+$0x0], $0xffff;
	_ =	sdelay $0x4  }
0x38f: {  	v63 =	vshll.u32 v3, $0x10  }
0x390: {  	v3 =	vand.u32 $0xFFFF0000, v3;
	v5 =	vmul.f32 v63, v4  }
0x391: {  	v3 =	vmul.f32 v3, v4  }
0x392: {  	[tilespmem:v1+s13+$0x0] =	vst.idx.add.f32.msk $0xffff, v5  }
0x393: {  	[tilespmem:v1+s14+$0x0] =	vst.idx.add.f32.msk $0xffff, v3  }
0x394: {  	v2 =	vld.idx.msk [tilespmem:v2+s4+$0x0], $0xffff;
	_ =	sdelay $0x2  }
0x395: {  	s22 =	sadd.s32 $0x1, s22  }
0x396: {  	p0 =	sne.s32 s22, $0x20  }
.Ltmp5:
0x397: {  	v3 =	vshll.u32 v2, $0x10;
	(pc) =	sbr.rel @p0 .LBB2_10-.Ltmp5, $4  }
0x398: {  	v2 =	vand.u32 $0xFFFF0000, v2;
	v3 =	vmul.f32 v3, v4  }
0x399: {  	v2 =	vmul.f32 v2, v4  }
0x39a: {  	[tilespmem:v1+s15+$0x0] =	vst.idx.add.f32.msk $0xffff, v3  }
0x39b: {  	[tilespmem:v1+s17+$0x0] =	vst.idx.add.f32.msk $0xffff, v2  }
0x39c: {  	s0 =	rddreg [dreg:$0xf];
	s5 =	simm.s32 $0x3  }
0x39d: {  	[hbm4b:s0+s1] =	stream.linear.scatter [tilespmem:s9], [sflag:$0x3], $0x2710, $0x38;
	[tilespmem:$0x1FBE0] =	vst v63  }
0x39e: {  	_ =	swait.ge [sflag:s5], $0x2710  }
0x39f: {  	[sflag:s5] =	ssyncset.done $0x0  }
0x3a0: {  	s23 =	rddreg [dreg:$0x19];
	[sflag:s5] =	ssyncadd.s32 $0xFFFFD8F0  }
0x3a1: {  	[hbm4b:s23+s1] =	stream.linear.scatter [tilespmem:s10], [sflag:$0x3], $0x2710, $0x38;
	[tilespmem:$0x1FBE0] =	vst v63  }
0x3a2: {  	_ =	swait.ge [sflag:s5], $0x2710  }
0x3a3: {  	[sflag:s5] =	ssyncset.done $0x0  }
0x3a4: {  	s24 =	rddreg [dreg:$0x10];
	[sflag:s5] =	ssyncadd.s32 $0xFFFFD8F0  }
0x3a5: {  	[hbm4b:s24+s1] =	stream.linear.scatter [tilespmem:s11], [sflag:$0x3], $0x2710, $0x38;
	[tilespmem:$0x1FBE0] =	vst v63  }
0x3a6: {  	_ =	swait.ge [sflag:s5], $0x2710  }
0x3a7: {  	[sflag:s5] =	ssyncset.done $0x0  }
0x3a8: {  	s25 =	rddreg [dreg:$0x1a];
	[sflag:s5] =	ssyncadd.s32 $0xFFFFD8F0  }
0x3a9: {  	[hbm4b:s25+s1] =	stream.linear.scatter [tilespmem:s12], [sflag:$0x3], $0x2710, $0x38;
	[tilespmem:$0x1FBE0] =	vst v63  }
0x3aa: {  	_ =	swait.ge [sflag:s5], $0x2710  }
0x3ab: {  	[sflag:s5] =	ssyncset.done $0x0  }
0x3ac: {  	s26 =	rddreg [dreg:$0x11];
	[sflag:s5] =	ssyncadd.s32 $0xFFFFD8F0  }
0x3ad: {  	[hbm4b:s26+s1] =	stream.linear.scatter [tilespmem:s13], [sflag:$0x3], $0x2710, $0x38;
	[tilespmem:$0x1FBE0] =	vst v63  }
0x3ae: {  	_ =	swait.ge [sflag:s5], $0x2710  }
0x3af: {  	[sflag:s5] =	ssyncset.done $0x0  }
0x3b0: {  	s28 =	rddreg [dreg:$0x1b];
	[sflag:s5] =	ssyncadd.s32 $0xFFFFD8F0  }
0x3b1: {  	[hbm4b:s28+s1] =	stream.linear.scatter [tilespmem:s14], [sflag:$0x3], $0x2710, $0x38;
	[tilespmem:$0x1FBE0] =	vst v63  }
0x3b2: {  	_ =	swait.ge [sflag:s5], $0x2710  }
0x3b3: {  	[sflag:s5] =	ssyncset.done $0x0  }
0x3b4: {  	s29 =	rddreg [dreg:$0x12];
	[sflag:s5] =	ssyncadd.s32 $0xFFFFD8F0  }
0x3b5: {  	[hbm4b:s29+s1] =	stream.linear.scatter [tilespmem:s15], [sflag:$0x3], $0x2710, $0x38;
	[tilespmem:$0x1FBE0] =	vst v63  }
0x3b6: {  	_ =	swait.ge [sflag:s5], $0x2710  }
0x3b7: {  	[sflag:s5] =	ssyncset.done $0x0  }
0x3b8: {  	s30 =	rddreg [dreg:$0x1c];
	[sflag:s5] =	ssyncadd.s32 $0xFFFFD8F0  }
0x3b9: {  	[hbm4b:s30+s1] =	stream.linear.scatter [tilespmem:s17], [sflag:$0x3], $0x2710, $0x38;
	[tilespmem:$0x1FBE0] =	vst v63  }
0x3ba: {  	_ =	swait.ge [sflag:s5], $0x2710  }
0x3bb: {  	s18 =	rddreg [dreg:$0x1f]  }
0x3bc: {  	s31 =	rddreg [dreg:$0x1d];
	s18 =	sadd.s32 $0x1, s18  }
0x3bd: {  	p0 =	sne.s32 s18, s31  }
.Ltmp6:
0x3be: {  	_ = 	snop;
	(pc) =	sbr.rel @p0 .LBB2_1-.Ltmp6, $3  }
0x3bf: {  	_ =	sdelay $0x1  }
0x3c0: {  	[sflag:s5] =	ssyncset.done $0x0  }
0x3c1: {  	[sflag:s5] =	ssyncadd.s32 $0xFFFFD8F0  }
0x3c2: {  	_ =	sfence.sel $0x180000  }
0x3c3: {  	[bflag:$0x0] =	sbarrier.arrive $0xFFFF  }
0x3c4: {  	_ =	strace $0x9000004D  }
0x3c5: {  	s0 =	stileid.u32;
	[bflag:$0x2] =	sbarrier.arrive $0xFFFF  }
0x3c6: {  	p0 =	sne.s32 s0, $0x0;
	s0 =	rddreg [dreg:$0x2]  }
0x3c7: {  	s0 =	sadd.s32 @!p0 $0x100000, s0  }
0x3c8: {  	[sflag:s0] =	ssyncadd.tile.s32 @!p0 $0x1;
	_ =	shalt  }
.Lfunc_end2:
_tile_overlayer_lowered:
.L_overlay_start_2:
0x3c9: {  	(tag) =	ssettag $0x2  }
0x3ca: {  	s0 =	rddreg [dreg:$0x0];
	s2 =	stileid.u32  }
0x3cb: {  	s1 =	rddreg [dreg:$0x1];
	p0 =	sne.s32 s2, $0x0  }
0x3cc: {  	s3 =	rddreg [dreg:$0x2];
	[bflag:$0x3] =	sbarrier.arrive $0xFFFF;
	s2 =	simm.s32 @!p0 $0x1C03  }
0x3cd: {  	[timem:s3], [sflag:s2] =	dma.local @!p0 [hbm:s0], s1  }
0x3ce: {  	s0 =	simm.s32 @!p0 $0x3  }
0x3cf: {  	_ =	swait.ge @!p0 [sflag:s0], s1  }
0x3d0: {  	s1 =	ssub.s32 @!p0 $0x0, s1;
	[sflag:s0] =	ssyncset.done @!p0 $0x0  }
0x3d1: {  	[sflag:s0] =	ssyncadd.s32 @!p0 s1  }
0x3d2: {  	[bflag:$0x3] =	sbarrier.arrive $0xFFFF  }
0x3d3: {  	_ =	shalt  }

// kernel: kernel.7.cloned.1.call-start
scs
__scs_entry_jumppad:
0x0: {  	(pc) =	sbr.rel $0x88, $3  }
0x1: {  	(tag) =	ssettag $0x0;
	lr =	simm.s32 $0x1  }
0x2: {  	[smem:$0x3F9C] =	sst lr;
	_ =	strace $0xD0000000  }
0x3: {  	_ = 	snop  }
0x4: {  	_ = 	snop  }
0x5: {  	_ = 	snop  }
0x6: {  	_ = 	snop  }
0x7: {  	_ = 	snop  }
__scs_overlays_trampoline_lowered:
0x8: {  	[smem:$0x3FAB] =	sst s0  }
0x9: {  	[smem:$0x3FAC] =	sst s1  }
0xa: {  	[smem:$0x3FAD] =	sst s2  }
0xb: {  	[smem:$0x3FAE] =	sst s3  }
0xc: {  	[smem:$0x3FAF] =	sst s4  }
0xd: {  	[smem:$0x3FB0] =	sst s5  }
0xe: {  	[smem:$0x3FB1] =	sst s6  }
0xf: {  	[smem:$0x3FB2] =	sst s7  }
0x10: {  	[smem:$0x3FB3] =	sst s8  }
0x11: {  	[smem:$0x3FB4] =	sst s9;
	s0 =	simm.s32 @!p0 $0x0  }
0x12: {  	s1 =	sld [smem:$0x3F9A];
	s0 =	simm.s32 @p0 $0x1  }
0x13: {  	[smem:$0x3FB5] =	sst s0;
	s0 =	simm.s32 @!p1 $0x0  }
0x14: {  	s2 =	sld [smem:$0x3F99];
	s0 =	simm.s32 @p1 $0x1  }
0x15: {  	[smem:$0x3FB6] =	sst s0;
	s0 =	simm.s32 @!p2 $0x0  }
0x16: {  	s3 =	sld [smem:$0x3FDB];
	s0 =	simm.s32 @p2 $0x1  }
0x17: {  	s4 =	simm.s32 $0x1BF5;
	[smem:$0x3FB8] =	sst s0  }
0x18: {  	s0 =	sld [smem:$0x3F9B];
	_ =	swait.ge [sflag:s4], $0x0  }
0x19: {  	s7 =	sld [smem:$0x3F9C]  }
0x1a: {  	s8 =	sadd.s32 $0xFFFFE003, lr  }
0x1b: {  	s9 =	sadd.s32 $0xFFFFFEF7, lr;
	s5 =	simm.s32 $0xFFFFFFFF;
	p2 =	slt.u32 s8, $0xFFFFF086  }
0x1c: {  	p1 =	slt.u32 s9, $0xF7A;
	s5 =	simm.s32 @!p2 $0x0  }
0x1d: {  	s5 =	simm.s32 @p1 $0x1;
	p0 =	seq.s32 s7, s2  }
0x1e: {  	s7 =	smul.u32 @!p0 $0xF7A, s2;
	p2 =	seq.s32 @!p0 s5, $0x0  }
0x1f: {  	s9 =	smul.u32 $0xF7A, s1;
	s8 =	simm.s32 @!p0 $0x1BF5;
	p2 =	por !p2, p0  }
0x20: {  	[sflag:s8] =	ssyncset.s32 @!p0 $0xFFFFF086;
	s6 =	sadd.s32 @!p0 s3, s7;
	s7 =	simm.s32 @!p0 $0x108  }
0x21: {  	s3 =	sadd.s32 s3, s9;
	s6 =	sadd.s32 @!p0 $0x88, s6;
	s7 =	simm.s32 @p2 $0x1082  }
0x22: {  	[simem:s7], [sflag:s8] =	dma.local @!p0 [hbm:s6], $0xF7A  }
0x23: {  	s9 =	sor.u32 $0xD0000000, s2;
	s6 =	simm.s32 $0x108;
	_ =	swait.ge @!p0 [sflag:s8], $0x0  }
0x24: {  	s3 =	sadd.s32 $0x88, s3;
	s6 =	simm.s32 @!p1 $0x1082;
	[sflag:s4] =	ssyncset.s32 $0xFFFFF086  }
0x25: {  	[simem:s6], [sflag:s4] =	dma.local [hbm:s3], $0xF7A  }
0x26: {  	[smem:$0x3F9C] =	sst s1;
	(tag) =	ssettag s2;
	_ =	strace s9  }
0x27: {  	s1 =	sld [smem:$0x3FAC]  }
0x28: {  	s2 =	sld [smem:$0x3FAD]  }
0x29: {  	s4 =	sld [smem:$0x3FAF]  }
0x2a: {  	p0 =	seq.s32 s5, $0x0;
	s5 =	sld [smem:$0x3FB0]  }
0x2b: {  	s6 =	sld [smem:$0x3FB1]  }
0x2c: {  	s7 =	sld [smem:$0x3FB2]  }
0x2d: {  	s3 =	simm.s32 $0x108;
	s8 =	sld [smem:$0x3FB3]  }
0x2e: {  	s3 =	simm.s32 @!p0 $0x1082;
	s9 =	sld [smem:$0x3FB4]  }
0x2f: {  	lr =	sadd.s32 s0, s3;
	s0 =	sld [smem:$0x3FAB]  }
0x30: {  	s3 =	sld [smem:$0x3FAE]  }
0x31: {  	[smem:$0x3FB7] =	sst s10  }
0x32: {  	s10 =	sld [smem:$0x3FB5];
	_ =	sdelay $0x3  }
0x33: {  	p0 =	seq.s32 s10, $0x1;
	s10 =	sld [smem:$0x3FB7];
	_ =	sdelay $0x3  }
0x34: {  	[smem:$0x3FB7] =	sst s10  }
0x35: {  	s10 =	sld [smem:$0x3FB6];
	_ =	sdelay $0x3  }
0x36: {  	p1 =	seq.s32 s10, $0x1;
	s10 =	sld [smem:$0x3FB7];
	_ =	sdelay $0x3  }
0x37: {  	[smem:$0x3FB7] =	sst s10  }
0x38: {  	s10 =	sld [smem:$0x3FB8]  }
0x39: {  	_ = 	snop;
	(pc) =	sbr.ind lr, $3  }
0x3a: {  	_ = 	snop  }
0x3b: {  	_ = 	snop  }
0x3c: {  	p2 =	seq.s32 s10, $0x1;
	s10 =	sld [smem:$0x3FB7]  }
0x3d: {  	_ =	shalt  }
0x3e: {  	_ =	shalt  }
0x3f: {  	_ =	shalt  }
0x40: {  	_ =	shalt  }
0x41: {  	_ =	shalt  }
0x42: {  	_ =	shalt  }
0x43: {  	_ =	shalt  }
0x44: {  	_ =	shalt  }
0x45: {  	_ =	shalt  }
0x46: {  	_ =	shalt  }
0x47: {  	_ =	shalt  }
0x48: {  	_ =	shalt  }
0x49: {  	_ =	shalt  }
0x4a: {  	_ =	shalt  }
0x4b: {  	_ =	shalt  }
0x4c: {  	_ =	shalt  }
0x4d: {  	_ =	shalt  }
0x4e: {  	_ =	shalt  }
0x4f: {  	_ =	shalt  }
0x50: {  	_ =	shalt  }
0x51: {  	_ =	shalt  }
0x52: {  	_ =	shalt  }
0x53: {  	_ =	shalt  }
0x54: {  	_ =	shalt  }
0x55: {  	_ =	shalt  }
0x56: {  	_ =	shalt  }
0x57: {  	_ =	shalt  }
0x58: {  	_ =	shalt  }
0x59: {  	_ =	shalt  }
0x5a: {  	_ =	shalt  }
0x5b: {  	_ =	shalt  }
0x5c: {  	_ =	shalt  }
0x5d: {  	_ =	shalt  }
0x5e: {  	_ =	shalt  }
0x5f: {  	_ =	shalt  }
0x60: {  	_ =	shalt  }
0x61: {  	_ =	shalt  }
0x62: {  	_ =	shalt  }
0x63: {  	_ =	shalt  }
0x64: {  	_ =	shalt  }
0x65: {  	_ =	shalt  }
0x66: {  	_ =	shalt  }
0x67: {  	_ =	shalt  }
0x68: {  	_ =	shalt  }
0x69: {  	_ =	shalt  }
0x6a: {  	_ =	shalt  }
0x6b: {  	_ =	shalt  }
0x6c: {  	_ =	shalt  }
0x6d: {  	_ =	shalt  }
0x6e: {  	_ =	shalt  }
0x6f: {  	_ =	shalt  }
0x70: {  	_ =	shalt  }
0x71: {  	_ =	shalt  }
0x72: {  	_ =	shalt  }
0x73: {  	_ =	shalt  }
0x74: {  	_ =	shalt  }
0x75: {  	_ =	shalt  }
0x76: {  	_ =	shalt  }
0x77: {  	_ =	shalt  }
0x78: {  	_ =	shalt  }
0x79: {  	_ =	shalt  }
0x7a: {  	_ =	shalt  }
0x7b: {  	_ =	shalt  }
0x7c: {  	_ =	shalt  }
0x7d: {  	_ =	shalt  }
0x7e: {  	_ =	shalt  }
0x7f: {  	_ =	shalt  }
0x80: {  	_ =	shalt  }
0x81: {  	_ =	shalt  }
0x82: {  	_ =	shalt  }
0x83: {  	_ =	shalt  }
0x84: {  	_ =	shalt  }
0x85: {  	_ =	shalt  }
0x86: {  	_ =	shalt  }
0x87: {  	_ =	shalt  }
.Lfunc_end0:
.L_simem_size_0:
called_computation_lowered:
.L_overlay_start_0:
0x88: {  	s2 =	sld [smem:$0x3FD9]  }
0x89: {  	s3 =	sld [smem:$0x3FFE];
	_ =	sdelay $0x1  }
0x8a: {  	s1 =	srdreg.scid  }
0x8b: {  	s0 =	sand.u32 $0x1, s1  }
0x8c: {  	s14 =	sshll.u32 s0, $0xA;
	s2 =	sadd.s32 s3, s2  }
0x8d: {  	s2 =	sadd.s32 s2, s14  }
0x8e: {  	[smem:$0x3FC3] =	sst s2  }
0x8f: {  	_ = 	snop  }
0x90: {  	s2 =	sld [smem:$0x3FD0];
	_ =	sdelay $0x2  }
0x91: {  	s15 =	simm.s32 $0xA;
	s4 =	simm.s32 $0x10  }
0x92: {  	[smem:s4], [sflag:s15] =	dma.local [hbm:s2], $0x1  }
0x93: {  	_ =	swait.eq [sflag:s15], $0x1  }
0x94: {  	[sflag:s15] =	ssyncset.done $0x0  }
0x95: {  	[sflag:s15] =	ssyncadd.s32 $0xFFFFFFFF  }
0x96: {  	s16 =	sld [smem:$0x10];
	(tm) =	ssettm $0x1  }
0x97: {  	s17 =	sld [smem:$0x3FFB];
	_ =	sdelay $0x3  }
0x98: {  	_ =	strace s17  }
0x99: {  	s3 =	sld [smem:$0x3FFC];
	_ =	sdelay $0x3  }
0x9a: {  	_ =	strace s3  }
0x9b: {  	s3 =	sld [smem:$0x3FFD];
	_ =	sdelay $0x3  }
0x9c: {  	_ =	strace s3  }
0x9d: {  	_ =	strace $0x8FFFFFFF  }
0x9e: {  	s18 =	sld [smem:$0x3FDB];
	_ =	sdelay $0x1  }
0x9f: {  	s19 =	simm.s32 $_scs_section_size  }
0xa0: {  	s5 =	simm.s32 $_size__tile_overlayer_lowered;
	s6 =	simm.s32 $_tile_overlayer_lowered  }
0xa1: {  	s22 =	simm.s32 $0x1BFF;
	s21 =	sshll.u32 s6, $0x1;
	s3 =	sadd.s32 s19, s18  }
0xa2: {  	s7 =	simm.s32 $0x0;
	s20 =	sshll.u32 s5, $0x1;
	s5 =	sadd.s32 s21, s3  }
0xa3: {  	[timem:s7], [sflag:s22] =	dma.local [hbm:s5], s20  }
0xa4: {  	_ =	swait.ge [sflag:s22], s20  }
0xa5: {  	s4 =	ssub.s32 $0x0, s20;
	[sflag:s22] =	ssyncset.done $0x0  }
0xa6: {  	[sflag:s22] =	ssyncadd.s32 s4;
	_ =	sdelay $0x1  }
0xa7: {  	s23 =	simm.s32 $0x1B8B  }
0xa8: {  	_ =	swait.ge [sflag:s23], $0x1  }
0xa9: {  	[sflag:s23] =	ssyncset.done $0x0  }
0xaa: {  	s25 =	simm.s32 $0x1B8E;
	s24 =	sld [smem:$0x3FFE];
	[sflag:s23] =	ssyncadd.s32 $0xFFFFFFFF  }
0xab: {  	s26 =	simm.s32 $execute0_lowered;
	[smem:$0x3FD2] =	sst s25  }
0xac: {  	s5 =	sshll.u32 s26, $0x1;
	_ =	strace $0x80000046;
	[dreg:$0x1] =	wrdreg $0xFFFFFFFF  }
0xad: {  	s28 =	simm.s32 $_size_execute0_lowered;
	s3 =	sadd.s32 s3, s5;
	[dreg:$0x0] =	wrdreg $0x0  }
0xae: {  	s5 =	sshll.u32 s28, $0x1;
	[dreg:$0x2] =	wrdreg s3  }
0xaf: {  	[dreg:$0x3] =	wrdreg s5  }
0xb0: {  	[dreg:$0x4] =	wrdreg $0xC0  }
0xb1: {  	_ =	task [dreg:s7], $0x5FFFF  }
0xb2: {  	[dreg:$0x1] =	wrdreg $0xFFFFFFFF  }
0xb3: {  	[dreg:$0x0] =	wrdreg $0x60  }
0xb4: {  	[dreg:$0x2] =	wrdreg s24  }
0xb5: {  	[dreg:$0x3] =	wrdreg s16  }
0xb6: {  	[dreg:$0x4] =	wrdreg $0x9  }
0xb7: {  	_ =	task.clear_ibuf [dreg:s7], $0x5FFFF;
	_ =	strace $0x90000046  }
0xb8: {  	s29 =	simm.s32 $0x9;
	_ =	strace $0x80000048  }
0xb9: {  	_ =	swait.ge [sflag:s29], $0x1  }
0xba: {  	[sflag:s29] =	ssyncadd.s32 $0xFFFFFFFF  }
0xbb: {  	_ =	strace $0x90000048  }
0xbc: {  	_ =	sfence  }
0xbd: {  	s30 =	sld [smem:$0x0];
	_ =	sdelay $0x2  }
0xbe: {  	s31 =	sshll.u32 s1, $0xD;
	s1 =	sshrl.u32 s1, $0x2  }
0xbf: {  	s3 =	sand.u32 $0x4000, s31;
	s1 =	sadd.s32 s1, s30  }
0xc0: {  	s0 =	sor.u32 s3, s0;
	s1 =	sshll.u32 s1, $0x11  }
0xc1: {  	s0 =	sor.u32 s1, s0  }
0xc2: {  	s0 =	sadd.s32 $0x8F2B, s0  }
0xc3: {  	[sflag:s0] =	ssyncadd.remote.s32 $0x1  }
0xc4: {  	_ =	sfence.sel $0xFFFF  }
0xc5: {  	[dreg:$0x0] =	wrdreg $0xFFFFFFFF;
	(pc) =	sbr.abs _section_cstart, $3  }
0xc6: {  	[dreg:$0x1] =	wrdreg $0xFFFFFFFF  }
0xc7: {  	_ =	task.clear_ibuf [dreg:s7], $0x2FFFF;
	_ =	strace $0x9FFFFFFF  }
0xc8: {  	(tm) =	ssettm $0x7FFFFFFF  }
0xc9: {  	_ =	shalt  }
tec
execute0_lowered:
.L_overlay_start_1:
0x0: {  	(tag) =	ssettag $0x1  }
0x1: {  	s0 =	stileid.u32;
	s5 =	rddreg [dreg:$0x0]  }
0x2: {  	s1 =	srdreg.scid;
	s7 =	rddreg [dreg:$0x1]  }
0x3: {  	s14 =	simm.s32 $0x0;
	s2 =	sshll.u32 s0, $0x1;
	s6 =	sshrl.u32 s0, $0x2  }
0x4: {  	s3 =	sand.u32 $0x1, s1;
	s30 =	sand.u32 $0x6, s2;
	s10 =	smul.u32 $0x500, s6  }
0x5: {  	s2 =	simm.s32 $0x0;
	s11 =	smul.u32 $0x2800, s6;
	s4 =	sor.u32 s3, s30  }
0x6: {  	s12 =	sadd.s32 $0x1200, s5;
	[smem:$0x7FF] =	sst s2;
	s8 =	smul.u32 $0x9C8, s4  }
0x7: {  	s3 =	ssub.s32 $0x2, s3;
	s1 =	sshll.u32 s4, $0x2;
	s4 =	smul.u32 $0x4E40, s4  }
0x8: {  	s13 =	sshrl.u32 s3, $0x1;
	s31 =	sshrl.u32 s11, $0x3;
	s11 =	simm.s32 $0x7800  }
0x9: {  	s9 =	sor.u32 s6, s1;
	s1 =	rddreg [dreg:$0x2];
	s6 =	smul.u32 $0x27200, s6  }
0xa: {  	_ =	strace $0x80000047;
	s13 =	ssub.s32 s3, s13;
	s9 =	smul.u32 $0x500, s9  }
0xb: {  	s3 =	sadd.s32 s12, s10;
	s10 =	simm.s32 $0x2800;
	s8 =	sadd.s32 s8, s5  }
0xc: {  	s6 =	sadd.s32 s6, s4;
	s9 =	sadd.s32 s9, s5;
	s5 =	sadd.s32 s12, s31  }
0xd: {  	s6 =	sshrl.u32 s6, $0x3;
	s12 =	simm.s32 $0x5000;
	s4 =	sadd.s32 $0x1400, s5  }
0xe: {  	s5 =	sadd.s32 $0x3A00, s8;
	s6 =	sadd.s32 s7, s6;
	s7 =	sadd.s32 $0x8A00, s9  }
0xf: {  	v0 =	vimm.f32 $0.0e+00;
	s8 =	smax.u32 s13, $0x1;
	s9 =	simm.s32 $0x1;
	s13 =	simm.s32 $0xC640  }
.LBB2_1:
0x10: {  	[tilespmem:s2], [sflag:$0x1] =	stream.linear.gather [hbm4b:s3+s2], $0x2800, $0x38;
	[tilespmem:$0x11480] =	vst v63  }
0x11: {  	_ =	swait.ge [sflag:s9], $0x2800  }
0x12: {  	[sflag:s9] =	ssyncset.done $0x0  }
0x13: {  	[sflag:s9] =	ssyncadd.s32 $0xFFFFD800  }
0x14: {  	[tilespmem:s10], [sflag:$0x1] =	stream.linear.gather [hbm4b:s4+s2], $0x2800, $0x38;
	[tilespmem:$0x11480] =	vst v63  }
0x15: {  	_ =	swait.ge [sflag:s9], $0x2800  }
0x16: {  	[sflag:s9] =	ssyncset.done $0x0  }
0x17: {  	[sflag:s9] =	ssyncadd.s32 $0xFFFFD800  }
0x18: {  	[tilespmem:s11], [sflag:$0x1] =	stream.linear.gather [hbm4b:s5+s2], $0x4E40, $0x38;
	[tilespmem:$0x11480] =	vst v63  }
0x19: {  	_ =	swait.ge [sflag:s9], $0x4E40  }
0x1a: {  	[sflag:s9] =	ssyncset.done $0x0  }
0x1b: {  	s17 =	simm.s32 $0x5040;
	[sflag:s9] =	ssyncadd.s32 $0xFFFFB1C0  }
0x1c: {  	[tilespmem:s17+$0xFFFFFFC0] =	vst v0  }
0x1d: {  	[tilespmem:s17+$0x30] =	vst v0  }
0x1e: {  	[tilespmem:s17+$0x20] =	vst v0  }
0x1f: {  	[tilespmem:s17+$0x10] =	vst v0  }
0x20: {  	[tilespmem:s17+$0x0] =	vst v0  }
0x21: {  	[tilespmem:s17+$0xFFFFFFF0] =	vst v0  }
0x22: {  	s18 =	simm.s32 $0x0;
	s15 =	simm.s32 $0xC680;
	[tilespmem:s17+$0xFFFFFFE0] =	vst v0  }
.LBB2_2:
0x23: {  	s18 =	sadd.s32 $0x80, s18;
	[tilespmem:s17+$0xFFFFFFD0] =	vst v0;
	s17 =	sadd.s32 $0x80, s17;
	s16 =	simm.s32 $0x7840  }
0x24: {  	[tilespmem:s17+$0xFFFFFFC0] =	vst v0;
	p0 =	slt.u32 s18, $0x2780  }
0x25: {  	[tilespmem:s17+$0x30] =	vst v0  }
.Ltmp0:
0x26: {  	[tilespmem:s17+$0x20] =	vst v0;
	(pc) =	sbr.rel @p0 .LBB2_2-.Ltmp0, $4  }
0x27: {  	[tilespmem:s17+$0x10] =	vst v0  }
0x28: {  	[tilespmem:s17+$0x0] =	vst v0  }
0x29: {  	[tilespmem:s17+$0xFFFFFFF0] =	vst v0  }
0x2a: {  	[tilespmem:s17+$0xFFFFFFE0] =	vst v0  }
0x2b: {  	[tilespmem:s17+$0xFFFFFFD0] =	vst v0  }
0x2c: {  	v1 =	vld [tilespmem:s16+$0x30];
	_ =	sdelay $0x1  }
0x2d: {  	v3 =	vld [tilespmem:s16+$0xFFFFFFD0];
	_ =	sdelay $0x2  }
0x2e: {  	v2 =	vand.u32 $0x3FFF, v1  }
0x2f: {  	v4 =	vld [tilespmem:s16+$0xFFFFFFE0];
	v1 =	vshrl.u32 v1, $0xE  }
0x30: {  	v5 =	vld [tilespmem:s16+$0xFFFFFFF0];
	v6 =	vand.u32 $0x3FFF, v3  }
0x31: {  	v8 =	vld [tilespmem:s16+$0xFFFFFFC0];
	v3 =	vshrl.u32 v3, $0xE  }
0x32: {  	v11 =	vld [tilespmem:s16+$0x0]  }
0x33: {  	v2 =	vld.idx.msk [tilespmem:v2+s2+$0x0], $0xffff  }
0x34: {  	v7 =	vld.idx.msk [tilespmem:v1+s10+$0x0], $0xffff  }
0x35: {  	v12 =	vand.u32 $0x3FFF, v4;
	v6 =	vld.idx.msk [tilespmem:v6+s2+$0x0], $0xffff  }
0x36: {  	v9 =	vshrl.u32 v4, $0xE;
	v4 =	vand.u32 $0x3FFF, v5;
	v10 =	vshrl.u32 v5, $0xE;
	v5 =	vld.idx.msk [tilespmem:v3+s10+$0x0], $0xffff  }
0x37: {  	s31 =	simm.s32 $0x78C0;
	v13 =	vld [tilespmem:s16+$0x10]  }
0x38: {  	v39 =	vld [tilespmem:s31+$0x30]  }
0x39: {  	v21 =	vld [tilespmem:s31+$0xFFFFFFD0];
	v2 =	vadd.f32 v7, v2  }
0x3a: {  	v23 =	vld [tilespmem:s31+$0x10]  }
0x3b: {  	v15 =	vand.u32 $0x3FFF, v8;
	v7 =	vld [tilespmem:s16+$0x20];
	v5 =	vadd.f32 v5, v6;
	v16 =	vmul.f32 $2.000000030e-01, v2  }
0x3c: {  	v14 =	vshrl.u32 v8, $0xE;
	v8 =	vld.idx.msk [tilespmem:v12+s2+$0x0], $0xffff  }
0x3d: {  	v18 =	vld.idx.msk [tilespmem:v9+s10+$0x0], $0xffff;
	v12 =	vshrl.u32 v13, $0xE;
	v20 =	vmul.f32 $2.000000030e-01, v5;
	v2 =	vmax.f32 v2, v16  }
0x3e: {  	v17 =	vand.u32 $0x3FFF, v11;
	v4 =	vld.idx.msk [tilespmem:v4+s2+$0x0], $0xffff;
	v2 =	vmul.f32 $1.442695020e+00, v2  }
0x3f: {  	v11 =	vshrl.u32 v11, $0xE;
	v19 =	vld.idx.msk [tilespmem:v10+s10+$0x0], $0xffff;
	v16 =	vand.u32 $0x3FFF, v13;
	v5 =	vmax.f32 v5, v20  }
0x40: {  	v6 =	vld.idx.msk [tilespmem:v15+s2+$0x0], $0xffff;
	v13 =	vshrl.u32 v7, $0xE;
	v5 =	vmul.f32 $1.442695020e+00, v5;
	(erf) = vpow2.f32 v2  }
0x41: {  	v15 =	vld.idx.msk [tilespmem:v14+s10+$0x0], $0xffff;
	v2 =	vand.u32 $0x3FFF, v7  }
0x42: {  	v38 =	vld.idx.msk [tilespmem:v12+s10+$0x0], $0xffff;
	(erf) = vpow2.f32 v5  }
0x43: {  	v8 =	vadd.f32 v18, v8;
	v7 =	vld.idx.msk [tilespmem:v17+s2+$0x0], $0xffff  }
0x44: {  	v17 =	vld.idx.msk [tilespmem:v11+s10+$0x0], $0xffff  }
0x45: {  	v4 =	vadd.f32 v19, v4;
	v18 =	vmul.f32 $2.000000030e-01, v8;
	v5 =	vld.idx.msk [tilespmem:v13+s10+$0x0], $0xffff  }
0x46: {  	v2 =	vld.idx.msk [tilespmem:v2+s2+$0x0], $0xffff  }
0x47: {  	v8 =	vmax.f32 v8, v18;
	v6 =	vadd.f32 v15, v6;
	v15 =	vmul.f32 $2.000000030e-01, v4;
	v16 =	vld.idx.msk [tilespmem:v16+s2+$0x0], $0xffff  }
0x48: {  	v40 =	vld [tilespmem:s31+$0xFFFFFFE0];
	v8 =	vmul.f32 $1.442695020e+00, v8  }
0x49: {  	v41 =	vand.u32 $0x3FFF, v39;
	v4 =	vmax.f32 v4, v15;
	v15 =	vld [tilespmem:s31+$0xFFFFFFF0];
	v22 =	vpop (erf)  }
0x4a: {  	v26 =	vand.u32 $0x3FFF, v23;
	v7 =	vadd.f32 v17, v7;
	(erf) = vpow2.f32 v8;
	v8 =	vld [tilespmem:s31+$0x0];
	[tilespmem:s15+$0x30] =	vst v22  }
0x4b: {  	v17 =	vmul.f32 $1.442695020e+00, v4;
	v43 =	vpop (erf);
	v5 =	vadd.f32 v5, v2;
	[tilespmem:v1+s12+$0x0] =	vst.idx.add.f32.msk $0xffff, v22;
	v1 =	vmul.f32 $2.000000030e-01, v6  }
0x4c: {  	v25 =	vld [tilespmem:s31+$0x20];
	v24 =	vand.u32 $0x3FFF, v21;
	v4 =	vshrl.u32 v39, $0xE;
	v16 =	vadd.f32 v38, v16;
	[tilespmem:s15+$0xFFFFFFD0] =	vst v43  }
0x4d: {  	(erf) = vpow2.f32 v17;
	[tilespmem:v3+s12+$0x0] =	vst.idx.add.f32.msk $0xffff, v43;
	v3 =	vmul.f32 $2.000000030e-01, v5;
	v1 =	vmax.f32 v6, v1  }
0x4e: {  	v17 =	vld [tilespmem:s31+$0xFFFFFFC0];
	v6 =	vmul.f32 $2.000000030e-01, v7;
	v42 =	vmul.f32 $1.442695020e+00, v1;
	v1 =	vshrl.u32 v21, $0xE  }
0x4f: {  	v45 =	vld.idx.msk [tilespmem:v41+s2+$0x0], $0xffff;
	v5 =	vmax.f32 v5, v3;
	v3 =	vshrl.u32 v15, $0xE  }
0x50: {  	v26 =	vld.idx.msk [tilespmem:v26+s2+$0x0], $0xffff;
	v50 =	vand.u32 $0x3FFF, v8;
	v2 =	vmax.f32 v7, v6;
	v6 =	vmul.f32 $2.000000030e-01, v16  }
0x51: {  	v46 =	vld.idx.msk [tilespmem:v4+s10+$0x0], $0xffff;
	v7 =	vand.u32 $0x3FFF, v40;
	v44 =	vmul.f32 $1.442695020e+00, v2  }
0x52: {  	v2 =	vshrl.u32 v40, $0xE;
	v6 =	vmax.f32 v16, v6;
	v16 =	vand.u32 $0x3FFF, v15;
	v15 =	vld.idx.msk [tilespmem:v24+s2+$0x0], $0xffff  }
0x53: {  	v48 =	vand.u32 $0x3FFF, v17;
	v49 =	vld.idx.msk [tilespmem:v1+s10+$0x0], $0xffff  }
0x54: {  	v27 =	vld.idx.msk [tilespmem:v3+s10+$0x0], $0xffff  }
0x55: {  	v47 =	vmul.f32 $1.442695020e+00, v5;
	v5 =	vshrl.u32 v17, $0xE;
	(erf) = vpow2.f32 v42;
	v20 =	vld.idx.msk [tilespmem:v50+s2+$0x0], $0xffff  }
0x56: {  	v54 =	vand.u32 $0x3FFF, v25;
	v6 =	vmul.f32 $1.442695020e+00, v6;
	v17 =	vld.idx.msk [tilespmem:v7+s2+$0x0], $0xffff  }
0x57: {  	v18 =	vadd.f32 v46, v45;
	(erf) = vpow2.f32 v44;
	v51 =	vld.idx.msk [tilespmem:v2+s10+$0x0], $0xffff  }
0x58: {  	(erf) = vpow2.f32 v6;
	v6 =	vshrl.u32 v8, $0xE;
	v52 =	vld.idx.msk [tilespmem:v48+s2+$0x0], $0xffff  }
0x59: {  	v55 =	vmul.f32 $2.000000030e-01, v18;
	v16 =	vld.idx.msk [tilespmem:v16+s2+$0x0], $0xffff  }
0x5a: {  	v53 =	vpop (erf);
	v7 =	vshrl.u32 v23, $0xE;
	v28 =	vld.idx.msk [tilespmem:v5+s10+$0x0], $0xffff;
	(erf) = vpow2.f32 v47;
	v15 =	vadd.f32 v49, v15  }
0x5b: {  	[tilespmem:s15+$0xFFFFFFE0] =	vst v53;
	v18 =	vmax.f32 v18, v55;
	v23 =	vld.idx.msk [tilespmem:v54+s2+$0x0], $0xffff  }
0x5c: {  	v29 =	vpop (erf);
	v8 =	vshrl.u32 v25, $0xE;
	[tilespmem:v9+s12+$0x0] =	vst.idx.add.f32.msk $0xffff, v53;
	v30 =	vmul.f32 $2.000000030e-01, v15;
	v17 =	vadd.f32 v51, v17  }
0x5d: {  	[tilespmem:s15+$0xFFFFFFF0] =	vst v29;
	v18 =	vmul.f32 $1.442695020e+00, v18;
	v57 =	vld.idx.msk [tilespmem:v6+s10+$0x0], $0xffff  }
0x5e: {  	[tilespmem:v10+s12+$0x0] =	vst.idx.add.f32.msk $0xffff, v29;
	v56 =	vpop (erf);
	v16 =	vadd.f32 v27, v16;
	v15 =	vmax.f32 v15, v30;
	v59 =	vmul.f32 $2.000000030e-01, v17  }
0x5f: {  	(erf) = vpow2.f32 v18;
	v60 =	vld.idx.msk [tilespmem:v7+s10+$0x0], $0xffff;
	[tilespmem:s15+$0xFFFFFFC0] =	vst v56;
	v15 =	vmul.f32 $1.442695020e+00, v15  }
0x60: {  	v61 =	vadd.f32 v28, v52;
	v58 =	vpop (erf);
	[tilespmem:v14+s12+$0x0] =	vst.idx.add.f32.msk $0xffff, v56;
	v62 =	vmul.f32 $2.000000030e-01, v16;
	v17 =	vmax.f32 v17, v59  }
0x61: {  	v63 =	vld.idx.msk [tilespmem:v8+s10+$0x0], $0xffff;
	[tilespmem:s15+$0x0] =	vst v58;
	v17 =	vmul.f32 $1.442695020e+00, v17;
	(erf) = vpow2.f32 v15  }
0x62: {  	v14 =	vmul.f32 $2.000000030e-01, v61;
	v31 =	vpop (erf);
	[tilespmem:v11+s12+$0x0] =	vst.idx.add.f32.msk $0xffff, v58;
	v15 =	vmax.f32 v16, v62;
	v16 =	vadd.f32 v57, v20  }
0x63: {  	[tilespmem:s15+$0x10] =	vst v31;
	v32 =	vpop (erf);
	v9 =	vmul.f32 $1.442695020e+00, v15;
	(erf) = vpow2.f32 v17  }
0x64: {  	v14 =	vmax.f32 v61, v14;
	v10 =	vadd.f32 v60, v26;
	[tilespmem:s15+$0x20] =	vst v32;
	v15 =	vmul.f32 $2.000000030e-01, v16  }
0x65: {  	v14 =	vmul.f32 $1.442695020e+00, v14;
	[tilespmem:v12+s12+$0x0] =	vst.idx.add.f32.msk $0xffff, v31;
	(erf) = vpow2.f32 v9  }
0x66: {  	s17 =	simm.s32 $0x7940;
	s16 =	simm.s32 $0x80;
	v11 =	vadd.f32 v63, v23;
	v12 =	vmul.f32 $2.000000030e-01, v10;
	[tilespmem:v13+s12+$0x0] =	vst.idx.add.f32.msk $0xffff, v32;
	v15 =	vmax.f32 v16, v15  }
.LBB2_4:
0x67: {  	v13 =	vld [tilespmem:s17+$0x30];
	v15 =	vmul.f32 $1.442695020e+00, v15;
	(erf) = vpow2.f32 v14;
	v9 =	vmov v8  }
0x68: {  	s15 =	sadd.s32 $0x80, s15;
	v8 =	vld [tilespmem:s17+$0xFFFFFFD0];
	v10 =	vmax.f32 v10, v12;
	v17 =	vmul.f32 $2.000000030e-01, v11;
	v14 =	vpop (erf)  }
0x69: {  	s16 =	sadd.s32 $0x80, s16;
	v16 =	vld [tilespmem:s17+$0xFFFFFFE0];
	v10 =	vmul.f32 $1.442695020e+00, v10;
	[tilespmem:s15+$0x30] =	vst v14;
	(erf) = vpow2.f32 v15  }
0x6a: {  	p0 =	slt.u32 s16, $0x4D80;
	v11 =	vmax.f32 v11, v17;
	[tilespmem:v4+s12+$0x0] =	vst.idx.add.f32.msk $0xffff, v14;
	v12 =	vpop (erf)  }
0x6b: {  	v14 =	vld [tilespmem:s17+$0xFFFFFFF0];
	[tilespmem:s15+$0xFFFFFFD0] =	vst v12;
	v11 =	vmul.f32 $1.442695020e+00, v11;
	(erf) = vpow2.f32 v10  }
0x6c: {  	v10 =	vld [tilespmem:s17+$0x0];
	v15 =	vand.u32 $0x3FFF, v13;
	v17 =	vpop (erf)  }
0x6d: {  	v4 =	vshrl.u32 v13, $0xE;
	v18 =	vshrl.u32 v8, $0xE;
	v8 =	vand.u32 $0x3FFF, v8;
	v19 =	vld [tilespmem:s17+$0x10];
	[tilespmem:s15+$0xFFFFFFE0] =	vst v17  }
0x6e: {  	v13 =	vshrl.u32 v16, $0xE;
	v16 =	vand.u32 $0x3FFF, v16;
	v20 =	vld [tilespmem:s17+$0x20];
	v21 =	vpop (erf);
	(erf) = vpow2.f32 v11  }
0x6f: {  	v11 =	vld [tilespmem:s17+$0xFFFFFFC0];
	[tilespmem:s15+$0xFFFFFFF0] =	vst v21  }
0x70: {  	v22 =	vshrl.u32 v14, $0xE;
	v14 =	vand.u32 $0x3FFF, v14;
	[tilespmem:v1+s12+$0x0] =	vst.idx.add.f32.msk $0xffff, v12;
	v12 =	vpop (erf);
	v1 =	vmov v18  }
0x71: {  	v23 =	vshrl.u32 v10, $0xE;
	v10 =	vand.u32 $0x3FFF, v10;
	v15 =	vld.idx.msk [tilespmem:v15+s2+$0x0], $0xffff;
	[tilespmem:s15+$0xFFFFFFC0] =	vst v12  }
0x72: {  	v24 =	vshrl.u32 v19, $0xE;
	v19 =	vand.u32 $0x3FFF, v19;
	v25 =	vld.idx.msk [tilespmem:v4+s10+$0x0], $0xffff;
	v26 =	vpop (erf)  }
0x73: {  	v27 =	vld.idx.msk [tilespmem:v8+s2+$0x0], $0xffff;
	v8 =	vshrl.u32 v20, $0xE;
	v20 =	vand.u32 $0x3FFF, v20;
	[tilespmem:s15+$0x0] =	vst v26  }
0x74: {  	v28 =	vshrl.u32 v11, $0xE;
	v11 =	vand.u32 $0x3FFF, v11;
	v18 =	vld.idx.msk [tilespmem:v18+s10+$0x0], $0xffff;
	v29 =	vpop (erf)  }
0x75: {  	v16 =	vld.idx.msk [tilespmem:v16+s2+$0x0], $0xffff;
	[tilespmem:s15+$0x10] =	vst v29  }
0x76: {  	v30 =	vld.idx.msk [tilespmem:v13+s10+$0x0], $0xffff  }
0x77: {  	v14 =	vld.idx.msk [tilespmem:v14+s2+$0x0], $0xffff;
	v31 =	vpop (erf)  }
0x78: {  	v15 =	vadd.f32 v25, v15;
	v32 =	vld.idx.msk [tilespmem:v22+s10+$0x0], $0xffff;
	[tilespmem:s15+$0x20] =	vst v31  }
0x79: {  	v11 =	vld.idx.msk [tilespmem:v11+s2+$0x0], $0xffff  }
0x7a: {  	v18 =	vadd.f32 v18, v27;
	v27 =	vmul.f32 $2.000000030e-01, v15;
	v25 =	vld.idx.msk [tilespmem:v28+s10+$0x0], $0xffff  }
0x7b: {  	v10 =	vld.idx.msk [tilespmem:v10+s2+$0x0], $0xffff  }
0x7c: {  	v33 =	vmul.f32 $2.000000030e-01, v18;
	v16 =	vadd.f32 v30, v16;
	v15 =	vmax.f32 v15, v27;
	v30 =	vld.idx.msk [tilespmem:v23+s10+$0x0], $0xffff  }
0x7d: {  	v15 =	vmul.f32 $1.442695020e+00, v15;
	v19 =	vld.idx.msk [tilespmem:v19+s2+$0x0], $0xffff  }
0x7e: {  	v18 =	vmax.f32 v18, v33;
	v27 =	vmul.f32 $2.000000030e-01, v16;
	v14 =	vadd.f32 v32, v14;
	v32 =	vld.idx.msk [tilespmem:v24+s10+$0x0], $0xffff  }
0x7f: {  	v18 =	vmul.f32 $1.442695020e+00, v18;
	v20 =	vld.idx.msk [tilespmem:v20+s2+$0x0], $0xffff;
	(erf) = vpow2.f32 v15  }
0x80: {  	v11 =	vadd.f32 v25, v11;
	v15 =	vmax.f32 v16, v27;
	v16 =	vmul.f32 $2.000000030e-01, v14;
	v25 =	vld.idx.msk [tilespmem:v8+s10+$0x0], $0xffff  }
0x81: {  	v15 =	vmul.f32 $1.442695020e+00, v15;
	(erf) = vpow2.f32 v18;
	[tilespmem:v5+s12+$0x0] =	vst.idx.add.f32.msk $0xffff, v12;
	v5 =	vmov v28  }
.Ltmp1:
0x82: {  	v12 =	vmul.f32 $2.000000030e-01, v11;
	v14 =	vmax.f32 v14, v16;
	v16 =	vadd.f32 v30, v10;
	[tilespmem:v2+s12+$0x0] =	vst.idx.add.f32.msk $0xffff, v17;
	(pc) =	sbr.rel @p0 .LBB2_4-.Ltmp1, $4  }
0x83: {  	v17 =	vmul.f32 $1.442695020e+00, v14;
	v2 =	vmovc v13;
	(erf) = vpow2.f32 v15;
	[tilespmem:v3+s12+$0x0] =	vst.idx.add.f32.msk $0xffff, v21;
	v3 =	vmov v22  }
0x84: {  	v11 =	vmax.f32 v11, v12;
	v12 =	vmul.f32 $2.000000030e-01, v16;
	v10 =	vadd.f32 v32, v19;
	[tilespmem:v6+s12+$0x0] =	vst.idx.add.f32.msk $0xffff, v26  }
0x85: {  	v14 =	vmul.f32 $1.442695020e+00, v11;
	v6 =	vmovc v23;
	(erf) = vpow2.f32 v17;
	[tilespmem:v7+s12+$0x0] =	vst.idx.add.f32.msk $0xffff, v29;
	v7 =	vmov v24  }
0x86: {  	s17 =	sadd.s32 $0x80, s17;
	v15 =	vmax.f32 v16, v12;
	v12 =	vmul.f32 $2.000000030e-01, v10;
	v11 =	vadd.f32 v25, v20;
	[tilespmem:v9+s12+$0x0] =	vst.idx.add.f32.msk $0xffff, v31  }
0x87: {  	_ = 	snop  }
0x88: {  	v56 =	vmul.f32 $1.442695020e+00, v15;
	(erf) = vpow2.f32 v14  }
0x89: {  	s15 =	sadd.s32 $0x80, s15;
	v9 =	vmul.f32 $2.000000030e-01, v11;
	v10 =	vmax.f32 v10, v12;
	v57 =	vpop (erf)  }
0x8a: {  	v10 =	vmul.f32 $1.442695020e+00, v10;
	(erf) = vpow2.f32 v56;
	[tilespmem:s15+$0x30] =	vst v57  }
0x8b: {  	v9 =	vmax.f32 v11, v9;
	v58 =	vpop (erf);
	[tilespmem:v4+s12+$0x0] =	vst.idx.add.f32.msk $0xffff, v57  }
0x8c: {  	v9 =	vmul.f32 $1.442695020e+00, v9;
	(erf) = vpow2.f32 v10;
	[tilespmem:s15+$0xFFFFFFD0] =	vst v58  }
0x8d: {  	v59 =	vpop (erf);
	[tilespmem:v1+s12+$0x0] =	vst.idx.add.f32.msk $0xffff, v58  }
0x8e: {  	(erf) = vpow2.f32 v9;
	[tilespmem:s15+$0xFFFFFFE0] =	vst v59  }
0x8f: {  	v60 =	vpop (erf);
	[tilespmem:v2+s12+$0x0] =	vst.idx.add.f32.msk $0xffff, v59  }
0x90: {  	[tilespmem:s15+$0xFFFFFFF0] =	vst v60  }
0x91: {  	v1 =	vpop (erf);
	[tilespmem:v3+s12+$0x0] =	vst.idx.add.f32.msk $0xffff, v60  }
0x92: {  	[tilespmem:s15+$0xFFFFFFC0] =	vst v1  }
0x93: {  	v61 =	vpop (erf);
	[tilespmem:v5+s12+$0x0] =	vst.idx.add.f32.msk $0xffff, v1  }
0x94: {  	[tilespmem:s15+$0x0] =	vst v61  }
0x95: {  	v62 =	vpop (erf);
	[tilespmem:v6+s12+$0x0] =	vst.idx.add.f32.msk $0xffff, v61  }
0x96: {  	[tilespmem:s15+$0x10] =	vst v62  }
0x97: {  	v63 =	vpop (erf);
	[tilespmem:v7+s12+$0x0] =	vst.idx.add.f32.msk $0xffff, v62  }
0x98: {  	[tilespmem:s15+$0x20] =	vst v63  }
0x99: {  	s16 =	simm.s32 $0x4DF0;
	s17 =	simm.s32 $0x11440;
	s15 =	simm.s32 $0xC600;
	[tilespmem:v8+s12+$0x0] =	vst.idx.add.f32.msk $0xffff, v63  }
.LBB2_6:
0x9a: {  	v1 =	vld [tilespmem:s15+$0x0];
	_ =	sdelay $0x4  }
0x9b: {  	v2 =	vand.u32 $0x3FFF, v1  }
0x9c: {  	v1 =	vshrl.u32 v1, $0xE;
	_ =	sdelay $0x3  }
0x9d: {  	v2 =	vld.idx.msk [tilespmem:v2+s2+$0x0], $0xffff  }
0x9e: {  	v3 =	vld.idx.msk [tilespmem:v1+s10+$0x0], $0xffff;
	_ =	sdelay $0x4  }
0x9f: {  	v2 =	vadd.f32 v3, v2;
	_ =	sdelay $0x1  }
0xa0: {  	v3 =	vmul.f32 $2.000000030e-01, v2;
	_ =	sdelay $0x1  }
0xa1: {  	v2 =	vmax.f32 v2, v3  }
0xa2: {  	v2 =	vmul.f32 $1.442695020e+00, v2;
	_ =	sdelay $0x1  }
0xa3: {  	(erf) = vpow2.f32 v2;
	_ =	sdelay $0x4  }
0xa4: {  	s16 =	sadd.s32 $0x10, s16  }
0xa5: {  	p0 =	slt.u32 s16, $0x4E30  }
.Ltmp2:
0xa6: {  	_ = 	snop;
	(pc) =	sbr.rel @p0 .LBB2_6-.Ltmp2, $4  }
0xa7: {  	_ = 	snop  }
0xa8: {  	v2 =	vpop (erf)  }
0xa9: {  	[tilespmem:s17+$0x0] =	vst v2  }
0xaa: {  	s15 =	sadd.s32 $0x10, s15;
	s17 =	sadd.s32 $0x10, s17;
	[tilespmem:v1+s12+$0x0] =	vst.idx.add.f32.msk $0xffff, v2  }
0xab: {  	[hbm4b:s6+s2] =	stream.linear.scatter [tilespmem:s13], [sflag:$0x1], $0x4E40, $0x38;
	[tilespmem:$0x11480] =	vst v63  }
0xac: {  	s14 =	sadd.s32 $0x1, s14;
	_ =	swait.ge [sflag:s9], $0x4E40  }
0xad: {  	p0 =	sne.s32 s14, s8;
	[sflag:s9] =	ssyncset.done $0x0  }
.Ltmp3:
0xae: {  	[sflag:s9] =	ssyncadd.s32 $0xFFFFB1C0;
	(pc) =	sbr.rel @p0 .LBB2_1-.Ltmp3, $4  }
0xaf: {  	[hbm4b:s7+s2] =	stream.linear.scatter [tilespmem:s12], [sflag:$0x1], $0x2800, $0x38;
	[tilespmem:$0x11480] =	vst v63  }
0xb0: {  	_ =	swait.ge [sflag:s9], $0x2800  }
0xb1: {  	[sflag:s9] =	ssyncset.done $0x0  }
0xb2: {  	[sflag:s9] =	ssyncadd.s32 $0xFFFFD800  }
0xb3: {  	_ =	sfence.sel $0x180000  }
0xb4: {  	[bflag:$0x0] =	sbarrier.arrive $0xFFFF  }
0xb5: {  	p0 =	sne.s32 s0, $0x0;
	_ =	strace $0x90000047  }
0xb6: {  	s0 =	sadd.s32 @!p0 $0x100000, s1;
	[bflag:$0x2] =	sbarrier.arrive $0xFFFF  }
0xb7: {  	[sflag:s0] =	ssyncadd.tile.s32 @!p0 $0x1;
	_ =	shalt  }
.Lfunc_end2:
_tile_overlayer_lowered:
.L_overlay_start_2:
0xb8: {  	(tag) =	ssettag $0x2  }
0xb9: {  	s0 =	rddreg [dreg:$0x0];
	s2 =	stileid.u32  }
0xba: {  	s1 =	rddreg [dreg:$0x1];
	p0 =	sne.s32 s2, $0x0  }
0xbb: {  	s3 =	rddreg [dreg:$0x2];
	[bflag:$0x3] =	sbarrier.arrive $0xFFFF;
	s2 =	simm.s32 @!p0 $0x1C01  }
0xbc: {  	[timem:s3], [sflag:s2] =	dma.local @!p0 [hbm:s0], s1  }
0xbd: {  	s0 =	simm.s32 @!p0 $0x1  }
0xbe: {  	_ =	swait.ge @!p0 [sflag:s0], s1  }
0xbf: {  	s1 =	ssub.s32 @!p0 $0x0, s1;
	[sflag:s0] =	ssyncset.done @!p0 $0x0  }
0xc0: {  	[sflag:s0] =	ssyncadd.s32 @!p0 s1  }
0xc1: {  	[bflag:$0x3] =	sbarrier.arrive $0xFFFF  }
0xc2: {  	_ =	shalt  }

</sc_bundles>
